<compile_context>
chip_gen: v7x
topology: tpu7x:2x2x1
jax: 0.10.2.dev20260603
libtpu: 0.0.44.dev20260713+nightly
codegen_flags: <defaults>
</compile_context>

<pallas_src>
import functools

import jax
import jax.numpy as jnp
from jax import lax
from jax.experimental import pallas as pl
from jax.experimental.pallas import tpu as pltpu
from jax.experimental.pallas import tpu_sc as plsc

B = 64
N = 8192
K = 256
L = 16
NBINS = 2048
CBINS = 128
ROWS_PER_W = 2
_INT_MIN = -(2**31)

_mesh = plsc.VectorSubcoreMesh(core_axis_name="c", subcore_axis_name="s")


@functools.partial(
    pl.kernel,
    mesh=_mesh,
    compiler_params=pltpu.CompilerParams(needs_layout_passes=False),
    out_type=jax.ShapeDtypeStruct((B, N), jnp.float32),
    scratch_types=[
        pltpu.VMEM((N,), jnp.float32),
        pltpu.VMEM((N,), jnp.float32),
        pltpu.VMEM((N,), jnp.int32),
        pltpu.VMEM((N,), jnp.float32),
        pltpu.VMEM((N,), jnp.float32),
        pltpu.VMEM((NBINS,), jnp.int32),
        pltpu.VMEM((CBINS,), jnp.int32),
        pltpu.VMEM((N + 2 * L,), jnp.int32),
        pltpu.VMEM((N + 2 * L,), jnp.int32),
        pltpu.VMEM((N + 2 * L,), jnp.int32),
        pltpu.VMEM((N + 2 * L,), jnp.int32),
        pltpu.SemaphoreType.DMA,
        pltpu.SemaphoreType.DMA,
        pltpu.SemaphoreType.DMA,
        pltpu.SemaphoreType.DMA,
    ],
)
def _topk_mask(
    score_hbm, out_hbm, rowf_a, rowf_b, keys, orow_a, orow_b, hist, hist2,
    ckeys, cidx, ckeys2, cidx2, sem_in_a, sem_in_b, sem_out_a, sem_out_b,
):
    wid = lax.axis_index("s") * 2 + lax.axis_index("c")
    lane = lax.iota(jnp.int32, L)
    zeros16 = jnp.zeros((L,), jnp.int32)
    ones16 = jnp.ones((L,), jnp.int32)

    def walk(href, nbins, kk, i0=0):

        def wcond(c):
            return c[1] == 0

        def wbody(c):
            i, found, j0, above, _cs, _rv = c
            v = href[pl.ds(nbins - L * (i + 1), L)]
            rv = lax.rev(v, (0,))
            cs = above + plsc.cumsum(rv)
            crossed = cs >= kk
            pc = plsc.all_reduce_population_count(crossed)
            pc0 = pc[0] if pc.ndim else pc
            jf = plsc.all_reduce_ffs(crossed)
            j = jf[0] if jf.ndim else jf
            hit = pc0 > 0
            return (
                i + 1,
                jnp.where(hit, 1, 0),
                jnp.where(hit, j, j0),
                jnp.where(hit, above, cs[L - 1]),
                jnp.where(hit, cs, _cs),
                jnp.where(hit, rv, _rv),
            )

        wi, _, wj, _, wcs, wrv = lax.while_loop(
            wcond, wbody, (jnp.int32(i0) + 0, 0, 0, 0, zeros16, zeros16)
        )
        bin_ = nbins - 1 - L * (wi - 1) - wj
        above = jnp.sum(jnp.where(lane == wj, wcs - wrv, 0))
        return bin_, above

    rowfs = (rowf_a, rowf_b)
    orows = (orow_a, orow_b)
    in_sems = (sem_in_a, sem_in_b)
    out_sems = (sem_out_a, sem_out_b)
    in_cps = [
        pltpu.async_copy(score_hbm.at[wid * ROWS_PER_W + r], rowfs[r], in_sems[r])
        for r in range(ROWS_PER_W)
    ]
    out_cps = []

    for r in range(ROWS_PER_W):
        row = wid * ROWS_PER_W + r
        rowf = rowfs[r]
        orow = orows[r]
        in_cps[r].wait()

        @plsc.parallel_loop(0, NBINS, L, unroll=8)
        def zh(i):
            hist[pl.ds(i, L)] = zeros16

        @plsc.parallel_loop(0, CBINS, L, unroll=8)
        def zc(i):
            hist2[pl.ds(i, L)] = zeros16

        def p1(i, mx):
            f = rowf[pl.ds(i, L)]
            bits = lax.bitcast_convert_type(f, jnp.int32)
            s = jnp.where(bits >= 0, bits, _INT_MIN - bits)
            keys[pl.ds(i, L)] = s
            plsc.addupdate_scatter(hist, [(s >> 21) + 1024], ones16)
            return jnp.maximum(mx, s)

        minv16 = jnp.full((L,), _INT_MIN, jnp.int32)
        mxv = plsc.parallel_loop(0, N, L, unroll=8, carry=minv16)(p1)
        max_bin = (jnp.max(mxv) >> 21) + 1024

        bb, above = walk(hist, NBINS, K, i0=(NBINS - 1 - max_bin) // L)
        k_rem = K - above

        def cp(i, off):
            s = keys[pl.ds(i, L)]
            m = ((s >> 21) + 1024) == bb
            plsc.store_compressed(ckeys.at[pl.ds(off, L)], s, mask=m)
            plsc.store_compressed(cidx.at[pl.ds(off, L)], lane + i, mask=m)
            pcv = plsc.all_reduce_population_count(m)
            return off + (pcv[0] if pcv.ndim else pcv)

        n = plsc.parallel_loop(0, N, L, unroll=4, carry=jnp.int32(0))(cp)
        ckeys[pl.ds(n, L)] = jnp.full((L,), _INT_MIN, jnp.int32)
        nv = (n + L - 1) // L

        def h2(i):
            s = ckeys[pl.ds(i, L)]
            plsc.addupdate_scatter(
                hist2, [(s >> 14) & 127], ones16, mask=s != _INT_MIN
            )

        plsc.parallel_loop(0, nv * L, L)(h2)
        sb, above2 = walk(hist2, CBINS, k_rem)
        k_rem2 = k_rem - above2

        def cp2(i, off):
            s = ckeys[pl.ds(i, L)]
            iv = cidx[pl.ds(i, L)]
            m = (((s >> 14) & 127) == sb) & (s != _INT_MIN)
            plsc.store_compressed(ckeys2.at[pl.ds(off, L)], s, mask=m)
            plsc.store_compressed(cidx2.at[pl.ds(off, L)], iv, mask=m)
            pcv = plsc.all_reduce_population_count(m)
            return off + (pcv[0] if pcv.ndim else pcv)

        n2 = plsc.parallel_loop(0, nv * L, L, carry=jnp.int32(0))(cp2)
        ckeys2[pl.ds(n2, L)] = jnp.full((L,), _INT_MIN, jnp.int32)
        nv2 = (n2 + L - 1) // L

        def rb(t, thr):
            cand = thr | (jnp.int32(1) << (13 - t))

            def cb_(i, acc):
                return acc + jnp.where(ckeys2[pl.ds(i, L)] >= cand, 1, 0)

            c = jnp.sum(plsc.parallel_loop(0, nv2 * L, L, carry=zeros16)(cb_))
            return jnp.where(c >= k_rem2, cand, thr)

        base2 = ((bb - 1024) << 21) | (sb << 14)
        big_t = lax.fori_loop(0, 14, rb, base2)

        def gb(i, acc):
            return acc + jnp.where(ckeys2[pl.ds(i, L)] > big_t, 1, 0)

        gt = jnp.sum(plsc.parallel_loop(0, nv2 * L, L, carry=zeros16)(gb))
        t_need = k_rem2 - gt

        def ib(t, ipfx):
            cand = ipfx + (jnp.int32(1) << (12 - t))

            def cb2(i, acc):
                s = ckeys2[pl.ds(i, L)]
                iv = cidx2[pl.ds(i, L)]
                return acc + jnp.where((s == big_t) & (iv < cand), 1, 0)

            c = jnp.sum(plsc.parallel_loop(0, nv2 * L, L, carry=zeros16)(cb2))
            return jnp.where(c < t_need, cand, ipfx)

        cstar = lax.fori_loop(0, 13, ib, jnp.int32(0))

        @plsc.parallel_loop(0, N, L, unroll=8)
        def ob(i):
            s = keys[pl.ds(i, L)]
            iv = lane + i
            m = (s > big_t) | ((s == big_t) & (iv <= cstar))
            orow[pl.ds(i, L)] = jnp.where(m, 1.0, 0.0)

        out_cps.append(pltpu.async_copy(orow, out_hbm.at[row], out_sems[r]))

    for cp in out_cps:
        cp.wait()


def kernel(score):
    return _topk_mask(score)

# --- scband reference (transcript-rebuilt; emitter-appended) ---
"""Pipeline reference for scband-selecter-topk-5205500362802 (READ-ONLY COPY).

The authoritative reference and input builder live on the scoring server;
editing this copy changes nothing except your own understanding.
"""

import jax, jax.numpy as jnp
import numpy as np

K = 256

def setup_inputs(seed: int = 0) -> dict:
    key = jax.random.key(seed)
    score = jax.random.normal(key, (64, 8192), dtype=jnp.float32)
    return {"score": score}

def reference(score):
    # SelecterTopk.forward with k=256, p=None:
    # result = zeros_like(score); scatter 1 at top-k indices along dim=1
    bsz, slen = score.shape
    _, top_indices = jax.lax.top_k(score, K)
    result = jnp.zeros_like(score)
    rows = jnp.arange(bsz)[:, None]
    result = result.at[rows, top_indices].set(1.0)
    return result

if __name__ == "__main__":
    import jax
    _d = setup_inputs()
    print(jax.jit(kernel)(*tuple(_d.values())))

</pallas_src>

<mosaic_0001>
#map = affine_map<(d0, d1) -> (0, 0)>
module attributes {stable_mosaic.version = 14 : i64} {
  func.func @_topk_mask(%arg0: i32, %arg1: i32, %arg2: memref<64x8192xf32, #tpu.memory_space<hbm>>, %arg3: memref<64x8192xf32, #tpu.memory_space<hbm>>, %arg4: memref<8192xf32, #tpu.memory_space<vmem>>, %arg5: memref<8192xf32, #tpu.memory_space<vmem>>, %arg6: memref<8192xi32, #tpu.memory_space<vmem>>, %arg7: memref<8192xf32, #tpu.memory_space<vmem>>, %arg8: memref<8192xf32, #tpu.memory_space<vmem>>, %arg9: memref<2048xi32, #tpu.memory_space<vmem>>, %arg10: memref<128xi32, #tpu.memory_space<vmem>>, %arg11: memref<8224xi32, #tpu.memory_space<vmem>>, %arg12: memref<8224xi32, #tpu.memory_space<vmem>>, %arg13: memref<8224xi32, #tpu.memory_space<vmem>>, %arg14: memref<8224xi32, #tpu.memory_space<vmem>>, %arg15: memref<!tpu.dma_semaphore, #tpu.memory_space<semaphore_mem>>, %arg16: memref<!tpu.dma_semaphore, #tpu.memory_space<semaphore_mem>>, %arg17: memref<!tpu.dma_semaphore, #tpu.memory_space<semaphore_mem>>, %arg18: memref<!tpu.dma_semaphore, #tpu.memory_space<semaphore_mem>>) attributes {dimension_semantics = [#tpu.dimension_semantics<core_parallel>, #tpu.dimension_semantics<subcore_parallel>], iteration_bounds = array<i64: 2, 16>, scalar_prefetch = 0 : i64, scratch_operands = 15 : i64, tpu.core_type = #tpu.core_type<sc_vector_subcore>, window_params = [{transform_indices = #map}, {transform_indices = #map}]} {
    %mul3A = arith.constant 2 : i32
    %mul3A_0 = arith.muli %arg1, %mul3A : i32
    %add3A = arith.addi %mul3A_0, %arg0 : i32
    %iota3A = tpu.iota {dimensions = array<i32: 0>} : vector<16xi32>
    %broadcast_in_dim3A = arith.constant 0 : i32
    %broadcast_in_dim3A_1 = vector.broadcast %broadcast_in_dim3A : i32 to vector<16xi32>
    %broadcast_in_dim3A_2 = arith.constant 1 : i32
    %broadcast_in_dim3A_3 = vector.broadcast %broadcast_in_dim3A_2 : i32 to vector<16xi32>
    %mul3A_4 = arith.constant 2 : i32
    %mul3A_5 = arith.muli %add3A, %mul3A_4 : i32
    %add3A_6 = arith.constant 0 : i32
    %add3A_7 = arith.addi %mul3A_5, %add3A_6 : i32
    %dma_start3A = arith.constant 0 : i32
    %dma_start3A_8 = tpu.memref_slice %arg2[%add3A_7, %dma_start3A] : memref<64x8192xf32, #tpu.memory_space<hbm>> -> memref<1x8192xf32, #tpu.memory_space<hbm>>
    %dma_start3A_9 = tpu.memref_squeeze %dma_start3A_8 : memref<1x8192xf32, #tpu.memory_space<hbm>> -> memref<8192xf32, #tpu.memory_space<hbm>>
    %dma_start3A_10 = arith.constant 0 : i32
    %dma_start3A_11 = tpu.memref_slice %arg2[%add3A_7, %dma_start3A_10] : memref<64x8192xf32, #tpu.memory_space<hbm>> -> memref<1x8192xf32, #tpu.memory_space<hbm>>
    %dma_start3A_12 = tpu.memref_squeeze %dma_start3A_11 : memref<1x8192xf32, #tpu.memory_space<hbm>> -> memref<8192xf32, #tpu.memory_space<hbm>>
    tpu.enqueue_dma source(%dma_start3A_12 : memref<8192xf32, #tpu.memory_space<hbm>>) target(%arg4 : memref<8192xf32, #tpu.memory_space<vmem>>) target_semaphore(%arg15 : memref<!tpu.dma_semaphore, #tpu.memory_space<semaphore_mem>>)
    %mul3A_13 = arith.constant 2 : i32
    %mul3A_14 = arith.muli %add3A, %mul3A_13 : i32
    %add3A_15 = arith.constant 1 : i32
    %add3A_16 = arith.addi %mul3A_14, %add3A_15 : i32
    %dma_start3A_17 = arith.constant 0 : i32
    %dma_start3A_18 = tpu.memref_slice %arg2[%add3A_16, %dma_start3A_17] : memref<64x8192xf32, #tpu.memory_space<hbm>> -> memref<1x8192xf32, #tpu.memory_space<hbm>>
    %dma_start3A_19 = tpu.memref_squeeze %dma_start3A_18 : memref<1x8192xf32, #tpu.memory_space<hbm>> -> memref<8192xf32, #tpu.memory_space<hbm>>
    %dma_start3A_20 = arith.constant 0 : i32
    %dma_start3A_21 = tpu.memref_slice %arg2[%add3A_16, %dma_start3A_20] : memref<64x8192xf32, #tpu.memory_space<hbm>> -> memref<1x8192xf32, #tpu.memory_space<hbm>>
    %dma_start3A_22 = tpu.memref_squeeze %dma_start3A_21 : memref<1x8192xf32, #tpu.memory_space<hbm>> -> memref<8192xf32, #tpu.memory_space<hbm>>
    tpu.enqueue_dma source(%dma_start3A_22 : memref<8192xf32, #tpu.memory_space<hbm>>) target(%arg5 : memref<8192xf32, #tpu.memory_space<vmem>>) target_semaphore(%arg16 : memref<!tpu.dma_semaphore, #tpu.memory_space<semaphore_mem>>)
    %mul3A_23 = arith.constant 2 : i32
    %mul3A_24 = arith.muli %add3A, %mul3A_23 : i32
    %add3A_25 = arith.constant 0 : i32
    %add3A_26 = arith.addi %mul3A_24, %add3A_25 : i32
    %dma_wait3A = arith.constant 0 : i32
    %dma_wait3A_27 = tpu.memref_slice %arg2[%add3A_7, %dma_wait3A] : memref<64x8192xf32, #tpu.memory_space<hbm>> -> memref<1x8192xf32, #tpu.memory_space<hbm>>
    %dma_wait3A_28 = tpu.memref_squeeze %dma_wait3A_27 : memref<1x8192xf32, #tpu.memory_space<hbm>> -> memref<8192xf32, #tpu.memory_space<hbm>>
    %dma_wait3A_29 = arith.constant 0 : i32
    %dma_wait3A_30 = tpu.memref_slice %arg2[%add3A_7, %dma_wait3A_29] : memref<64x8192xf32, #tpu.memory_space<hbm>> -> memref<1x8192xf32, #tpu.memory_space<hbm>>
    %dma_wait3A_31 = tpu.memref_squeeze %dma_wait3A_30 : memref<1x8192xf32, #tpu.memory_space<hbm>> -> memref<8192xf32, #tpu.memory_space<hbm>>
    tpu.wait_dma2 semaphore(%arg15 : memref<!tpu.dma_semaphore, #tpu.memory_space<semaphore_mem>>) src(%dma_wait3A_31 : memref<8192xf32, #tpu.memory_space<hbm>>) dst(%arg4 : memref<8192xf32, #tpu.memory_space<vmem>>)
    %parallel_loop3A = arith.constant 0 : i32
    %parallel_loop3A_32 = arith.constant 2048 : i32
    %parallel_loop3A_33 = arith.constant 16 : i32
    scf.for %parallel_loop3A_472 = %parallel_loop3A to %parallel_loop3A_32 step %parallel_loop3A_33  : i32 {
      %parallel_loop3A_473 = arith.index_cast %parallel_loop3A_472 : i32 to index
      %parallel_loop3A_474 = tpu.vector_load %arg9[%parallel_loop3A_473] {strides = array<i32>} : memref<2048xi32, #tpu.memory_space<vmem>>, vector<16xi32>,
      tpu.vector_store %arg9[%parallel_loop3A_473], %broadcast_in_dim3A_1 {strides = array<i32>} : memref<2048xi32, #tpu.memory_space<vmem>>, vector<16xi32>,
    } {sc.loop_unroll_factor = 8 : i64, sc.parallel_access}
    %parallel_loop3A_34 = arith.constant 0 : i32
    %parallel_loop3A_35 = arith.constant 128 : i32
    %parallel_loop3A_36 = arith.constant 16 : i32
    scf.for %parallel_loop3A_472 = %parallel_loop3A_34 to %parallel_loop3A_35 step %parallel_loop3A_36  : i32 {
      %parallel_loop3A_473 = arith.index_cast %parallel_loop3A_472 : i32 to index
      %parallel_loop3A_474 = tpu.vector_load %arg10[%parallel_loop3A_473] {strides = array<i32>} : memref<128xi32, #tpu.memory_space<vmem>>, vector<16xi32>,
      tpu.vector_store %arg10[%parallel_loop3A_473], %broadcast_in_dim3A_1 {strides = array<i32>} : memref<128xi32, #tpu.memory_space<vmem>>, vector<16xi32>,
    } {sc.loop_unroll_factor = 8 : i64, sc.parallel_access}
    %broadcast_in_dim3A_37 = arith.constant -2147483648 : i32
    %broadcast_in_dim3A_38 = vector.broadcast %broadcast_in_dim3A_37 : i32 to vector<16xi32>
    %parallel_loop3A_39 = arith.constant 0 : i32
    %parallel_loop3A_40 = arith.constant 8192 : i32
    %parallel_loop3A_41 = arith.constant 16 : i32
    %parallel_loop3A_42 = scf.for %parallel_loop3A_472 = %parallel_loop3A_39 to %parallel_loop3A_40 step %parallel_loop3A_41 iter_args(%parallel_loop3A_473 = %broadcast_in_dim3A_38) -> (vector<16xi32>)  : i32 {
      %parallel_loop3A_474 = arith.index_cast %parallel_loop3A_472 : i32 to index
      %parallel_loop3A_475 = tpu.vector_load %arg4[%parallel_loop3A_474] {strides = array<i32>} : memref<8192xf32, #tpu.memory_space<vmem>>, vector<16xf32>,
      %parallel_loop3A_476 = tpu.bitcast %parallel_loop3A_475 : vector<16xf32> -> vector<16xi32>
      %parallel_loop3A_477 = arith.constant 0 : i32
      %parallel_loop3A_478 = vector.broadcast %parallel_loop3A_477 : i32 to vector<16xi32>
      %parallel_loop3A_479 = arith.cmpi sge, %parallel_loop3A_476, %parallel_loop3A_478 : vector<16xi32>
      %parallel_loop3A_480 = arith.constant -2147483648 : i32
      %parallel_loop3A_481 = vector.broadcast %parallel_loop3A_480 : i32 to vector<16xi32>
      %parallel_loop3A_482 = arith.subi %parallel_loop3A_481, %parallel_loop3A_476 : vector<16xi32>
      %parallel_loop3A_483 = arith.select %parallel_loop3A_479, %parallel_loop3A_476, %parallel_loop3A_482 : vector<16xi1>, vector<16xi32>
      %parallel_loop3A_484 = arith.index_cast %parallel_loop3A_472 : i32 to index
      %parallel_loop3A_485 = tpu.vector_load %arg6[%parallel_loop3A_484] {strides = array<i32>} : memref<8192xi32, #tpu.memory_space<vmem>>, vector<16xi32>,
      tpu.vector_store %arg6[%parallel_loop3A_484], %parallel_loop3A_483 {strides = array<i32>} : memref<8192xi32, #tpu.memory_space<vmem>>, vector<16xi32>,
      %parallel_loop3A_486 = arith.constant 21 : i32
      %parallel_loop3A_487 = vector.broadcast %parallel_loop3A_486 : i32 to vector<16xi32>
      %parallel_loop3A_488 = arith.shrsi %parallel_loop3A_483, %parallel_loop3A_487 : vector<16xi32>
      %parallel_loop3A_489 = arith.constant 1024 : i32
      %parallel_loop3A_490 = vector.broadcast %parallel_loop3A_489 : i32 to vector<16xi32>
      %parallel_loop3A_491 = arith.addi %parallel_loop3A_488, %parallel_loop3A_490 : vector<16xi32>
      tpu.vector_store_idx %arg9[%parallel_loop3A_491], %broadcast_in_dim3A_3 {add = true} : memref<2048xi32, #tpu.memory_space<vmem>>[vector<16xi32>], vector<16xi32>,
      %parallel_loop3A_492 = arith.maxsi %parallel_loop3A_473, %parallel_loop3A_483 : vector<16xi32>
      scf.yield %parallel_loop3A_492 : vector<16xi32>
    } {sc.loop_unroll_factor = 8 : i64, sc.parallel_access}
    %reduce_max3A = arith.constant true
    %reduce_max3A_43 = vector.broadcast %reduce_max3A : i1 to vector<16xi1>
    %reduce_max3A_44 = arith.constant -2147483648 : i32
    %reduce_max3A_45 = vector.broadcast %reduce_max3A_44 : i32 to vector<16xi32>
    %reduce_max3A_46 = arith.xori %parallel_loop3A_42, %reduce_max3A_45 : vector<16xi32>
    %reduce_max3A_47 = tpu.scan <max>, %reduce_max3A_46 masked %reduce_max3A_43 : vector<16xi32>, vector<16xi1> -> vector<16xi32>
    %reduce_max3A_48 = arith.xori %reduce_max3A_47, %reduce_max3A_45 : vector<16xi32>
    %reduce_max3A_49 = vector.extract %reduce_max3A_48[15] : i32 from vector<16xi32>
    %shift_right_arithmetic3A = arith.constant 21 : i32
    %shift_right_arithmetic3A_50 = arith.shrsi %reduce_max3A_49, %shift_right_arithmetic3A : i32
    %add3A_51 = arith.constant 1024 : i32
    %add3A_52 = arith.addi %shift_right_arithmetic3A_50, %add3A_51 : i32
    %sub3A = arith.constant 2047 : i32
    %sub3A_53 = arith.subi %sub3A, %add3A_52 : i32
    %jit3A = arith.constant 16 : i32
    %div3A = arith.divsi %sub3A_53, %jit3A : i32
    %sign3A = arith.constant 0 : i32
    %sign3A_54 = arith.cmpi sgt, %sub3A_53, %sign3A : i32
    %sign3A_55 = arith.extui %sign3A_54 : i1 to i32
    %sign3A_56 = arith.constant 0 : i32
    %sign3A_57 = arith.cmpi slt, %sub3A_53, %sign3A_56 : i32
    %sign3A_58 = arith.extui %sign3A_57 : i1 to i32
    %sign3A_59 = arith.subi %sign3A_55, %sign3A_58 : i32
    %sign3A_60 = arith.constant 0 : i32
    %sign3A_61 = arith.cmpi sgt, %jit3A, %sign3A_60 : i32
    %sign3A_62 = arith.extui %sign3A_61 : i1 to i32
    %sign3A_63 = arith.constant 0 : i32
    %sign3A_64 = arith.cmpi slt, %jit3A, %sign3A_63 : i32
    %sign3A_65 = arith.extui %sign3A_64 : i1 to i32
    %sign3A_66 = arith.subi %sign3A_62, %sign3A_65 : i32
    %ne3A = arith.cmpi ne, %sign3A_59, %sign3A_66 : i32
    %rem3A = arith.remsi %sub3A_53, %jit3A : i32
    %ne3A_67 = arith.constant 0 : i32
    %ne3A_68 = arith.cmpi ne, %rem3A, %ne3A_67 : i32
    %and3A = arith.andi %ne3A, %ne3A_68 : i1
    %sub3A_69 = arith.constant 1 : i32
    %sub3A_70 = arith.subi %div3A, %sub3A_69 : i32
    %select_n3A = arith.select %and3A, %sub3A_70, %div3A : i32
    %add3A_71 = arith.constant 0 : i32
    %add3A_72 = arith.addi %select_n3A, %add3A_71 : i32
    %while3A = arith.constant 0 : i32
    %while3A_73 = arith.constant 0 : i32
    %while3A_74 = arith.constant 0 : i32
    %while3A_75:6 = scf.while (%while3A_472 = %add3A_72, %while3A_473 = %while3A, %while3A_474 = %while3A_73, %while3A_475 = %while3A_74, %while3A_476 = %broadcast_in_dim3A_1, %while3A_477 = %broadcast_in_dim3A_1) : (i32, i32, i32, i32, vector<16xi32>, vector<16xi32>) -> (i32, i32, i32, i32, vector<16xi32>, vector<16xi32>) {
      %eq3A_478 = arith.constant 0 : i32
      %eq3A_479 = arith.cmpi eq, %while3A_473, %eq3A_478 : i32
      scf.condition(%eq3A_479) %while3A_472, %while3A_473, %while3A_474, %while3A_475, %while3A_476, %while3A_477 : i32, i32, i32, i32, vector<16xi32>, vector<16xi32>
    } do {
    ^bb0(%while3A_472: i32, %while3A_473: i32, %while3A_474: i32, %while3A_475: i32, %while3A_476: vector<16xi32>, %while3A_477: vector<16xi32>):
      %add3A_478 = arith.constant 1 : i32
      %add3A_479 = arith.addi %while3A_472, %add3A_478 : i32
      %mul3A_480 = arith.constant 16 : i32
      %mul3A_481 = arith.muli %mul3A_480, %add3A_479 : i32
      %sub3A_482 = arith.constant 2048 : i32
      %sub3A_483 = arith.subi %sub3A_482, %mul3A_481 : i32
      %get3A = arith.index_cast %sub3A_483 : i32 to index
      %get3A_484 = tpu.vector_load %arg9[%get3A] {strides = array<i32>} : memref<2048xi32, #tpu.memory_space<vmem>>, vector<16xi32>,
      %rev3A = arith.constant 15 : i32
      %rev3A_485 = vector.broadcast %rev3A : i32 to vector<16xi32>
      %rev3A_486 = tpu.iota {dimensions = array<i32: 0>} : vector<16xi32>
      %rev3A_487 = arith.subi %rev3A_485, %rev3A_486 : vector<16xi32>
      %rev3A_488 = tpu.dynamic_gather %get3A_484[%rev3A_487] in [0] : vector<16xi32>, vector<16xi32> -> vector<16xi32>
      %broadcast_in_dim3A_489 = arith.constant true
      %broadcast_in_dim3A_490 = vector.broadcast %broadcast_in_dim3A_489 : i1 to vector<16xi1>
      %masked_cumsum3A = tpu.scan <sum>, %rev3A_488 masked %broadcast_in_dim3A_490 : vector<16xi32>, vector<16xi1> -> vector<16xi32>
      %add3A_491 = vector.broadcast %while3A_475 : i32 to vector<16xi32>
      %add3A_492 = arith.addi %add3A_491, %masked_cumsum3A : vector<16xi32>
      %ge3A = arith.constant 256 : i32
      %ge3A_493 = vector.broadcast %ge3A : i32 to vector<16xi32>
      %ge3A_494 = arith.cmpi sge, %add3A_492, %ge3A_493 : vector<16xi32>
      %all_reduce_population_count3A = tpu.all_reduce %ge3A_494 {dim = 0 : i64, kind = #tpu.reduction_kind<sum>} : vector<16xi1> -> vector<16xi32>
      %slice3A = vector.extract_strided_slice %all_reduce_population_count3A {offsets = [0], sizes = [1], strides = [1]} : vector<16xi32> to vector<1xi32>
      %squeeze3A = vector.extract %slice3A[0] : i32 from vector<1xi32>
      %all_reduce_ffs3A = tpu.all_reduce %ge3A_494 {dim = 0 : i64, kind = #tpu.reduction_kind<find_first_set>} : vector<16xi1> -> vector<16xi32>
      %slice3A_495 = vector.extract_strided_slice %all_reduce_ffs3A {offsets = [0], sizes = [1], strides = [1]} : vector<16xi32> to vector<1xi32>
      %squeeze3A_496 = vector.extract %slice3A_495[0] : i32 from vector<1xi32>
      %gt3A = arith.constant 0 : i32
      %gt3A_497 = arith.cmpi sgt, %squeeze3A, %gt3A : i32
      %add3A_498 = arith.constant 1 : i32
      %add3A_499 = arith.addi %while3A_472, %add3A_498 : i32
      %jit3A_500 = arith.constant 1 : i32
      %jit3A_501 = arith.constant 0 : i32
      %select_n3A_502 = arith.select %gt3A_497, %jit3A_500, %jit3A_501 : i32
      %select_n3A_503 = arith.select %gt3A_497, %squeeze3A_496, %while3A_474 : i32
      %slice3A_504 = vector.extract_strided_slice %add3A_492 {offsets = [15], sizes = [1], strides = [1]} : vector<16xi32> to vector<1xi32>
      %squeeze3A_505 = vector.extract %slice3A_504[0] : i32 from vector<1xi32>
      %select_n3A_506 = arith.select %gt3A_497, %while3A_475, %squeeze3A_505 : i32
      %select_n3A_507 = arith.select %gt3A_497, %add3A_492, %while3A_476 : vector<16xi32>
      %select_n3A_508 = arith.select %gt3A_497, %rev3A_488, %while3A_477 : vector<16xi32>
      scf.yield %add3A_499, %select_n3A_502, %select_n3A_503, %select_n3A_506, %select_n3A_507, %select_n3A_508 : i32, i32, i32, i32, vector<16xi32>, vector<16xi32>
    }
    %sub3A_76 = arith.constant 1 : i32
    %sub3A_77 = arith.subi %while3A_75#0, %sub3A_76 : i32
    %mul3A_78 = arith.constant 16 : i32
    %mul3A_79 = arith.muli %mul3A_78, %sub3A_77 : i32
    %sub3A_80 = arith.constant 2047 : i32
    %sub3A_81 = arith.subi %sub3A_80, %mul3A_79 : i32
    %sub3A_82 = arith.subi %sub3A_81, %while3A_75#2 : i32
    %eq3A = vector.broadcast %while3A_75#2 : i32 to vector<16xi32>
    %eq3A_83 = arith.cmpi eq, %iota3A, %eq3A : vector<16xi32>
    %sub3A_84 = arith.subi %while3A_75#4, %while3A_75#5 : vector<16xi32>
    %jit3A_85 = arith.constant 0 : i32
    %broadcast_in_dim3A_86 = vector.broadcast %jit3A_85 : i32 to vector<16xi32>
    %select_n3A_87 = arith.select %eq3A_83, %sub3A_84, %broadcast_in_dim3A_86 : vector<16xi1>, vector<16xi32>
    %reduce_sum3A = arith.constant true
    %reduce_sum3A_88 = vector.broadcast %reduce_sum3A : i1 to vector<16xi1>
    %reduce_sum3A_89 = tpu.scan <sum>, %select_n3A_87 masked %reduce_sum3A_88 : vector<16xi32>, vector<16xi1> -> vector<16xi32>
    %reduce_sum3A_90 = vector.extract %reduce_sum3A_89[15] : i32 from vector<16xi32>
    %sub3A_91 = arith.constant 256 : i32
    %sub3A_92 = arith.subi %sub3A_91, %reduce_sum3A_90 : i32
    %parallel_loop3A_93 = arith.constant 0 : i32
    %parallel_loop3A_94 = arith.constant 8192 : i32
    %parallel_loop3A_95 = arith.constant 16 : i32
    %parallel_loop3A_96 = arith.constant 0 : i32
    %parallel_loop3A_97 = scf.for %parallel_loop3A_472 = %parallel_loop3A_93 to %parallel_loop3A_94 step %parallel_loop3A_95 iter_args(%parallel_loop3A_473 = %parallel_loop3A_96) -> (i32)  : i32 {
      %parallel_loop3A_474 = arith.index_cast %parallel_loop3A_472 : i32 to index
      %parallel_loop3A_475 = tpu.vector_load %arg6[%parallel_loop3A_474] {strides = array<i32>} : memref<8192xi32, #tpu.memory_space<vmem>>, vector<16xi32>,
      %parallel_loop3A_476 = arith.constant 21 : i32
      %parallel_loop3A_477 = vector.broadcast %parallel_loop3A_476 : i32 to vector<16xi32>
      %parallel_loop3A_478 = arith.shrsi %parallel_loop3A_475, %parallel_loop3A_477 : vector<16xi32>
      %parallel_loop3A_479 = arith.constant 1024 : i32
      %parallel_loop3A_480 = vector.broadcast %parallel_loop3A_479 : i32 to vector<16xi32>
      %parallel_loop3A_481 = arith.addi %parallel_loop3A_478, %parallel_loop3A_480 : vector<16xi32>
      %parallel_loop3A_482 = vector.broadcast %sub3A_82 : i32 to vector<16xi32>
      %parallel_loop3A_483 = arith.cmpi eq, %parallel_loop3A_481, %parallel_loop3A_482 : vector<16xi32>
      %parallel_loop3A_484 = arith.index_cast %parallel_loop3A_473 : i32 to index
      %parallel_loop3A_485 = tpu.vector_load %arg11[%parallel_loop3A_484] masked %parallel_loop3A_483 {strides = array<i32>} : memref<8224xi32, #tpu.memory_space<vmem>>, vector<16xi32>, vector<16xi1>
      tpu.vector_store %arg11[%parallel_loop3A_484], %parallel_loop3A_475 masked %parallel_loop3A_483 {strides = array<i32>} : memref<8224xi32, #tpu.memory_space<vmem>>, vector<16xi32>, vector<16xi1>
      %parallel_loop3A_486 = vector.broadcast %parallel_loop3A_472 : i32 to vector<16xi32>
      %parallel_loop3A_487 = arith.addi %iota3A, %parallel_loop3A_486 : vector<16xi32>
      %parallel_loop3A_488 = arith.index_cast %parallel_loop3A_473 : i32 to index
      %parallel_loop3A_489 = tpu.vector_load %arg12[%parallel_loop3A_488] masked %parallel_loop3A_483 {strides = array<i32>} : memref<8224xi32, #tpu.memory_space<vmem>>, vector<16xi32>, vector<16xi1>
      tpu.vector_store %arg12[%parallel_loop3A_488], %parallel_loop3A_487 masked %parallel_loop3A_483 {strides = array<i32>} : memref<8224xi32, #tpu.memory_space<vmem>>, vector<16xi32>, vector<16xi1>
      %parallel_loop3A_490 = tpu.all_reduce %parallel_loop3A_483 {dim = 0 : i64, kind = #tpu.reduction_kind<sum>} : vector<16xi1> -> vector<16xi32>
      %parallel_loop3A_491 = vector.extract_strided_slice %parallel_loop3A_490 {offsets = [0], sizes = [1], strides = [1]} : vector<16xi32> to vector<1xi32>
      %parallel_loop3A_492 = vector.extract %parallel_loop3A_491[0] : i32 from vector<1xi32>
      %parallel_loop3A_493 = arith.addi %parallel_loop3A_473, %parallel_loop3A_492 : i32
      scf.yield %parallel_loop3A_493 : i32
    } {sc.loop_unroll_factor = 4 : i64, sc.parallel_access}
    %broadcast_in_dim3A_98 = arith.constant -2147483648 : i32
    %broadcast_in_dim3A_99 = vector.broadcast %broadcast_in_dim3A_98 : i32 to vector<16xi32>
    %swap3A = arith.index_cast %parallel_loop3A_97 : i32 to index
    %swap3A_100 = tpu.vector_load %arg11[%swap3A] {strides = array<i32>} : memref<8224xi32, #tpu.memory_space<vmem>>, vector<16xi32>,
    tpu.vector_store %arg11[%swap3A], %broadcast_in_dim3A_99 {strides = array<i32>} : memref<8224xi32, #tpu.memory_space<vmem>>, vector<16xi32>,
    %add3A_101 = arith.constant 16 : i32
    %add3A_102 = arith.addi %parallel_loop3A_97, %add3A_101 : i32
    %sub3A_103 = arith.constant 1 : i32
    %sub3A_104 = arith.subi %add3A_102, %sub3A_103 : i32
    %jit3A_105 = arith.constant 16 : i32
    %div3A_106 = arith.divsi %sub3A_104, %jit3A_105 : i32
    %sign3A_107 = arith.constant 0 : i32
    %sign3A_108 = arith.cmpi sgt, %sub3A_104, %sign3A_107 : i32
    %sign3A_109 = arith.extui %sign3A_108 : i1 to i32
    %sign3A_110 = arith.constant 0 : i32
    %sign3A_111 = arith.cmpi slt, %sub3A_104, %sign3A_110 : i32
    %sign3A_112 = arith.extui %sign3A_111 : i1 to i32
    %sign3A_113 = arith.subi %sign3A_109, %sign3A_112 : i32
    %sign3A_114 = arith.constant 0 : i32
    %sign3A_115 = arith.cmpi sgt, %jit3A_105, %sign3A_114 : i32
    %sign3A_116 = arith.extui %sign3A_115 : i1 to i32
    %sign3A_117 = arith.constant 0 : i32
    %sign3A_118 = arith.cmpi slt, %jit3A_105, %sign3A_117 : i32
    %sign3A_119 = arith.extui %sign3A_118 : i1 to i32
    %sign3A_120 = arith.subi %sign3A_116, %sign3A_119 : i32
    %ne3A_121 = arith.cmpi ne, %sign3A_113, %sign3A_120 : i32
    %rem3A_122 = arith.remsi %sub3A_104, %jit3A_105 : i32
    %ne3A_123 = arith.constant 0 : i32
    %ne3A_124 = arith.cmpi ne, %rem3A_122, %ne3A_123 : i32
    %and3A_125 = arith.andi %ne3A_121, %ne3A_124 : i1
    %sub3A_126 = arith.constant 1 : i32
    %sub3A_127 = arith.subi %div3A_106, %sub3A_126 : i32
    %select_n3A_128 = arith.select %and3A_125, %sub3A_127, %div3A_106 : i32
    %mul3A_129 = arith.constant 16 : i32
    %mul3A_130 = arith.muli %select_n3A_128, %mul3A_129 : i32
    %parallel_loop3A_131 = arith.constant 0 : i32
    %parallel_loop3A_132 = arith.constant 16 : i32
    scf.for %parallel_loop3A_472 = %parallel_loop3A_131 to %mul3A_130 step %parallel_loop3A_132  : i32 {
      %parallel_loop3A_473 = arith.index_cast %parallel_loop3A_472 : i32 to index
      %parallel_loop3A_474 = tpu.vector_load %arg11[%parallel_loop3A_473] {strides = array<i32>} : memref<8224xi32, #tpu.memory_space<vmem>>, vector<16xi32>,
      %parallel_loop3A_475 = arith.constant 14 : i32
      %parallel_loop3A_476 = vector.broadcast %parallel_loop3A_475 : i32 to vector<16xi32>
      %parallel_loop3A_477 = arith.shrsi %parallel_loop3A_474, %parallel_loop3A_476 : vector<16xi32>
      %parallel_loop3A_478 = arith.constant 127 : i32
      %parallel_loop3A_479 = vector.broadcast %parallel_loop3A_478 : i32 to vector<16xi32>
      %parallel_loop3A_480 = arith.andi %parallel_loop3A_477, %parallel_loop3A_479 : vector<16xi32>
      %parallel_loop3A_481 = arith.constant -2147483648 : i32
      %parallel_loop3A_482 = vector.broadcast %parallel_loop3A_481 : i32 to vector<16xi32>
      %parallel_loop3A_483 = arith.cmpi ne, %parallel_loop3A_474, %parallel_loop3A_482 : vector<16xi32>
      tpu.vector_store_idx %arg10[%parallel_loop3A_480], %broadcast_in_dim3A_3 masked %parallel_loop3A_483 {add = true} : memref<128xi32, #tpu.memory_space<vmem>>[vector<16xi32>], vector<16xi32>, vector<16xi1>
    } {sc.loop_unroll_factor = 1 : i64, sc.parallel_access}
    %add3A_133 = arith.constant 0 : i32
    %add3A_134 = arith.constant 0 : i32
    %add3A_135 = arith.addi %add3A_133, %add3A_134 : i32
    %while3A_136 = arith.constant 0 : i32
    %while3A_137 = arith.constant 0 : i32
    %while3A_138 = arith.constant 0 : i32
    %while3A_139:6 = scf.while (%while3A_472 = %add3A_135, %while3A_473 = %while3A_136, %while3A_474 = %while3A_137, %while3A_475 = %while3A_138, %while3A_476 = %broadcast_in_dim3A_1, %while3A_477 = %broadcast_in_dim3A_1) : (i32, i32, i32, i32, vector<16xi32>, vector<16xi32>) -> (i32, i32, i32, i32, vector<16xi32>, vector<16xi32>) {
      %eq3A_478 = arith.constant 0 : i32
      %eq3A_479 = arith.cmpi eq, %while3A_473, %eq3A_478 : i32
      scf.condition(%eq3A_479) %while3A_472, %while3A_473, %while3A_474, %while3A_475, %while3A_476, %while3A_477 : i32, i32, i32, i32, vector<16xi32>, vector<16xi32>
    } do {
    ^bb0(%while3A_472: i32, %while3A_473: i32, %while3A_474: i32, %while3A_475: i32, %while3A_476: vector<16xi32>, %while3A_477: vector<16xi32>):
      %add3A_478 = arith.constant 1 : i32
      %add3A_479 = arith.addi %while3A_472, %add3A_478 : i32
      %mul3A_480 = arith.constant 16 : i32
      %mul3A_481 = arith.muli %mul3A_480, %add3A_479 : i32
      %sub3A_482 = arith.constant 128 : i32
      %sub3A_483 = arith.subi %sub3A_482, %mul3A_481 : i32
      %get3A = arith.index_cast %sub3A_483 : i32 to index
      %get3A_484 = tpu.vector_load %arg10[%get3A] {strides = array<i32>} : memref<128xi32, #tpu.memory_space<vmem>>, vector<16xi32>,
      %rev3A = arith.constant 15 : i32
      %rev3A_485 = vector.broadcast %rev3A : i32 to vector<16xi32>
      %rev3A_486 = tpu.iota {dimensions = array<i32: 0>} : vector<16xi32>
      %rev3A_487 = arith.subi %rev3A_485, %rev3A_486 : vector<16xi32>
      %rev3A_488 = tpu.dynamic_gather %get3A_484[%rev3A_487] in [0] : vector<16xi32>, vector<16xi32> -> vector<16xi32>
      %broadcast_in_dim3A_489 = arith.constant true
      %broadcast_in_dim3A_490 = vector.broadcast %broadcast_in_dim3A_489 : i1 to vector<16xi1>
      %masked_cumsum3A = tpu.scan <sum>, %rev3A_488 masked %broadcast_in_dim3A_490 : vector<16xi32>, vector<16xi1> -> vector<16xi32>
      %add3A_491 = vector.broadcast %while3A_475 : i32 to vector<16xi32>
      %add3A_492 = arith.addi %add3A_491, %masked_cumsum3A : vector<16xi32>
      %ge3A = vector.broadcast %sub3A_92 : i32 to vector<16xi32>
      %ge3A_493 = arith.cmpi sge, %add3A_492, %ge3A : vector<16xi32>
      %all_reduce_population_count3A = tpu.all_reduce %ge3A_493 {dim = 0 : i64, kind = #tpu.reduction_kind<sum>} : vector<16xi1> -> vector<16xi32>
      %slice3A = vector.extract_strided_slice %all_reduce_population_count3A {offsets = [0], sizes = [1], strides = [1]} : vector<16xi32> to vector<1xi32>
      %squeeze3A = vector.extract %slice3A[0] : i32 from vector<1xi32>
      %all_reduce_ffs3A = tpu.all_reduce %ge3A_493 {dim = 0 : i64, kind = #tpu.reduction_kind<find_first_set>} : vector<16xi1> -> vector<16xi32>
      %slice3A_494 = vector.extract_strided_slice %all_reduce_ffs3A {offsets = [0], sizes = [1], strides = [1]} : vector<16xi32> to vector<1xi32>
      %squeeze3A_495 = vector.extract %slice3A_494[0] : i32 from vector<1xi32>
      %gt3A = arith.constant 0 : i32
      %gt3A_496 = arith.cmpi sgt, %squeeze3A, %gt3A : i32
      %add3A_497 = arith.constant 1 : i32
      %add3A_498 = arith.addi %while3A_472, %add3A_497 : i32
      %jit3A_499 = arith.constant 1 : i32
      %jit3A_500 = arith.constant 0 : i32
      %select_n3A_501 = arith.select %gt3A_496, %jit3A_499, %jit3A_500 : i32
      %select_n3A_502 = arith.select %gt3A_496, %squeeze3A_495, %while3A_474 : i32
      %slice3A_503 = vector.extract_strided_slice %add3A_492 {offsets = [15], sizes = [1], strides = [1]} : vector<16xi32> to vector<1xi32>
      %squeeze3A_504 = vector.extract %slice3A_503[0] : i32 from vector<1xi32>
      %select_n3A_505 = arith.select %gt3A_496, %while3A_475, %squeeze3A_504 : i32
      %select_n3A_506 = arith.select %gt3A_496, %add3A_492, %while3A_476 : vector<16xi32>
      %select_n3A_507 = arith.select %gt3A_496, %rev3A_488, %while3A_477 : vector<16xi32>
      scf.yield %add3A_498, %select_n3A_501, %select_n3A_502, %select_n3A_505, %select_n3A_506, %select_n3A_507 : i32, i32, i32, i32, vector<16xi32>, vector<16xi32>
    }
    %sub3A_140 = arith.constant 1 : i32
    %sub3A_141 = arith.subi %while3A_139#0, %sub3A_140 : i32
    %mul3A_142 = arith.constant 16 : i32
    %mul3A_143 = arith.muli %mul3A_142, %sub3A_141 : i32
    %sub3A_144 = arith.constant 127 : i32
    %sub3A_145 = arith.subi %sub3A_144, %mul3A_143 : i32
    %sub3A_146 = arith.subi %sub3A_145, %while3A_139#2 : i32
    %eq3A_147 = vector.broadcast %while3A_139#2 : i32 to vector<16xi32>
    %eq3A_148 = arith.cmpi eq, %iota3A, %eq3A_147 : vector<16xi32>
    %sub3A_149 = arith.subi %while3A_139#4, %while3A_139#5 : vector<16xi32>
    %jit3A_150 = arith.constant 0 : i32
    %broadcast_in_dim3A_151 = vector.broadcast %jit3A_150 : i32 to vector<16xi32>
    %select_n3A_152 = arith.select %eq3A_148, %sub3A_149, %broadcast_in_dim3A_151 : vector<16xi1>, vector<16xi32>
    %reduce_sum3A_153 = arith.constant true
    %reduce_sum3A_154 = vector.broadcast %reduce_sum3A_153 : i1 to vector<16xi1>
    %reduce_sum3A_155 = tpu.scan <sum>, %select_n3A_152 masked %reduce_sum3A_154 : vector<16xi32>, vector<16xi1> -> vector<16xi32>
    %reduce_sum3A_156 = vector.extract %reduce_sum3A_155[15] : i32 from vector<16xi32>
    %sub3A_157 = arith.subi %sub3A_92, %reduce_sum3A_156 : i32
    %mul3A_158 = arith.constant 16 : i32
    %mul3A_159 = arith.muli %select_n3A_128, %mul3A_158 : i32
    %parallel_loop3A_160 = arith.constant 0 : i32
    %parallel_loop3A_161 = arith.constant 16 : i32
    %parallel_loop3A_162 = arith.constant 0 : i32
    %parallel_loop3A_163 = scf.for %parallel_loop3A_472 = %parallel_loop3A_160 to %mul3A_159 step %parallel_loop3A_161 iter_args(%parallel_loop3A_473 = %parallel_loop3A_162) -> (i32)  : i32 {
      %parallel_loop3A_474 = arith.index_cast %parallel_loop3A_472 : i32 to index
      %parallel_loop3A_475 = tpu.vector_load %arg11[%parallel_loop3A_474] {strides = array<i32>} : memref<8224xi32, #tpu.memory_space<vmem>>, vector<16xi32>,
      %parallel_loop3A_476 = arith.index_cast %parallel_loop3A_472 : i32 to index
      %parallel_loop3A_477 = tpu.vector_load %arg12[%parallel_loop3A_476] {strides = array<i32>} : memref<8224xi32, #tpu.memory_space<vmem>>, vector<16xi32>,
      %parallel_loop3A_478 = arith.constant 14 : i32
      %parallel_loop3A_479 = vector.broadcast %parallel_loop3A_478 : i32 to vector<16xi32>
      %parallel_loop3A_480 = arith.shrsi %parallel_loop3A_475, %parallel_loop3A_479 : vector<16xi32>
      %parallel_loop3A_481 = arith.constant 127 : i32
      %parallel_loop3A_482 = vector.broadcast %parallel_loop3A_481 : i32 to vector<16xi32>
      %parallel_loop3A_483 = arith.andi %parallel_loop3A_480, %parallel_loop3A_482 : vector<16xi32>
      %parallel_loop3A_484 = vector.broadcast %sub3A_146 : i32 to vector<16xi32>
      %parallel_loop3A_485 = arith.cmpi eq, %parallel_loop3A_483, %parallel_loop3A_484 : vector<16xi32>
      %parallel_loop3A_486 = arith.constant -2147483648 : i32
      %parallel_loop3A_487 = vector.broadcast %parallel_loop3A_486 : i32 to vector<16xi32>
      %parallel_loop3A_488 = arith.cmpi ne, %parallel_loop3A_475, %parallel_loop3A_487 : vector<16xi32>
      %parallel_loop3A_489 = arith.andi %parallel_loop3A_485, %parallel_loop3A_488 : vector<16xi1>
      %parallel_loop3A_490 = arith.index_cast %parallel_loop3A_473 : i32 to index
      %parallel_loop3A_491 = tpu.vector_load %arg13[%parallel_loop3A_490] masked %parallel_loop3A_489 {strides = array<i32>} : memref<8224xi32, #tpu.memory_space<vmem>>, vector<16xi32>, vector<16xi1>
      tpu.vector_store %arg13[%parallel_loop3A_490], %parallel_loop3A_475 masked %parallel_loop3A_489 {strides = array<i32>} : memref<8224xi32, #tpu.memory_space<vmem>>, vector<16xi32>, vector<16xi1>
      %parallel_loop3A_492 = arith.index_cast %parallel_loop3A_473 : i32 to index
      %parallel_loop3A_493 = tpu.vector_load %arg14[%parallel_loop3A_492] masked %parallel_loop3A_489 {strides = array<i32>} : memref<8224xi32, #tpu.memory_space<vmem>>, vector<16xi32>, vector<16xi1>
      tpu.vector_store %arg14[%parallel_loop3A_492], %parallel_loop3A_477 masked %parallel_loop3A_489 {strides = array<i32>} : memref<8224xi32, #tpu.memory_space<vmem>>, vector<16xi32>, vector<16xi1>
      %parallel_loop3A_494 = tpu.all_reduce %parallel_loop3A_489 {dim = 0 : i64, kind = #tpu.reduction_kind<sum>} : vector<16xi1> -> vector<16xi32>
      %parallel_loop3A_495 = vector.extract_strided_slice %parallel_loop3A_494 {offsets = [0], sizes = [1], strides = [1]} : vector<16xi32> to vector<1xi32>
      %parallel_loop3A_496 = vector.extract %parallel_loop3A_495[0] : i32 from vector<1xi32>
      %parallel_loop3A_497 = arith.addi %parallel_loop3A_473, %parallel_loop3A_496 : i32
      scf.yield %parallel_loop3A_497 : i32
    } {sc.loop_unroll_factor = 1 : i64, sc.parallel_access}
    %broadcast_in_dim3A_164 = arith.constant -2147483648 : i32
    %broadcast_in_dim3A_165 = vector.broadcast %broadcast_in_dim3A_164 : i32 to vector<16xi32>
    %swap3A_166 = arith.index_cast %parallel_loop3A_163 : i32 to index
    %swap3A_167 = tpu.vector_load %arg13[%swap3A_166] {strides = array<i32>} : memref<8224xi32, #tpu.memory_space<vmem>>, vector<16xi32>,
    tpu.vector_store %arg13[%swap3A_166], %broadcast_in_dim3A_165 {strides = array<i32>} : memref<8224xi32, #tpu.memory_space<vmem>>, vector<16xi32>,
    %add3A_168 = arith.constant 16 : i32
    %add3A_169 = arith.addi %parallel_loop3A_163, %add3A_168 : i32
    %sub3A_170 = arith.constant 1 : i32
    %sub3A_171 = arith.subi %add3A_169, %sub3A_170 : i32
    %jit3A_172 = arith.constant 16 : i32
    %div3A_173 = arith.divsi %sub3A_171, %jit3A_172 : i32
    %sign3A_174 = arith.constant 0 : i32
    %sign3A_175 = arith.cmpi sgt, %sub3A_171, %sign3A_174 : i32
    %sign3A_176 = arith.extui %sign3A_175 : i1 to i32
    %sign3A_177 = arith.constant 0 : i32
    %sign3A_178 = arith.cmpi slt, %sub3A_171, %sign3A_177 : i32
    %sign3A_179 = arith.extui %sign3A_178 : i1 to i32
    %sign3A_180 = arith.subi %sign3A_176, %sign3A_179 : i32
    %sign3A_181 = arith.constant 0 : i32
    %sign3A_182 = arith.cmpi sgt, %jit3A_172, %sign3A_181 : i32
    %sign3A_183 = arith.extui %sign3A_182 : i1 to i32
    %sign3A_184 = arith.constant 0 : i32
    %sign3A_185 = arith.cmpi slt, %jit3A_172, %sign3A_184 : i32
    %sign3A_186 = arith.extui %sign3A_185 : i1 to i32
    %sign3A_187 = arith.subi %sign3A_183, %sign3A_186 : i32
    %ne3A_188 = arith.cmpi ne, %sign3A_180, %sign3A_187 : i32
    %rem3A_189 = arith.remsi %sub3A_171, %jit3A_172 : i32
    %ne3A_190 = arith.constant 0 : i32
    %ne3A_191 = arith.cmpi ne, %rem3A_189, %ne3A_190 : i32
    %and3A_192 = arith.andi %ne3A_188, %ne3A_191 : i1
    %sub3A_193 = arith.constant 1 : i32
    %sub3A_194 = arith.subi %div3A_173, %sub3A_193 : i32
    %select_n3A_195 = arith.select %and3A_192, %sub3A_194, %div3A_173 : i32
    %sub3A_196 = arith.constant 1024 : i32
    %sub3A_197 = arith.subi %sub3A_82, %sub3A_196 : i32
    %shift_left3A = arith.constant 21 : i32
    %shift_left3A_198 = arith.shli %sub3A_197, %shift_left3A : i32
    %shift_left3A_199 = arith.constant 14 : i32
    %shift_left3A_200 = arith.shli %sub3A_146, %shift_left3A_199 : i32
    %or3A = arith.ori %shift_left3A_198, %shift_left3A_200 : i32
    %scan3A = arith.constant 0 : i32
    %scan3A_201 = arith.constant 14 : i32
    %scan3A_202 = arith.addi %scan3A, %scan3A_201 : i32
    %scan3A_203 = arith.constant 1 : i32
    %scan3A_204 = scf.for %scan3A_472 = %scan3A to %scan3A_202 step %scan3A_203 iter_args(%scan3A_473 = %or3A) -> (i32)  : i32 {
      %sub3A_474 = arith.constant 13 : i32
      %sub3A_475 = arith.subi %sub3A_474, %scan3A_472 : i32
      %shift_left3A_476 = arith.constant 1 : i32
      %shift_left3A_477 = arith.shli %shift_left3A_476, %sub3A_475 : i32
      %or3A_478 = arith.ori %scan3A_473, %shift_left3A_477 : i32
      %mul3A_479 = arith.constant 16 : i32
      %mul3A_480 = arith.muli %select_n3A_195, %mul3A_479 : i32
      %parallel_loop3A_481 = arith.constant 0 : i32
      %parallel_loop3A_482 = arith.constant 16 : i32
      %parallel_loop3A_483 = scf.for %parallel_loop3A_489 = %parallel_loop3A_481 to %mul3A_480 step %parallel_loop3A_482 iter_args(%parallel_loop3A_490 = %broadcast_in_dim3A_1) -> (vector<16xi32>)  : i32 {
        %parallel_loop3A_491 = arith.index_cast %parallel_loop3A_489 : i32 to index
        %parallel_loop3A_492 = tpu.vector_load %arg13[%parallel_loop3A_491] {strides = array<i32>} : memref<8224xi32, #tpu.memory_space<vmem>>, vector<16xi32>,
        %parallel_loop3A_493 = vector.broadcast %or3A_478 : i32 to vector<16xi32>
        %parallel_loop3A_494 = arith.cmpi sge, %parallel_loop3A_492, %parallel_loop3A_493 : vector<16xi32>
        %parallel_loop3A_495 = arith.constant 1 : i32
        %parallel_loop3A_496 = arith.constant 0 : i32
        %parallel_loop3A_497 = vector.broadcast %parallel_loop3A_495 : i32 to vector<16xi32>
        %parallel_loop3A_498 = vector.broadcast %parallel_loop3A_496 : i32 to vector<16xi32>
        %parallel_loop3A_499 = arith.select %parallel_loop3A_494, %parallel_loop3A_497, %parallel_loop3A_498 : vector<16xi1>, vector<16xi32>
        %parallel_loop3A_500 = arith.addi %parallel_loop3A_490, %parallel_loop3A_499 : vector<16xi32>
        scf.yield %parallel_loop3A_500 : vector<16xi32>
      } {sc.loop_unroll_factor = 1 : i64, sc.parallel_access}
      %reduce_sum3A_484 = arith.constant true
      %reduce_sum3A_485 = vector.broadcast %reduce_sum3A_484 : i1 to vector<16xi1>
      %reduce_sum3A_486 = tpu.scan <sum>, %parallel_loop3A_483 masked %reduce_sum3A_485 : vector<16xi32>, vector<16xi1> -> vector<16xi32>
      %reduce_sum3A_487 = vector.extract %reduce_sum3A_486[15] : i32 from vector<16xi32>
      %ge3A = arith.cmpi sge, %reduce_sum3A_487, %sub3A_157 : i32
      %select_n3A_488 = arith.select %ge3A, %or3A_478, %scan3A_473 : i32
      scf.yield %select_n3A_488 : i32
    }
    %scan3A_205 = arith.constant 14 : i32
    %mul3A_206 = arith.constant 16 : i32
    %mul3A_207 = arith.muli %select_n3A_195, %mul3A_206 : i32
    %parallel_loop3A_208 = arith.constant 0 : i32
    %parallel_loop3A_209 = arith.constant 16 : i32
    %parallel_loop3A_210 = scf.for %parallel_loop3A_472 = %parallel_loop3A_208 to %mul3A_207 step %parallel_loop3A_209 iter_args(%parallel_loop3A_473 = %broadcast_in_dim3A_1) -> (vector<16xi32>)  : i32 {
      %parallel_loop3A_474 = arith.index_cast %parallel_loop3A_472 : i32 to index
      %parallel_loop3A_475 = tpu.vector_load %arg13[%parallel_loop3A_474] {strides = array<i32>} : memref<8224xi32, #tpu.memory_space<vmem>>, vector<16xi32>,
      %parallel_loop3A_476 = vector.broadcast %scan3A_204 : i32 to vector<16xi32>
      %parallel_loop3A_477 = arith.cmpi sgt, %parallel_loop3A_475, %parallel_loop3A_476 : vector<16xi32>
      %parallel_loop3A_478 = arith.constant 1 : i32
      %parallel_loop3A_479 = arith.constant 0 : i32
      %parallel_loop3A_480 = vector.broadcast %parallel_loop3A_478 : i32 to vector<16xi32>
      %parallel_loop3A_481 = vector.broadcast %parallel_loop3A_479 : i32 to vector<16xi32>
      %parallel_loop3A_482 = arith.select %parallel_loop3A_477, %parallel_loop3A_480, %parallel_loop3A_481 : vector<16xi1>, vector<16xi32>
      %parallel_loop3A_483 = arith.addi %parallel_loop3A_473, %parallel_loop3A_482 : vector<16xi32>
      scf.yield %parallel_loop3A_483 : vector<16xi32>
    } {sc.loop_unroll_factor = 1 : i64, sc.parallel_access}
    %reduce_sum3A_211 = arith.constant true
    %reduce_sum3A_212 = vector.broadcast %reduce_sum3A_211 : i1 to vector<16xi1>
    %reduce_sum3A_213 = tpu.scan <sum>, %parallel_loop3A_210 masked %reduce_sum3A_212 : vector<16xi32>, vector<16xi1> -> vector<16xi32>
    %reduce_sum3A_214 = vector.extract %reduce_sum3A_213[15] : i32 from vector<16xi32>
    %sub3A_215 = arith.subi %sub3A_157, %reduce_sum3A_214 : i32
    %scan3A_216 = arith.constant 0 : i32
    %scan3A_217 = arith.constant 0 : i32
    %scan3A_218 = arith.constant 13 : i32
    %scan3A_219 = arith.addi %scan3A_217, %scan3A_218 : i32
    %scan3A_220 = arith.constant 1 : i32
    %scan3A_221 = scf.for %scan3A_472 = %scan3A_217 to %scan3A_219 step %scan3A_220 iter_args(%scan3A_473 = %scan3A_216) -> (i32)  : i32 {
      %sub3A_474 = arith.constant 12 : i32
      %sub3A_475 = arith.subi %sub3A_474, %scan3A_472 : i32
      %shift_left3A_476 = arith.constant 1 : i32
      %shift_left3A_477 = arith.shli %shift_left3A_476, %sub3A_475 : i32
      %add3A_478 = arith.addi %scan3A_473, %shift_left3A_477 : i32
      %mul3A_479 = arith.constant 16 : i32
      %mul3A_480 = arith.muli %select_n3A_195, %mul3A_479 : i32
      %parallel_loop3A_481 = arith.constant 0 : i32
      %parallel_loop3A_482 = arith.constant 16 : i32
      %parallel_loop3A_483 = scf.for %parallel_loop3A_489 = %parallel_loop3A_481 to %mul3A_480 step %parallel_loop3A_482 iter_args(%parallel_loop3A_490 = %broadcast_in_dim3A_1) -> (vector<16xi32>)  : i32 {
        %parallel_loop3A_491 = arith.index_cast %parallel_loop3A_489 : i32 to index
        %parallel_loop3A_492 = tpu.vector_load %arg13[%parallel_loop3A_491] {strides = array<i32>} : memref<8224xi32, #tpu.memory_space<vmem>>, vector<16xi32>,
        %parallel_loop3A_493 = arith.index_cast %parallel_loop3A_489 : i32 to index
        %parallel_loop3A_494 = tpu.vector_load %arg14[%parallel_loop3A_493] {strides = array<i32>} : memref<8224xi32, #tpu.memory_space<vmem>>, vector<16xi32>,
        %parallel_loop3A_495 = vector.broadcast %scan3A_204 : i32 to vector<16xi32>
        %parallel_loop3A_496 = arith.cmpi eq, %parallel_loop3A_492, %parallel_loop3A_495 : vector<16xi32>
        %parallel_loop3A_497 = vector.broadcast %add3A_478 : i32 to vector<16xi32>
        %parallel_loop3A_498 = arith.cmpi slt, %parallel_loop3A_494, %parallel_loop3A_497 : vector<16xi32>
        %parallel_loop3A_499 = arith.andi %parallel_loop3A_496, %parallel_loop3A_498 : vector<16xi1>
        %parallel_loop3A_500 = arith.constant 1 : i32
        %parallel_loop3A_501 = arith.constant 0 : i32
        %parallel_loop3A_502 = vector.broadcast %parallel_loop3A_500 : i32 to vector<16xi32>
        %parallel_loop3A_503 = vector.broadcast %parallel_loop3A_501 : i32 to vector<16xi32>
        %parallel_loop3A_504 = arith.select %parallel_loop3A_499, %parallel_loop3A_502, %parallel_loop3A_503 : vector<16xi1>, vector<16xi32>
        %parallel_loop3A_505 = arith.addi %parallel_loop3A_490, %parallel_loop3A_504 : vector<16xi32>
        scf.yield %parallel_loop3A_505 : vector<16xi32>
      } {sc.loop_unroll_factor = 1 : i64, sc.parallel_access}
      %reduce_sum3A_484 = arith.constant true
      %reduce_sum3A_485 = vector.broadcast %reduce_sum3A_484 : i1 to vector<16xi1>
      %reduce_sum3A_486 = tpu.scan <sum>, %parallel_loop3A_483 masked %reduce_sum3A_485 : vector<16xi32>, vector<16xi1> -> vector<16xi32>
      %reduce_sum3A_487 = vector.extract %reduce_sum3A_486[15] : i32 from vector<16xi32>
      %lt3A = arith.cmpi slt, %reduce_sum3A_487, %sub3A_215 : i32
      %select_n3A_488 = arith.select %lt3A, %add3A_478, %scan3A_473 : i32
      scf.yield %select_n3A_488 : i32
    }
    %scan3A_222 = arith.constant 13 : i32
    %parallel_loop3A_223 = arith.constant 0 : i32
    %parallel_loop3A_224 = arith.constant 8192 : i32
    %parallel_loop3A_225 = arith.constant 16 : i32
    scf.for %parallel_loop3A_472 = %parallel_loop3A_223 to %parallel_loop3A_224 step %parallel_loop3A_225  : i32 {
      %parallel_loop3A_473 = arith.index_cast %parallel_loop3A_472 : i32 to index
      %parallel_loop3A_474 = tpu.vector_load %arg6[%parallel_loop3A_473] {strides = array<i32>} : memref<8192xi32, #tpu.memory_space<vmem>>, vector<16xi32>,
      %parallel_loop3A_475 = vector.broadcast %parallel_loop3A_472 : i32 to vector<16xi32>
      %parallel_loop3A_476 = arith.addi %iota3A, %parallel_loop3A_475 : vector<16xi32>
      %parallel_loop3A_477 = vector.broadcast %scan3A_204 : i32 to vector<16xi32>
      %parallel_loop3A_478 = arith.cmpi sgt, %parallel_loop3A_474, %parallel_loop3A_477 : vector<16xi32>
      %parallel_loop3A_479 = vector.broadcast %scan3A_204 : i32 to vector<16xi32>
      %parallel_loop3A_480 = arith.cmpi eq, %parallel_loop3A_474, %parallel_loop3A_479 : vector<16xi32>
      %parallel_loop3A_481 = vector.broadcast %scan3A_221 : i32 to vector<16xi32>
      %parallel_loop3A_482 = arith.cmpi sle, %parallel_loop3A_476, %parallel_loop3A_481 : vector<16xi32>
      %parallel_loop3A_483 = arith.andi %parallel_loop3A_480, %parallel_loop3A_482 : vector<16xi1>
      %parallel_loop3A_484 = arith.ori %parallel_loop3A_478, %parallel_loop3A_483 : vector<16xi1>
      %parallel_loop3A_485 = arith.constant 1.000000e+00 : f32
      %parallel_loop3A_486 = arith.constant 0.000000e+00 : f32
      %parallel_loop3A_487 = vector.broadcast %parallel_loop3A_485 : f32 to vector<16xf32>
      %parallel_loop3A_488 = vector.broadcast %parallel_loop3A_486 : f32 to vector<16xf32>
      %parallel_loop3A_489 = arith.select %parallel_loop3A_484, %parallel_loop3A_487, %parallel_loop3A_488 : vector<16xi1>, vector<16xf32>
      %parallel_loop3A_490 = arith.index_cast %parallel_loop3A_472 : i32 to index
      %parallel_loop3A_491 = tpu.vector_load %arg7[%parallel_loop3A_490] {strides = array<i32>} : memref<8192xf32, #tpu.memory_space<vmem>>, vector<16xf32>,
      tpu.vector_store %arg7[%parallel_loop3A_490], %parallel_loop3A_489 {strides = array<i32>} : memref<8192xf32, #tpu.memory_space<vmem>>, vector<16xf32>,
    } {sc.loop_unroll_factor = 8 : i64, sc.parallel_access}
    %dma_start3A_226 = arith.constant 0 : i32
    %dma_start3A_227 = tpu.memref_slice %arg3[%add3A_26, %dma_start3A_226] : memref<64x8192xf32, #tpu.memory_space<hbm>> -> memref<1x8192xf32, #tpu.memory_space<hbm>>
    %dma_start3A_228 = tpu.memref_squeeze %dma_start3A_227 : memref<1x8192xf32, #tpu.memory_space<hbm>> -> memref<8192xf32, #tpu.memory_space<hbm>>
    %dma_start3A_229 = arith.constant 0 : i32
    %dma_start3A_230 = tpu.memref_slice %arg3[%add3A_26, %dma_start3A_229] : memref<64x8192xf32, #tpu.memory_space<hbm>> -> memref<1x8192xf32, #tpu.memory_space<hbm>>
    %dma_start3A_231 = tpu.memref_squeeze %dma_start3A_230 : memref<1x8192xf32, #tpu.memory_space<hbm>> -> memref<8192xf32, #tpu.memory_space<hbm>>
    tpu.enqueue_dma source(%arg7 : memref<8192xf32, #tpu.memory_space<vmem>>) target(%dma_start3A_231 : memref<8192xf32, #tpu.memory_space<hbm>>) target_semaphore(%arg17 : memref<!tpu.dma_semaphore, #tpu.memory_space<semaphore_mem>>)
    %mul3A_232 = arith.constant 2 : i32
    %mul3A_233 = arith.muli %add3A, %mul3A_232 : i32
    %add3A_234 = arith.constant 1 : i32
    %add3A_235 = arith.addi %mul3A_233, %add3A_234 : i32
    %dma_wait3A_236 = arith.constant 0 : i32
    %dma_wait3A_237 = tpu.memref_slice %arg2[%add3A_16, %dma_wait3A_236] : memref<64x8192xf32, #tpu.memory_space<hbm>> -> memref<1x8192xf32, #tpu.memory_space<hbm>>
    %dma_wait3A_238 = tpu.memref_squeeze %dma_wait3A_237 : memref<1x8192xf32, #tpu.memory_space<hbm>> -> memref<8192xf32, #tpu.memory_space<hbm>>
    %dma_wait3A_239 = arith.constant 0 : i32
    %dma_wait3A_240 = tpu.memref_slice %arg2[%add3A_16, %dma_wait3A_239] : memref<64x8192xf32, #tpu.memory_space<hbm>> -> memref<1x8192xf32, #tpu.memory_space<hbm>>
    %dma_wait3A_241 = tpu.memref_squeeze %dma_wait3A_240 : memref<1x8192xf32, #tpu.memory_space<hbm>> -> memref<8192xf32, #tpu.memory_space<hbm>>
    tpu.wait_dma2 semaphore(%arg16 : memref<!tpu.dma_semaphore, #tpu.memory_space<semaphore_mem>>) src(%dma_wait3A_241 : memref<8192xf32, #tpu.memory_space<hbm>>) dst(%arg5 : memref<8192xf32, #tpu.memory_space<vmem>>)
    %parallel_loop3A_242 = arith.constant 0 : i32
    %parallel_loop3A_243 = arith.constant 2048 : i32
    %parallel_loop3A_244 = arith.constant 16 : i32
    scf.for %parallel_loop3A_472 = %parallel_loop3A_242 to %parallel_loop3A_243 step %parallel_loop3A_244  : i32 {
      %parallel_loop3A_473 = arith.index_cast %parallel_loop3A_472 : i32 to index
      %parallel_loop3A_474 = tpu.vector_load %arg9[%parallel_loop3A_473] {strides = array<i32>} : memref<2048xi32, #tpu.memory_space<vmem>>, vector<16xi32>,
      tpu.vector_store %arg9[%parallel_loop3A_473], %broadcast_in_dim3A_1 {strides = array<i32>} : memref<2048xi32, #tpu.memory_space<vmem>>, vector<16xi32>,
    } {sc.loop_unroll_factor = 8 : i64, sc.parallel_access}
    %parallel_loop3A_245 = arith.constant 0 : i32
    %parallel_loop3A_246 = arith.constant 128 : i32
    %parallel_loop3A_247 = arith.constant 16 : i32
    scf.for %parallel_loop3A_472 = %parallel_loop3A_245 to %parallel_loop3A_246 step %parallel_loop3A_247  : i32 {
      %parallel_loop3A_473 = arith.index_cast %parallel_loop3A_472 : i32 to index
      %parallel_loop3A_474 = tpu.vector_load %arg10[%parallel_loop3A_473] {strides = array<i32>} : memref<128xi32, #tpu.memory_space<vmem>>, vector<16xi32>,
      tpu.vector_store %arg10[%parallel_loop3A_473], %broadcast_in_dim3A_1 {strides = array<i32>} : memref<128xi32, #tpu.memory_space<vmem>>, vector<16xi32>,
    } {sc.loop_unroll_factor = 8 : i64, sc.parallel_access}
    %broadcast_in_dim3A_248 = arith.constant -2147483648 : i32
    %broadcast_in_dim3A_249 = vector.broadcast %broadcast_in_dim3A_248 : i32 to vector<16xi32>
    %parallel_loop3A_250 = arith.constant 0 : i32
    %parallel_loop3A_251 = arith.constant 8192 : i32
    %parallel_loop3A_252 = arith.constant 16 : i32
    %parallel_loop3A_253 = scf.for %parallel_loop3A_472 = %parallel_loop3A_250 to %parallel_loop3A_251 step %parallel_loop3A_252 iter_args(%parallel_loop3A_473 = %broadcast_in_dim3A_249) -> (vector<16xi32>)  : i32 {
      %parallel_loop3A_474 = arith.index_cast %parallel_loop3A_472 : i32 to index
      %parallel_loop3A_475 = tpu.vector_load %arg5[%parallel_loop3A_474] {strides = array<i32>} : memref<8192xf32, #tpu.memory_space<vmem>>, vector<16xf32>,
      %parallel_loop3A_476 = tpu.bitcast %parallel_loop3A_475 : vector<16xf32> -> vector<16xi32>
      %parallel_loop3A_477 = arith.constant 0 : i32
      %parallel_loop3A_478 = vector.broadcast %parallel_loop3A_477 : i32 to vector<16xi32>
      %parallel_loop3A_479 = arith.cmpi sge, %parallel_loop3A_476, %parallel_loop3A_478 : vector<16xi32>
      %parallel_loop3A_480 = arith.constant -2147483648 : i32
      %parallel_loop3A_481 = vector.broadcast %parallel_loop3A_480 : i32 to vector<16xi32>
      %parallel_loop3A_482 = arith.subi %parallel_loop3A_481, %parallel_loop3A_476 : vector<16xi32>
      %parallel_loop3A_483 = arith.select %parallel_loop3A_479, %parallel_loop3A_476, %parallel_loop3A_482 : vector<16xi1>, vector<16xi32>
      %parallel_loop3A_484 = arith.index_cast %parallel_loop3A_472 : i32 to index
      %parallel_loop3A_485 = tpu.vector_load %arg6[%parallel_loop3A_484] {strides = array<i32>} : memref<8192xi32, #tpu.memory_space<vmem>>, vector<16xi32>,
      tpu.vector_store %arg6[%parallel_loop3A_484], %parallel_loop3A_483 {strides = array<i32>} : memref<8192xi32, #tpu.memory_space<vmem>>, vector<16xi32>,
      %parallel_loop3A_486 = arith.constant 21 : i32
      %parallel_loop3A_487 = vector.broadcast %parallel_loop3A_486 : i32 to vector<16xi32>
      %parallel_loop3A_488 = arith.shrsi %parallel_loop3A_483, %parallel_loop3A_487 : vector<16xi32>
      %parallel_loop3A_489 = arith.constant 1024 : i32
      %parallel_loop3A_490 = vector.broadcast %parallel_loop3A_489 : i32 to vector<16xi32>
      %parallel_loop3A_491 = arith.addi %parallel_loop3A_488, %parallel_loop3A_490 : vector<16xi32>
      tpu.vector_store_idx %arg9[%parallel_loop3A_491], %broadcast_in_dim3A_3 {add = true} : memref<2048xi32, #tpu.memory_space<vmem>>[vector<16xi32>], vector<16xi32>,
      %parallel_loop3A_492 = arith.maxsi %parallel_loop3A_473, %parallel_loop3A_483 : vector<16xi32>
      scf.yield %parallel_loop3A_492 : vector<16xi32>
    } {sc.loop_unroll_factor = 8 : i64, sc.parallel_access}
    %reduce_max3A_254 = arith.constant true
    %reduce_max3A_255 = vector.broadcast %reduce_max3A_254 : i1 to vector<16xi1>
    %reduce_max3A_256 = arith.constant -2147483648 : i32
    %reduce_max3A_257 = vector.broadcast %reduce_max3A_256 : i32 to vector<16xi32>
    %reduce_max3A_258 = arith.xori %parallel_loop3A_253, %reduce_max3A_257 : vector<16xi32>
    %reduce_max3A_259 = tpu.scan <max>, %reduce_max3A_258 masked %reduce_max3A_255 : vector<16xi32>, vector<16xi1> -> vector<16xi32>
    %reduce_max3A_260 = arith.xori %reduce_max3A_259, %reduce_max3A_257 : vector<16xi32>
    %reduce_max3A_261 = vector.extract %reduce_max3A_260[15] : i32 from vector<16xi32>
    %shift_right_arithmetic3A_262 = arith.constant 21 : i32
    %shift_right_arithmetic3A_263 = arith.shrsi %reduce_max3A_261, %shift_right_arithmetic3A_262 : i32
    %add3A_264 = arith.constant 1024 : i32
    %add3A_265 = arith.addi %shift_right_arithmetic3A_263, %add3A_264 : i32
    %sub3A_266 = arith.constant 2047 : i32
    %sub3A_267 = arith.subi %sub3A_266, %add3A_265 : i32
    %jit3A_268 = arith.constant 16 : i32
    %div3A_269 = arith.divsi %sub3A_267, %jit3A_268 : i32
    %sign3A_270 = arith.constant 0 : i32
    %sign3A_271 = arith.cmpi sgt, %sub3A_267, %sign3A_270 : i32
    %sign3A_272 = arith.extui %sign3A_271 : i1 to i32
    %sign3A_273 = arith.constant 0 : i32
    %sign3A_274 = arith.cmpi slt, %sub3A_267, %sign3A_273 : i32
    %sign3A_275 = arith.extui %sign3A_274 : i1 to i32
    %sign3A_276 = arith.subi %sign3A_272, %sign3A_275 : i32
    %sign3A_277 = arith.constant 0 : i32
    %sign3A_278 = arith.cmpi sgt, %jit3A_268, %sign3A_277 : i32
    %sign3A_279 = arith.extui %sign3A_278 : i1 to i32
    %sign3A_280 = arith.constant 0 : i32
    %sign3A_281 = arith.cmpi slt, %jit3A_268, %sign3A_280 : i32
    %sign3A_282 = arith.extui %sign3A_281 : i1 to i32
    %sign3A_283 = arith.subi %sign3A_279, %sign3A_282 : i32
    %ne3A_284 = arith.cmpi ne, %sign3A_276, %sign3A_283 : i32
    %rem3A_285 = arith.remsi %sub3A_267, %jit3A_268 : i32
    %ne3A_286 = arith.constant 0 : i32
    %ne3A_287 = arith.cmpi ne, %rem3A_285, %ne3A_286 : i32
    %and3A_288 = arith.andi %ne3A_284, %ne3A_287 : i1
    %sub3A_289 = arith.constant 1 : i32
    %sub3A_290 = arith.subi %div3A_269, %sub3A_289 : i32
    %select_n3A_291 = arith.select %and3A_288, %sub3A_290, %div3A_269 : i32
    %add3A_292 = arith.constant 0 : i32
    %add3A_293 = arith.addi %select_n3A_291, %add3A_292 : i32
    %while3A_294 = arith.constant 0 : i32
    %while3A_295 = arith.constant 0 : i32
    %while3A_296 = arith.constant 0 : i32
    %while3A_297:6 = scf.while (%while3A_472 = %add3A_293, %while3A_473 = %while3A_294, %while3A_474 = %while3A_295, %while3A_475 = %while3A_296, %while3A_476 = %broadcast_in_dim3A_1, %while3A_477 = %broadcast_in_dim3A_1) : (i32, i32, i32, i32, vector<16xi32>, vector<16xi32>) -> (i32, i32, i32, i32, vector<16xi32>, vector<16xi32>) {
      %eq3A_478 = arith.constant 0 : i32
      %eq3A_479 = arith.cmpi eq, %while3A_473, %eq3A_478 : i32
      scf.condition(%eq3A_479) %while3A_472, %while3A_473, %while3A_474, %while3A_475, %while3A_476, %while3A_477 : i32, i32, i32, i32, vector<16xi32>, vector<16xi32>
    } do {
    ^bb0(%while3A_472: i32, %while3A_473: i32, %while3A_474: i32, %while3A_475: i32, %while3A_476: vector<16xi32>, %while3A_477: vector<16xi32>):
      %add3A_478 = arith.constant 1 : i32
      %add3A_479 = arith.addi %while3A_472, %add3A_478 : i32
      %mul3A_480 = arith.constant 16 : i32
      %mul3A_481 = arith.muli %mul3A_480, %add3A_479 : i32
      %sub3A_482 = arith.constant 2048 : i32
      %sub3A_483 = arith.subi %sub3A_482, %mul3A_481 : i32
      %get3A = arith.index_cast %sub3A_483 : i32 to index
      %get3A_484 = tpu.vector_load %arg9[%get3A] {strides = array<i32>} : memref<2048xi32, #tpu.memory_space<vmem>>, vector<16xi32>,
      %rev3A = arith.constant 15 : i32
      %rev3A_485 = vector.broadcast %rev3A : i32 to vector<16xi32>
      %rev3A_486 = tpu.iota {dimensions = array<i32: 0>} : vector<16xi32>
      %rev3A_487 = arith.subi %rev3A_485, %rev3A_486 : vector<16xi32>
      %rev3A_488 = tpu.dynamic_gather %get3A_484[%rev3A_487] in [0] : vector<16xi32>, vector<16xi32> -> vector<16xi32>
      %broadcast_in_dim3A_489 = arith.constant true
      %broadcast_in_dim3A_490 = vector.broadcast %broadcast_in_dim3A_489 : i1 to vector<16xi1>
      %masked_cumsum3A = tpu.scan <sum>, %rev3A_488 masked %broadcast_in_dim3A_490 : vector<16xi32>, vector<16xi1> -> vector<16xi32>
      %add3A_491 = vector.broadcast %while3A_475 : i32 to vector<16xi32>
      %add3A_492 = arith.addi %add3A_491, %masked_cumsum3A : vector<16xi32>
      %ge3A = arith.constant 256 : i32
      %ge3A_493 = vector.broadcast %ge3A : i32 to vector<16xi32>
      %ge3A_494 = arith.cmpi sge, %add3A_492, %ge3A_493 : vector<16xi32>
      %all_reduce_population_count3A = tpu.all_reduce %ge3A_494 {dim = 0 : i64, kind = #tpu.reduction_kind<sum>} : vector<16xi1> -> vector<16xi32>
      %slice3A = vector.extract_strided_slice %all_reduce_population_count3A {offsets = [0], sizes = [1], strides = [1]} : vector<16xi32> to vector<1xi32>
      %squeeze3A = vector.extract %slice3A[0] : i32 from vector<1xi32>
      %all_reduce_ffs3A = tpu.all_reduce %ge3A_494 {dim = 0 : i64, kind = #tpu.reduction_kind<find_first_set>} : vector<16xi1> -> vector<16xi32>
      %slice3A_495 = vector.extract_strided_slice %all_reduce_ffs3A {offsets = [0], sizes = [1], strides = [1]} : vector<16xi32> to vector<1xi32>
      %squeeze3A_496 = vector.extract %slice3A_495[0] : i32 from vector<1xi32>
      %gt3A = arith.constant 0 : i32
      %gt3A_497 = arith.cmpi sgt, %squeeze3A, %gt3A : i32
      %add3A_498 = arith.constant 1 : i32
      %add3A_499 = arith.addi %while3A_472, %add3A_498 : i32
      %jit3A_500 = arith.constant 1 : i32
      %jit3A_501 = arith.constant 0 : i32
      %select_n3A_502 = arith.select %gt3A_497, %jit3A_500, %jit3A_501 : i32
      %select_n3A_503 = arith.select %gt3A_497, %squeeze3A_496, %while3A_474 : i32
      %slice3A_504 = vector.extract_strided_slice %add3A_492 {offsets = [15], sizes = [1], strides = [1]} : vector<16xi32> to vector<1xi32>
      %squeeze3A_505 = vector.extract %slice3A_504[0] : i32 from vector<1xi32>
      %select_n3A_506 = arith.select %gt3A_497, %while3A_475, %squeeze3A_505 : i32
      %select_n3A_507 = arith.select %gt3A_497, %add3A_492, %while3A_476 : vector<16xi32>
      %select_n3A_508 = arith.select %gt3A_497, %rev3A_488, %while3A_477 : vector<16xi32>
      scf.yield %add3A_499, %select_n3A_502, %select_n3A_503, %select_n3A_506, %select_n3A_507, %select_n3A_508 : i32, i32, i32, i32, vector<16xi32>, vector<16xi32>
    }
    %sub3A_298 = arith.constant 1 : i32
    %sub3A_299 = arith.subi %while3A_297#0, %sub3A_298 : i32
    %mul3A_300 = arith.constant 16 : i32
    %mul3A_301 = arith.muli %mul3A_300, %sub3A_299 : i32
    %sub3A_302 = arith.constant 2047 : i32
    %sub3A_303 = arith.subi %sub3A_302, %mul3A_301 : i32
    %sub3A_304 = arith.subi %sub3A_303, %while3A_297#2 : i32
    %eq3A_305 = vector.broadcast %while3A_297#2 : i32 to vector<16xi32>
    %eq3A_306 = arith.cmpi eq, %iota3A, %eq3A_305 : vector<16xi32>
    %sub3A_307 = arith.subi %while3A_297#4, %while3A_297#5 : vector<16xi32>
    %jit3A_308 = arith.constant 0 : i32
    %broadcast_in_dim3A_309 = vector.broadcast %jit3A_308 : i32 to vector<16xi32>
    %select_n3A_310 = arith.select %eq3A_306, %sub3A_307, %broadcast_in_dim3A_309 : vector<16xi1>, vector<16xi32>
    %reduce_sum3A_311 = arith.constant true
    %reduce_sum3A_312 = vector.broadcast %reduce_sum3A_311 : i1 to vector<16xi1>
    %reduce_sum3A_313 = tpu.scan <sum>, %select_n3A_310 masked %reduce_sum3A_312 : vector<16xi32>, vector<16xi1> -> vector<16xi32>
    %reduce_sum3A_314 = vector.extract %reduce_sum3A_313[15] : i32 from vector<16xi32>
    %sub3A_315 = arith.constant 256 : i32
    %sub3A_316 = arith.subi %sub3A_315, %reduce_sum3A_314 : i32
    %parallel_loop3A_317 = arith.constant 0 : i32
    %parallel_loop3A_318 = arith.constant 8192 : i32
    %parallel_loop3A_319 = arith.constant 16 : i32
    %parallel_loop3A_320 = arith.constant 0 : i32
    %parallel_loop3A_321 = scf.for %parallel_loop3A_472 = %parallel_loop3A_317 to %parallel_loop3A_318 step %parallel_loop3A_319 iter_args(%parallel_loop3A_473 = %parallel_loop3A_320) -> (i32)  : i32 {
      %parallel_loop3A_474 = arith.index_cast %parallel_loop3A_472 : i32 to index
      %parallel_loop3A_475 = tpu.vector_load %arg6[%parallel_loop3A_474] {strides = array<i32>} : memref<8192xi32, #tpu.memory_space<vmem>>, vector<16xi32>,
      %parallel_loop3A_476 = arith.constant 21 : i32
      %parallel_loop3A_477 = vector.broadcast %parallel_loop3A_476 : i32 to vector<16xi32>
      %parallel_loop3A_478 = arith.shrsi %parallel_loop3A_475, %parallel_loop3A_477 : vector<16xi32>
      %parallel_loop3A_479 = arith.constant 1024 : i32
      %parallel_loop3A_480 = vector.broadcast %parallel_loop3A_479 : i32 to vector<16xi32>
      %parallel_loop3A_481 = arith.addi %parallel_loop3A_478, %parallel_loop3A_480 : vector<16xi32>
      %parallel_loop3A_482 = vector.broadcast %sub3A_304 : i32 to vector<16xi32>
      %parallel_loop3A_483 = arith.cmpi eq, %parallel_loop3A_481, %parallel_loop3A_482 : vector<16xi32>
      %parallel_loop3A_484 = arith.index_cast %parallel_loop3A_473 : i32 to index
      %parallel_loop3A_485 = tpu.vector_load %arg11[%parallel_loop3A_484] masked %parallel_loop3A_483 {strides = array<i32>} : memref<8224xi32, #tpu.memory_space<vmem>>, vector<16xi32>, vector<16xi1>
      tpu.vector_store %arg11[%parallel_loop3A_484], %parallel_loop3A_475 masked %parallel_loop3A_483 {strides = array<i32>} : memref<8224xi32, #tpu.memory_space<vmem>>, vector<16xi32>, vector<16xi1>
      %parallel_loop3A_486 = vector.broadcast %parallel_loop3A_472 : i32 to vector<16xi32>
      %parallel_loop3A_487 = arith.addi %iota3A, %parallel_loop3A_486 : vector<16xi32>
      %parallel_loop3A_488 = arith.index_cast %parallel_loop3A_473 : i32 to index
      %parallel_loop3A_489 = tpu.vector_load %arg12[%parallel_loop3A_488] masked %parallel_loop3A_483 {strides = array<i32>} : memref<8224xi32, #tpu.memory_space<vmem>>, vector<16xi32>, vector<16xi1>
      tpu.vector_store %arg12[%parallel_loop3A_488], %parallel_loop3A_487 masked %parallel_loop3A_483 {strides = array<i32>} : memref<8224xi32, #tpu.memory_space<vmem>>, vector<16xi32>, vector<16xi1>
      %parallel_loop3A_490 = tpu.all_reduce %parallel_loop3A_483 {dim = 0 : i64, kind = #tpu.reduction_kind<sum>} : vector<16xi1> -> vector<16xi32>
      %parallel_loop3A_491 = vector.extract_strided_slice %parallel_loop3A_490 {offsets = [0], sizes = [1], strides = [1]} : vector<16xi32> to vector<1xi32>
      %parallel_loop3A_492 = vector.extract %parallel_loop3A_491[0] : i32 from vector<1xi32>
      %parallel_loop3A_493 = arith.addi %parallel_loop3A_473, %parallel_loop3A_492 : i32
      scf.yield %parallel_loop3A_493 : i32
    } {sc.loop_unroll_factor = 4 : i64, sc.parallel_access}
    %broadcast_in_dim3A_322 = arith.constant -2147483648 : i32
    %broadcast_in_dim3A_323 = vector.broadcast %broadcast_in_dim3A_322 : i32 to vector<16xi32>
    %swap3A_324 = arith.index_cast %parallel_loop3A_321 : i32 to index
    %swap3A_325 = tpu.vector_load %arg11[%swap3A_324] {strides = array<i32>} : memref<8224xi32, #tpu.memory_space<vmem>>, vector<16xi32>,
    tpu.vector_store %arg11[%swap3A_324], %broadcast_in_dim3A_323 {strides = array<i32>} : memref<8224xi32, #tpu.memory_space<vmem>>, vector<16xi32>,
    %add3A_326 = arith.constant 16 : i32
    %add3A_327 = arith.addi %parallel_loop3A_321, %add3A_326 : i32
    %sub3A_328 = arith.constant 1 : i32
    %sub3A_329 = arith.subi %add3A_327, %sub3A_328 : i32
    %jit3A_330 = arith.constant 16 : i32
    %div3A_331 = arith.divsi %sub3A_329, %jit3A_330 : i32
    %sign3A_332 = arith.constant 0 : i32
    %sign3A_333 = arith.cmpi sgt, %sub3A_329, %sign3A_332 : i32
    %sign3A_334 = arith.extui %sign3A_333 : i1 to i32
    %sign3A_335 = arith.constant 0 : i32
    %sign3A_336 = arith.cmpi slt, %sub3A_329, %sign3A_335 : i32
    %sign3A_337 = arith.extui %sign3A_336 : i1 to i32
    %sign3A_338 = arith.subi %sign3A_334, %sign3A_337 : i32
    %sign3A_339 = arith.constant 0 : i32
    %sign3A_340 = arith.cmpi sgt, %jit3A_330, %sign3A_339 : i32
    %sign3A_341 = arith.extui %sign3A_340 : i1 to i32
    %sign3A_342 = arith.constant 0 : i32
    %sign3A_343 = arith.cmpi slt, %jit3A_330, %sign3A_342 : i32
    %sign3A_344 = arith.extui %sign3A_343 : i1 to i32
    %sign3A_345 = arith.subi %sign3A_341, %sign3A_344 : i32
    %ne3A_346 = arith.cmpi ne, %sign3A_338, %sign3A_345 : i32
    %rem3A_347 = arith.remsi %sub3A_329, %jit3A_330 : i32
    %ne3A_348 = arith.constant 0 : i32
    %ne3A_349 = arith.cmpi ne, %rem3A_347, %ne3A_348 : i32
    %and3A_350 = arith.andi %ne3A_346, %ne3A_349 : i1
    %sub3A_351 = arith.constant 1 : i32
    %sub3A_352 = arith.subi %div3A_331, %sub3A_351 : i32
    %select_n3A_353 = arith.select %and3A_350, %sub3A_352, %div3A_331 : i32
    %mul3A_354 = arith.constant 16 : i32
    %mul3A_355 = arith.muli %select_n3A_353, %mul3A_354 : i32
    %parallel_loop3A_356 = arith.constant 0 : i32
    %parallel_loop3A_357 = arith.constant 16 : i32
    scf.for %parallel_loop3A_472 = %parallel_loop3A_356 to %mul3A_355 step %parallel_loop3A_357  : i32 {
      %parallel_loop3A_473 = arith.index_cast %parallel_loop3A_472 : i32 to index
      %parallel_loop3A_474 = tpu.vector_load %arg11[%parallel_loop3A_473] {strides = array<i32>} : memref<8224xi32, #tpu.memory_space<vmem>>, vector<16xi32>,
      %parallel_loop3A_475 = arith.constant 14 : i32
      %parallel_loop3A_476 = vector.broadcast %parallel_loop3A_475 : i32 to vector<16xi32>
      %parallel_loop3A_477 = arith.shrsi %parallel_loop3A_474, %parallel_loop3A_476 : vector<16xi32>
      %parallel_loop3A_478 = arith.constant 127 : i32
      %parallel_loop3A_479 = vector.broadcast %parallel_loop3A_478 : i32 to vector<16xi32>
      %parallel_loop3A_480 = arith.andi %parallel_loop3A_477, %parallel_loop3A_479 : vector<16xi32>
      %parallel_loop3A_481 = arith.constant -2147483648 : i32
      %parallel_loop3A_482 = vector.broadcast %parallel_loop3A_481 : i32 to vector<16xi32>
      %parallel_loop3A_483 = arith.cmpi ne, %parallel_loop3A_474, %parallel_loop3A_482 : vector<16xi32>
      tpu.vector_store_idx %arg10[%parallel_loop3A_480], %broadcast_in_dim3A_3 masked %parallel_loop3A_483 {add = true} : memref<128xi32, #tpu.memory_space<vmem>>[vector<16xi32>], vector<16xi32>, vector<16xi1>
    } {sc.loop_unroll_factor = 1 : i64, sc.parallel_access}
    %add3A_358 = arith.constant 0 : i32
    %add3A_359 = arith.constant 0 : i32
    %add3A_360 = arith.addi %add3A_358, %add3A_359 : i32
    %while3A_361 = arith.constant 0 : i32
    %while3A_362 = arith.constant 0 : i32
    %while3A_363 = arith.constant 0 : i32
    %while3A_364:6 = scf.while (%while3A_472 = %add3A_360, %while3A_473 = %while3A_361, %while3A_474 = %while3A_362, %while3A_475 = %while3A_363, %while3A_476 = %broadcast_in_dim3A_1, %while3A_477 = %broadcast_in_dim3A_1) : (i32, i32, i32, i32, vector<16xi32>, vector<16xi32>) -> (i32, i32, i32, i32, vector<16xi32>, vector<16xi32>) {
      %eq3A_478 = arith.constant 0 : i32
      %eq3A_479 = arith.cmpi eq, %while3A_473, %eq3A_478 : i32
      scf.condition(%eq3A_479) %while3A_472, %while3A_473, %while3A_474, %while3A_475, %while3A_476, %while3A_477 : i32, i32, i32, i32, vector<16xi32>, vector<16xi32>
    } do {
    ^bb0(%while3A_472: i32, %while3A_473: i32, %while3A_474: i32, %while3A_475: i32, %while3A_476: vector<16xi32>, %while3A_477: vector<16xi32>):
      %add3A_478 = arith.constant 1 : i32
      %add3A_479 = arith.addi %while3A_472, %add3A_478 : i32
      %mul3A_480 = arith.constant 16 : i32
      %mul3A_481 = arith.muli %mul3A_480, %add3A_479 : i32
      %sub3A_482 = arith.constant 128 : i32
      %sub3A_483 = arith.subi %sub3A_482, %mul3A_481 : i32
      %get3A = arith.index_cast %sub3A_483 : i32 to index
      %get3A_484 = tpu.vector_load %arg10[%get3A] {strides = array<i32>} : memref<128xi32, #tpu.memory_space<vmem>>, vector<16xi32>,
      %rev3A = arith.constant 15 : i32
      %rev3A_485 = vector.broadcast %rev3A : i32 to vector<16xi32>
      %rev3A_486 = tpu.iota {dimensions = array<i32: 0>} : vector<16xi32>
      %rev3A_487 = arith.subi %rev3A_485, %rev3A_486 : vector<16xi32>
      %rev3A_488 = tpu.dynamic_gather %get3A_484[%rev3A_487] in [0] : vector<16xi32>, vector<16xi32> -> vector<16xi32>
      %broadcast_in_dim3A_489 = arith.constant true
      %broadcast_in_dim3A_490 = vector.broadcast %broadcast_in_dim3A_489 : i1 to vector<16xi1>
      %masked_cumsum3A = tpu.scan <sum>, %rev3A_488 masked %broadcast_in_dim3A_490 : vector<16xi32>, vector<16xi1> -> vector<16xi32>
      %add3A_491 = vector.broadcast %while3A_475 : i32 to vector<16xi32>
      %add3A_492 = arith.addi %add3A_491, %masked_cumsum3A : vector<16xi32>
      %ge3A = vector.broadcast %sub3A_316 : i32 to vector<16xi32>
      %ge3A_493 = arith.cmpi sge, %add3A_492, %ge3A : vector<16xi32>
      %all_reduce_population_count3A = tpu.all_reduce %ge3A_493 {dim = 0 : i64, kind = #tpu.reduction_kind<sum>} : vector<16xi1> -> vector<16xi32>
      %slice3A = vector.extract_strided_slice %all_reduce_population_count3A {offsets = [0], sizes = [1], strides = [1]} : vector<16xi32> to vector<1xi32>
      %squeeze3A = vector.extract %slice3A[0] : i32 from vector<1xi32>
      %all_reduce_ffs3A = tpu.all_reduce %ge3A_493 {dim = 0 : i64, kind = #tpu.reduction_kind<find_first_set>} : vector<16xi1> -> vector<16xi32>
      %slice3A_494 = vector.extract_strided_slice %all_reduce_ffs3A {offsets = [0], sizes = [1], strides = [1]} : vector<16xi32> to vector<1xi32>
      %squeeze3A_495 = vector.extract %slice3A_494[0] : i32 from vector<1xi32>
      %gt3A = arith.constant 0 : i32
      %gt3A_496 = arith.cmpi sgt, %squeeze3A, %gt3A : i32
      %add3A_497 = arith.constant 1 : i32
      %add3A_498 = arith.addi %while3A_472, %add3A_497 : i32
      %jit3A_499 = arith.constant 1 : i32
      %jit3A_500 = arith.constant 0 : i32
      %select_n3A_501 = arith.select %gt3A_496, %jit3A_499, %jit3A_500 : i32
      %select_n3A_502 = arith.select %gt3A_496, %squeeze3A_495, %while3A_474 : i32
      %slice3A_503 = vector.extract_strided_slice %add3A_492 {offsets = [15], sizes = [1], strides = [1]} : vector<16xi32> to vector<1xi32>
      %squeeze3A_504 = vector.extract %slice3A_503[0] : i32 from vector<1xi32>
      %select_n3A_505 = arith.select %gt3A_496, %while3A_475, %squeeze3A_504 : i32
      %select_n3A_506 = arith.select %gt3A_496, %add3A_492, %while3A_476 : vector<16xi32>
      %select_n3A_507 = arith.select %gt3A_496, %rev3A_488, %while3A_477 : vector<16xi32>
      scf.yield %add3A_498, %select_n3A_501, %select_n3A_502, %select_n3A_505, %select_n3A_506, %select_n3A_507 : i32, i32, i32, i32, vector<16xi32>, vector<16xi32>
    }
    %sub3A_365 = arith.constant 1 : i32
    %sub3A_366 = arith.subi %while3A_364#0, %sub3A_365 : i32
    %mul3A_367 = arith.constant 16 : i32
    %mul3A_368 = arith.muli %mul3A_367, %sub3A_366 : i32
    %sub3A_369 = arith.constant 127 : i32
    %sub3A_370 = arith.subi %sub3A_369, %mul3A_368 : i32
    %sub3A_371 = arith.subi %sub3A_370, %while3A_364#2 : i32
    %eq3A_372 = vector.broadcast %while3A_364#2 : i32 to vector<16xi32>
    %eq3A_373 = arith.cmpi eq, %iota3A, %eq3A_372 : vector<16xi32>
    %sub3A_374 = arith.subi %while3A_364#4, %while3A_364#5 : vector<16xi32>
    %jit3A_375 = arith.constant 0 : i32
    %broadcast_in_dim3A_376 = vector.broadcast %jit3A_375 : i32 to vector<16xi32>
    %select_n3A_377 = arith.select %eq3A_373, %sub3A_374, %broadcast_in_dim3A_376 : vector<16xi1>, vector<16xi32>
    %reduce_sum3A_378 = arith.constant true
    %reduce_sum3A_379 = vector.broadcast %reduce_sum3A_378 : i1 to vector<16xi1>
    %reduce_sum3A_380 = tpu.scan <sum>, %select_n3A_377 masked %reduce_sum3A_379 : vector<16xi32>, vector<16xi1> -> vector<16xi32>
    %reduce_sum3A_381 = vector.extract %reduce_sum3A_380[15] : i32 from vector<16xi32>
    %sub3A_382 = arith.subi %sub3A_316, %reduce_sum3A_381 : i32
    %mul3A_383 = arith.constant 16 : i32
    %mul3A_384 = arith.muli %select_n3A_353, %mul3A_383 : i32
    %parallel_loop3A_385 = arith.constant 0 : i32
    %parallel_loop3A_386 = arith.constant 16 : i32
    %parallel_loop3A_387 = arith.constant 0 : i32
    %parallel_loop3A_388 = scf.for %parallel_loop3A_472 = %parallel_loop3A_385 to %mul3A_384 step %parallel_loop3A_386 iter_args(%parallel_loop3A_473 = %parallel_loop3A_387) -> (i32)  : i32 {
      %parallel_loop3A_474 = arith.index_cast %parallel_loop3A_472 : i32 to index
      %parallel_loop3A_475 = tpu.vector_load %arg11[%parallel_loop3A_474] {strides = array<i32>} : memref<8224xi32, #tpu.memory_space<vmem>>, vector<16xi32>,
      %parallel_loop3A_476 = arith.index_cast %parallel_loop3A_472 : i32 to index
      %parallel_loop3A_477 = tpu.vector_load %arg12[%parallel_loop3A_476] {strides = array<i32>} : memref<8224xi32, #tpu.memory_space<vmem>>, vector<16xi32>,
      %parallel_loop3A_478 = arith.constant 14 : i32
      %parallel_loop3A_479 = vector.broadcast %parallel_loop3A_478 : i32 to vector<16xi32>
      %parallel_loop3A_480 = arith.shrsi %parallel_loop3A_475, %parallel_loop3A_479 : vector<16xi32>
      %parallel_loop3A_481 = arith.constant 127 : i32
      %parallel_loop3A_482 = vector.broadcast %parallel_loop3A_481 : i32 to vector<16xi32>
      %parallel_loop3A_483 = arith.andi %parallel_loop3A_480, %parallel_loop3A_482 : vector<16xi32>
      %parallel_loop3A_484 = vector.broadcast %sub3A_371 : i32 to vector<16xi32>
      %parallel_loop3A_485 = arith.cmpi eq, %parallel_loop3A_483, %parallel_loop3A_484 : vector<16xi32>
      %parallel_loop3A_486 = arith.constant -2147483648 : i32
      %parallel_loop3A_487 = vector.broadcast %parallel_loop3A_486 : i32 to vector<16xi32>
      %parallel_loop3A_488 = arith.cmpi ne, %parallel_loop3A_475, %parallel_loop3A_487 : vector<16xi32>
      %parallel_loop3A_489 = arith.andi %parallel_loop3A_485, %parallel_loop3A_488 : vector<16xi1>
      %parallel_loop3A_490 = arith.index_cast %parallel_loop3A_473 : i32 to index
      %parallel_loop3A_491 = tpu.vector_load %arg13[%parallel_loop3A_490] masked %parallel_loop3A_489 {strides = array<i32>} : memref<8224xi32, #tpu.memory_space<vmem>>, vector<16xi32>, vector<16xi1>
      tpu.vector_store %arg13[%parallel_loop3A_490], %parallel_loop3A_475 masked %parallel_loop3A_489 {strides = array<i32>} : memref<8224xi32, #tpu.memory_space<vmem>>, vector<16xi32>, vector<16xi1>
      %parallel_loop3A_492 = arith.index_cast %parallel_loop3A_473 : i32 to index
      %parallel_loop3A_493 = tpu.vector_load %arg14[%parallel_loop3A_492] masked %parallel_loop3A_489 {strides = array<i32>} : memref<8224xi32, #tpu.memory_space<vmem>>, vector<16xi32>, vector<16xi1>
      tpu.vector_store %arg14[%parallel_loop3A_492], %parallel_loop3A_477 masked %parallel_loop3A_489 {strides = array<i32>} : memref<8224xi32, #tpu.memory_space<vmem>>, vector<16xi32>, vector<16xi1>
      %parallel_loop3A_494 = tpu.all_reduce %parallel_loop3A_489 {dim = 0 : i64, kind = #tpu.reduction_kind<sum>} : vector<16xi1> -> vector<16xi32>
      %parallel_loop3A_495 = vector.extract_strided_slice %parallel_loop3A_494 {offsets = [0], sizes = [1], strides = [1]} : vector<16xi32> to vector<1xi32>
      %parallel_loop3A_496 = vector.extract %parallel_loop3A_495[0] : i32 from vector<1xi32>
      %parallel_loop3A_497 = arith.addi %parallel_loop3A_473, %parallel_loop3A_496 : i32
      scf.yield %parallel_loop3A_497 : i32
    } {sc.loop_unroll_factor = 1 : i64, sc.parallel_access}
    %broadcast_in_dim3A_389 = arith.constant -2147483648 : i32
    %broadcast_in_dim3A_390 = vector.broadcast %broadcast_in_dim3A_389 : i32 to vector<16xi32>
    %swap3A_391 = arith.index_cast %parallel_loop3A_388 : i32 to index
    %swap3A_392 = tpu.vector_load %arg13[%swap3A_391] {strides = array<i32>} : memref<8224xi32, #tpu.memory_space<vmem>>, vector<16xi32>,
    tpu.vector_store %arg13[%swap3A_391], %broadcast_in_dim3A_390 {strides = array<i32>} : memref<8224xi32, #tpu.memory_space<vmem>>, vector<16xi32>,
    %add3A_393 = arith.constant 16 : i32
    %add3A_394 = arith.addi %parallel_loop3A_388, %add3A_393 : i32
    %sub3A_395 = arith.constant 1 : i32
    %sub3A_396 = arith.subi %add3A_394, %sub3A_395 : i32
    %jit3A_397 = arith.constant 16 : i32
    %div3A_398 = arith.divsi %sub3A_396, %jit3A_397 : i32
    %sign3A_399 = arith.constant 0 : i32
    %sign3A_400 = arith.cmpi sgt, %sub3A_396, %sign3A_399 : i32
    %sign3A_401 = arith.extui %sign3A_400 : i1 to i32
    %sign3A_402 = arith.constant 0 : i32
    %sign3A_403 = arith.cmpi slt, %sub3A_396, %sign3A_402 : i32
    %sign3A_404 = arith.extui %sign3A_403 : i1 to i32
    %sign3A_405 = arith.subi %sign3A_401, %sign3A_404 : i32
    %sign3A_406 = arith.constant 0 : i32
    %sign3A_407 = arith.cmpi sgt, %jit3A_397, %sign3A_406 : i32
    %sign3A_408 = arith.extui %sign3A_407 : i1 to i32
    %sign3A_409 = arith.constant 0 : i32
    %sign3A_410 = arith.cmpi slt, %jit3A_397, %sign3A_409 : i32
    %sign3A_411 = arith.extui %sign3A_410 : i1 to i32
    %sign3A_412 = arith.subi %sign3A_408, %sign3A_411 : i32
    %ne3A_413 = arith.cmpi ne, %sign3A_405, %sign3A_412 : i32
    %rem3A_414 = arith.remsi %sub3A_396, %jit3A_397 : i32
    %ne3A_415 = arith.constant 0 : i32
    %ne3A_416 = arith.cmpi ne, %rem3A_414, %ne3A_415 : i32
    %and3A_417 = arith.andi %ne3A_413, %ne3A_416 : i1
    %sub3A_418 = arith.constant 1 : i32
    %sub3A_419 = arith.subi %div3A_398, %sub3A_418 : i32
    %select_n3A_420 = arith.select %and3A_417, %sub3A_419, %div3A_398 : i32
    %sub3A_421 = arith.constant 1024 : i32
    %sub3A_422 = arith.subi %sub3A_304, %sub3A_421 : i32
    %shift_left3A_423 = arith.constant 21 : i32
    %shift_left3A_424 = arith.shli %sub3A_422, %shift_left3A_423 : i32
    %shift_left3A_425 = arith.constant 14 : i32
    %shift_left3A_426 = arith.shli %sub3A_371, %shift_left3A_425 : i32
    %or3A_427 = arith.ori %shift_left3A_424, %shift_left3A_426 : i32
    %scan3A_428 = arith.constant 0 : i32
    %scan3A_429 = arith.constant 14 : i32
    %scan3A_430 = arith.addi %scan3A_428, %scan3A_429 : i32
    %scan3A_431 = arith.constant 1 : i32
    %scan3A_432 = scf.for %scan3A_472 = %scan3A_428 to %scan3A_430 step %scan3A_431 iter_args(%scan3A_473 = %or3A_427) -> (i32)  : i32 {
      %sub3A_474 = arith.constant 13 : i32
      %sub3A_475 = arith.subi %sub3A_474, %scan3A_472 : i32
      %shift_left3A_476 = arith.constant 1 : i32
      %shift_left3A_477 = arith.shli %shift_left3A_476, %sub3A_475 : i32
      %or3A_478 = arith.ori %scan3A_473, %shift_left3A_477 : i32
      %mul3A_479 = arith.constant 16 : i32
      %mul3A_480 = arith.muli %select_n3A_420, %mul3A_479 : i32
      %parallel_loop3A_481 = arith.constant 0 : i32
      %parallel_loop3A_482 = arith.constant 16 : i32
      %parallel_loop3A_483 = scf.for %parallel_loop3A_489 = %parallel_loop3A_481 to %mul3A_480 step %parallel_loop3A_482 iter_args(%parallel_loop3A_490 = %broadcast_in_dim3A_1) -> (vector<16xi32>)  : i32 {
        %parallel_loop3A_491 = arith.index_cast %parallel_loop3A_489 : i32 to index
        %parallel_loop3A_492 = tpu.vector_load %arg13[%parallel_loop3A_491] {strides = array<i32>} : memref<8224xi32, #tpu.memory_space<vmem>>, vector<16xi32>,
        %parallel_loop3A_493 = vector.broadcast %or3A_478 : i32 to vector<16xi32>
        %parallel_loop3A_494 = arith.cmpi sge, %parallel_loop3A_492, %parallel_loop3A_493 : vector<16xi32>
        %parallel_loop3A_495 = arith.constant 1 : i32
        %parallel_loop3A_496 = arith.constant 0 : i32
        %parallel_loop3A_497 = vector.broadcast %parallel_loop3A_495 : i32 to vector<16xi32>
        %parallel_loop3A_498 = vector.broadcast %parallel_loop3A_496 : i32 to vector<16xi32>
        %parallel_loop3A_499 = arith.select %parallel_loop3A_494, %parallel_loop3A_497, %parallel_loop3A_498 : vector<16xi1>, vector<16xi32>
        %parallel_loop3A_500 = arith.addi %parallel_loop3A_490, %parallel_loop3A_499 : vector<16xi32>
        scf.yield %parallel_loop3A_500 : vector<16xi32>
      } {sc.loop_unroll_factor = 1 : i64, sc.parallel_access}
      %reduce_sum3A_484 = arith.constant true
      %reduce_sum3A_485 = vector.broadcast %reduce_sum3A_484 : i1 to vector<16xi1>
      %reduce_sum3A_486 = tpu.scan <sum>, %parallel_loop3A_483 masked %reduce_sum3A_485 : vector<16xi32>, vector<16xi1> -> vector<16xi32>
      %reduce_sum3A_487 = vector.extract %reduce_sum3A_486[15] : i32 from vector<16xi32>
      %ge3A = arith.cmpi sge, %reduce_sum3A_487, %sub3A_382 : i32
      %select_n3A_488 = arith.select %ge3A, %or3A_478, %scan3A_473 : i32
      scf.yield %select_n3A_488 : i32
    }
    %scan3A_433 = arith.constant 14 : i32
    %mul3A_434 = arith.constant 16 : i32
    %mul3A_435 = arith.muli %select_n3A_420, %mul3A_434 : i32
    %parallel_loop3A_436 = arith.constant 0 : i32
    %parallel_loop3A_437 = arith.constant 16 : i32
    %parallel_loop3A_438 = scf.for %parallel_loop3A_472 = %parallel_loop3A_436 to %mul3A_435 step %parallel_loop3A_437 iter_args(%parallel_loop3A_473 = %broadcast_in_dim3A_1) -> (vector<16xi32>)  : i32 {
      %parallel_loop3A_474 = arith.index_cast %parallel_loop3A_472 : i32 to index
      %parallel_loop3A_475 = tpu.vector_load %arg13[%parallel_loop3A_474] {strides = array<i32>} : memref<8224xi32, #tpu.memory_space<vmem>>, vector<16xi32>,
      %parallel_loop3A_476 = vector.broadcast %scan3A_432 : i32 to vector<16xi32>
      %parallel_loop3A_477 = arith.cmpi sgt, %parallel_loop3A_475, %parallel_loop3A_476 : vector<16xi32>
      %parallel_loop3A_478 = arith.constant 1 : i32
      %parallel_loop3A_479 = arith.constant 0 : i32
      %parallel_loop3A_480 = vector.broadcast %parallel_loop3A_478 : i32 to vector<16xi32>
      %parallel_loop3A_481 = vector.broadcast %parallel_loop3A_479 : i32 to vector<16xi32>
      %parallel_loop3A_482 = arith.select %parallel_loop3A_477, %parallel_loop3A_480, %parallel_loop3A_481 : vector<16xi1>, vector<16xi32>
      %parallel_loop3A_483 = arith.addi %parallel_loop3A_473, %parallel_loop3A_482 : vector<16xi32>
      scf.yield %parallel_loop3A_483 : vector<16xi32>
    } {sc.loop_unroll_factor = 1 : i64, sc.parallel_access}
    %reduce_sum3A_439 = arith.constant true
    %reduce_sum3A_440 = vector.broadcast %reduce_sum3A_439 : i1 to vector<16xi1>
    %reduce_sum3A_441 = tpu.scan <sum>, %parallel_loop3A_438 masked %reduce_sum3A_440 : vector<16xi32>, vector<16xi1> -> vector<16xi32>
    %reduce_sum3A_442 = vector.extract %reduce_sum3A_441[15] : i32 from vector<16xi32>
    %sub3A_443 = arith.subi %sub3A_382, %reduce_sum3A_442 : i32
    %scan3A_444 = arith.constant 0 : i32
    %scan3A_445 = arith.constant 0 : i32
    %scan3A_446 = arith.constant 13 : i32
    %scan3A_447 = arith.addi %scan3A_445, %scan3A_446 : i32
    %scan3A_448 = arith.constant 1 : i32
    %scan3A_449 = scf.for %scan3A_472 = %scan3A_445 to %scan3A_447 step %scan3A_448 iter_args(%scan3A_473 = %scan3A_444) -> (i32)  : i32 {
      %sub3A_474 = arith.constant 12 : i32
      %sub3A_475 = arith.subi %sub3A_474, %scan3A_472 : i32
      %shift_left3A_476 = arith.constant 1 : i32
      %shift_left3A_477 = arith.shli %shift_left3A_476, %sub3A_475 : i32
      %add3A_478 = arith.addi %scan3A_473, %shift_left3A_477 : i32
      %mul3A_479 = arith.constant 16 : i32
      %mul3A_480 = arith.muli %select_n3A_420, %mul3A_479 : i32
      %parallel_loop3A_481 = arith.constant 0 : i32
      %parallel_loop3A_482 = arith.constant 16 : i32
      %parallel_loop3A_483 = scf.for %parallel_loop3A_489 = %parallel_loop3A_481 to %mul3A_480 step %parallel_loop3A_482 iter_args(%parallel_loop3A_490 = %broadcast_in_dim3A_1) -> (vector<16xi32>)  : i32 {
        %parallel_loop3A_491 = arith.index_cast %parallel_loop3A_489 : i32 to index
        %parallel_loop3A_492 = tpu.vector_load %arg13[%parallel_loop3A_491] {strides = array<i32>} : memref<8224xi32, #tpu.memory_space<vmem>>, vector<16xi32>,
        %parallel_loop3A_493 = arith.index_cast %parallel_loop3A_489 : i32 to index
        %parallel_loop3A_494 = tpu.vector_load %arg14[%parallel_loop3A_493] {strides = array<i32>} : memref<8224xi32, #tpu.memory_space<vmem>>, vector<16xi32>,
        %parallel_loop3A_495 = vector.broadcast %scan3A_432 : i32 to vector<16xi32>
        %parallel_loop3A_496 = arith.cmpi eq, %parallel_loop3A_492, %parallel_loop3A_495 : vector<16xi32>
        %parallel_loop3A_497 = vector.broadcast %add3A_478 : i32 to vector<16xi32>
        %parallel_loop3A_498 = arith.cmpi slt, %parallel_loop3A_494, %parallel_loop3A_497 : vector<16xi32>
        %parallel_loop3A_499 = arith.andi %parallel_loop3A_496, %parallel_loop3A_498 : vector<16xi1>
        %parallel_loop3A_500 = arith.constant 1 : i32
        %parallel_loop3A_501 = arith.constant 0 : i32
        %parallel_loop3A_502 = vector.broadcast %parallel_loop3A_500 : i32 to vector<16xi32>
        %parallel_loop3A_503 = vector.broadcast %parallel_loop3A_501 : i32 to vector<16xi32>
        %parallel_loop3A_504 = arith.select %parallel_loop3A_499, %parallel_loop3A_502, %parallel_loop3A_503 : vector<16xi1>, vector<16xi32>
        %parallel_loop3A_505 = arith.addi %parallel_loop3A_490, %parallel_loop3A_504 : vector<16xi32>
        scf.yield %parallel_loop3A_505 : vector<16xi32>
      } {sc.loop_unroll_factor = 1 : i64, sc.parallel_access}
      %reduce_sum3A_484 = arith.constant true
      %reduce_sum3A_485 = vector.broadcast %reduce_sum3A_484 : i1 to vector<16xi1>
      %reduce_sum3A_486 = tpu.scan <sum>, %parallel_loop3A_483 masked %reduce_sum3A_485 : vector<16xi32>, vector<16xi1> -> vector<16xi32>
      %reduce_sum3A_487 = vector.extract %reduce_sum3A_486[15] : i32 from vector<16xi32>
      %lt3A = arith.cmpi slt, %reduce_sum3A_487, %sub3A_443 : i32
      %select_n3A_488 = arith.select %lt3A, %add3A_478, %scan3A_473 : i32
      scf.yield %select_n3A_488 : i32
    }
    %scan3A_450 = arith.constant 13 : i32
    %parallel_loop3A_451 = arith.constant 0 : i32
    %parallel_loop3A_452 = arith.constant 8192 : i32
    %parallel_loop3A_453 = arith.constant 16 : i32
    scf.for %parallel_loop3A_472 = %parallel_loop3A_451 to %parallel_loop3A_452 step %parallel_loop3A_453  : i32 {
      %parallel_loop3A_473 = arith.index_cast %parallel_loop3A_472 : i32 to index
      %parallel_loop3A_474 = tpu.vector_load %arg6[%parallel_loop3A_473] {strides = array<i32>} : memref<8192xi32, #tpu.memory_space<vmem>>, vector<16xi32>,
      %parallel_loop3A_475 = vector.broadcast %parallel_loop3A_472 : i32 to vector<16xi32>
      %parallel_loop3A_476 = arith.addi %iota3A, %parallel_loop3A_475 : vector<16xi32>
      %parallel_loop3A_477 = vector.broadcast %scan3A_432 : i32 to vector<16xi32>
      %parallel_loop3A_478 = arith.cmpi sgt, %parallel_loop3A_474, %parallel_loop3A_477 : vector<16xi32>
      %parallel_loop3A_479 = vector.broadcast %scan3A_432 : i32 to vector<16xi32>
      %parallel_loop3A_480 = arith.cmpi eq, %parallel_loop3A_474, %parallel_loop3A_479 : vector<16xi32>
      %parallel_loop3A_481 = vector.broadcast %scan3A_449 : i32 to vector<16xi32>
      %parallel_loop3A_482 = arith.cmpi sle, %parallel_loop3A_476, %parallel_loop3A_481 : vector<16xi32>
      %parallel_loop3A_483 = arith.andi %parallel_loop3A_480, %parallel_loop3A_482 : vector<16xi1>
      %parallel_loop3A_484 = arith.ori %parallel_loop3A_478, %parallel_loop3A_483 : vector<16xi1>
      %parallel_loop3A_485 = arith.constant 1.000000e+00 : f32
      %parallel_loop3A_486 = arith.constant 0.000000e+00 : f32
      %parallel_loop3A_487 = vector.broadcast %parallel_loop3A_485 : f32 to vector<16xf32>
      %parallel_loop3A_488 = vector.broadcast %parallel_loop3A_486 : f32 to vector<16xf32>
      %parallel_loop3A_489 = arith.select %parallel_loop3A_484, %parallel_loop3A_487, %parallel_loop3A_488 : vector<16xi1>, vector<16xf32>
      %parallel_loop3A_490 = arith.index_cast %parallel_loop3A_472 : i32 to index
      %parallel_loop3A_491 = tpu.vector_load %arg8[%parallel_loop3A_490] {strides = array<i32>} : memref<8192xf32, #tpu.memory_space<vmem>>, vector<16xf32>,
      tpu.vector_store %arg8[%parallel_loop3A_490], %parallel_loop3A_489 {strides = array<i32>} : memref<8192xf32, #tpu.memory_space<vmem>>, vector<16xf32>,
    } {sc.loop_unroll_factor = 8 : i64, sc.parallel_access}
    %dma_start3A_454 = arith.constant 0 : i32
    %dma_start3A_455 = tpu.memref_slice %arg3[%add3A_235, %dma_start3A_454] : memref<64x8192xf32, #tpu.memory_space<hbm>> -> memref<1x8192xf32, #tpu.memory_space<hbm>>
    %dma_start3A_456 = tpu.memref_squeeze %dma_start3A_455 : memref<1x8192xf32, #tpu.memory_space<hbm>> -> memref<8192xf32, #tpu.memory_space<hbm>>
    %dma_start3A_457 = arith.constant 0 : i32
    %dma_start3A_458 = tpu.memref_slice %arg3[%add3A_235, %dma_start3A_457] : memref<64x8192xf32, #tpu.memory_space<hbm>> -> memref<1x8192xf32, #tpu.memory_space<hbm>>
    %dma_start3A_459 = tpu.memref_squeeze %dma_start3A_458 : memref<1x8192xf32, #tpu.memory_space<hbm>> -> memref<8192xf32, #tpu.memory_space<hbm>>
    tpu.enqueue_dma source(%arg8 : memref<8192xf32, #tpu.memory_space<vmem>>) target(%dma_start3A_459 : memref<8192xf32, #tpu.memory_space<hbm>>) target_semaphore(%arg18 : memref<!tpu.dma_semaphore, #tpu.memory_space<semaphore_mem>>)
    %dma_wait3A_460 = arith.constant 0 : i32
    %dma_wait3A_461 = tpu.memref_slice %arg3[%add3A_26, %dma_wait3A_460] : memref<64x8192xf32, #tpu.memory_space<hbm>> -> memref<1x8192xf32, #tpu.memory_space<hbm>>
    %dma_wait3A_462 = tpu.memref_squeeze %dma_wait3A_461 : memref<1x8192xf32, #tpu.memory_space<hbm>> -> memref<8192xf32, #tpu.memory_space<hbm>>
    %dma_wait3A_463 = arith.constant 0 : i32
    %dma_wait3A_464 = tpu.memref_slice %arg3[%add3A_26, %dma_wait3A_463] : memref<64x8192xf32, #tpu.memory_space<hbm>> -> memref<1x8192xf32, #tpu.memory_space<hbm>>
    %dma_wait3A_465 = tpu.memref_squeeze %dma_wait3A_464 : memref<1x8192xf32, #tpu.memory_space<hbm>> -> memref<8192xf32, #tpu.memory_space<hbm>>
    tpu.wait_dma2 semaphore(%arg17 : memref<!tpu.dma_semaphore, #tpu.memory_space<semaphore_mem>>) src(%arg7 : memref<8192xf32, #tpu.memory_space<vmem>>) dst(%dma_wait3A_465 : memref<8192xf32, #tpu.memory_space<hbm>>)
    %dma_wait3A_466 = arith.constant 0 : i32
    %dma_wait3A_467 = tpu.memref_slice %arg3[%add3A_235, %dma_wait3A_466] : memref<64x8192xf32, #tpu.memory_space<hbm>> -> memref<1x8192xf32, #tpu.memory_space<hbm>>
    %dma_wait3A_468 = tpu.memref_squeeze %dma_wait3A_467 : memref<1x8192xf32, #tpu.memory_space<hbm>> -> memref<8192xf32, #tpu.memory_space<hbm>>
    %dma_wait3A_469 = arith.constant 0 : i32
    %dma_wait3A_470 = tpu.memref_slice %arg3[%add3A_235, %dma_wait3A_469] : memref<64x8192xf32, #tpu.memory_space<hbm>> -> memref<1x8192xf32, #tpu.memory_space<hbm>>
    %dma_wait3A_471 = tpu.memref_squeeze %dma_wait3A_470 : memref<1x8192xf32, #tpu.memory_space<hbm>> -> memref<8192xf32, #tpu.memory_space<hbm>>
    tpu.wait_dma2 semaphore(%arg18 : memref<!tpu.dma_semaphore, #tpu.memory_space<semaphore_mem>>) src(%arg8 : memref<8192xf32, #tpu.memory_space<vmem>>) dst(%dma_wait3A_471 : memref<8192xf32, #tpu.memory_space<hbm>>)
    return
  }
}

</mosaic_0001>

<sc_bundles>
// kernel: kernel.3.cloned.1.call-start
scs
__scs_entry_jumppad:
0x0: {  	(pc) =	sbr.rel $0x88, $3  }
0x1: {  	(tag) =	ssettag $0x0;
	lr =	simm.s32 $0x1  }
0x2: {  	[smem:$0x3FA0] =	sst lr;
	_ =	strace $0xD0000000  }
0x3: {  	_ = 	snop  }
0x4: {  	_ = 	snop  }
0x5: {  	_ = 	snop  }
0x6: {  	_ = 	snop  }
0x7: {  	_ = 	snop  }
__scs_overlays_trampoline_lowered:
0x8: {  	[smem:$0x3FAF] =	sst s0  }
0x9: {  	[smem:$0x3FB0] =	sst s1  }
0xa: {  	[smem:$0x3FB1] =	sst s2  }
0xb: {  	[smem:$0x3FB2] =	sst s3  }
0xc: {  	[smem:$0x3FB3] =	sst s4  }
0xd: {  	[smem:$0x3FB4] =	sst s5  }
0xe: {  	[smem:$0x3FB5] =	sst s6  }
0xf: {  	[smem:$0x3FB6] =	sst s7  }
0x10: {  	[smem:$0x3FB7] =	sst s8  }
0x11: {  	[smem:$0x3FB8] =	sst s9;
	s0 =	simm.s32 @!p0 $0x0  }
0x12: {  	s1 =	sld [smem:$0x3F9E];
	s0 =	simm.s32 @p0 $0x1  }
0x13: {  	[smem:$0x3FB9] =	sst s0;
	s0 =	simm.s32 @!p1 $0x0  }
0x14: {  	s2 =	sld [smem:$0x3F9D];
	s0 =	simm.s32 @p1 $0x1  }
0x15: {  	[smem:$0x3FBA] =	sst s0;
	s0 =	simm.s32 @!p2 $0x0  }
0x16: {  	s3 =	sld [smem:$0x3FDB];
	s0 =	simm.s32 @p2 $0x1  }
0x17: {  	s4 =	simm.s32 $0x1BF5;
	[smem:$0x3FBC] =	sst s0  }
0x18: {  	s0 =	sld [smem:$0x3F9F];
	_ =	swait.ge [sflag:s4], $0x0  }
0x19: {  	s7 =	sld [smem:$0x3FA0]  }
0x1a: {  	s8 =	sadd.s32 $0xFFFFE003, lr  }
0x1b: {  	s9 =	sadd.s32 $0xFFFFFEF7, lr;
	s5 =	simm.s32 $0xFFFFFFFF;
	p2 =	slt.u32 s8, $0xFFFFF086  }
0x1c: {  	p1 =	slt.u32 s9, $0xF7A;
	s5 =	simm.s32 @!p2 $0x0  }
0x1d: {  	s5 =	simm.s32 @p1 $0x1;
	p0 =	seq.s32 s7, s2  }
0x1e: {  	s7 =	smul.u32 @!p0 $0xF7A, s2;
	p2 =	seq.s32 @!p0 s5, $0x0  }
0x1f: {  	s9 =	smul.u32 $0xF7A, s1;
	s8 =	simm.s32 @!p0 $0x1BF5;
	p2 =	por !p2, p0  }
0x20: {  	[sflag:s8] =	ssyncset.s32 @!p0 $0xFFFFF086;
	s6 =	sadd.s32 @!p0 s3, s7;
	s7 =	simm.s32 @!p0 $0x108  }
0x21: {  	s3 =	sadd.s32 s3, s9;
	s6 =	sadd.s32 @!p0 $0x88, s6;
	s7 =	simm.s32 @p2 $0x1082  }
0x22: {  	[simem:s7], [sflag:s8] =	dma.local @!p0 [hbm:s6], $0xF7A  }
0x23: {  	s9 =	sor.u32 $0xD0000000, s2;
	s6 =	simm.s32 $0x108;
	_ =	swait.ge @!p0 [sflag:s8], $0x0  }
0x24: {  	s3 =	sadd.s32 $0x88, s3;
	s6 =	simm.s32 @!p1 $0x1082;
	[sflag:s4] =	ssyncset.s32 $0xFFFFF086  }
0x25: {  	[simem:s6], [sflag:s4] =	dma.local [hbm:s3], $0xF7A  }
0x26: {  	[smem:$0x3FA0] =	sst s1;
	(tag) =	ssettag s2;
	_ =	strace s9  }
0x27: {  	s1 =	sld [smem:$0x3FB0]  }
0x28: {  	s2 =	sld [smem:$0x3FB1]  }
0x29: {  	s4 =	sld [smem:$0x3FB3]  }
0x2a: {  	p0 =	seq.s32 s5, $0x0;
	s5 =	sld [smem:$0x3FB4]  }
0x2b: {  	s6 =	sld [smem:$0x3FB5]  }
0x2c: {  	s7 =	sld [smem:$0x3FB6]  }
0x2d: {  	s3 =	simm.s32 $0x108;
	s8 =	sld [smem:$0x3FB7]  }
0x2e: {  	s3 =	simm.s32 @!p0 $0x1082;
	s9 =	sld [smem:$0x3FB8]  }
0x2f: {  	lr =	sadd.s32 s0, s3;
	s0 =	sld [smem:$0x3FAF]  }
0x30: {  	s3 =	sld [smem:$0x3FB2]  }
0x31: {  	[smem:$0x3FBB] =	sst s10  }
0x32: {  	s10 =	sld [smem:$0x3FB9];
	_ =	sdelay $0x3  }
0x33: {  	p0 =	seq.s32 s10, $0x1;
	s10 =	sld [smem:$0x3FBB];
	_ =	sdelay $0x3  }
0x34: {  	[smem:$0x3FBB] =	sst s10  }
0x35: {  	s10 =	sld [smem:$0x3FBA];
	_ =	sdelay $0x3  }
0x36: {  	p1 =	seq.s32 s10, $0x1;
	s10 =	sld [smem:$0x3FBB];
	_ =	sdelay $0x3  }
0x37: {  	[smem:$0x3FBB] =	sst s10  }
0x38: {  	s10 =	sld [smem:$0x3FBC]  }
0x39: {  	_ = 	snop;
	(pc) =	sbr.ind lr, $3  }
0x3a: {  	_ = 	snop  }
0x3b: {  	_ = 	snop  }
0x3c: {  	p2 =	seq.s32 s10, $0x1;
	s10 =	sld [smem:$0x3FBB]  }
0x3d: {  	_ =	shalt  }
0x3e: {  	_ =	shalt  }
0x3f: {  	_ =	shalt  }
0x40: {  	_ =	shalt  }
0x41: {  	_ =	shalt  }
0x42: {  	_ =	shalt  }
0x43: {  	_ =	shalt  }
0x44: {  	_ =	shalt  }
0x45: {  	_ =	shalt  }
0x46: {  	_ =	shalt  }
0x47: {  	_ =	shalt  }
0x48: {  	_ =	shalt  }
0x49: {  	_ =	shalt  }
0x4a: {  	_ =	shalt  }
0x4b: {  	_ =	shalt  }
0x4c: {  	_ =	shalt  }
0x4d: {  	_ =	shalt  }
0x4e: {  	_ =	shalt  }
0x4f: {  	_ =	shalt  }
0x50: {  	_ =	shalt  }
0x51: {  	_ =	shalt  }
0x52: {  	_ =	shalt  }
0x53: {  	_ =	shalt  }
0x54: {  	_ =	shalt  }
0x55: {  	_ =	shalt  }
0x56: {  	_ =	shalt  }
0x57: {  	_ =	shalt  }
0x58: {  	_ =	shalt  }
0x59: {  	_ =	shalt  }
0x5a: {  	_ =	shalt  }
0x5b: {  	_ =	shalt  }
0x5c: {  	_ =	shalt  }
0x5d: {  	_ =	shalt  }
0x5e: {  	_ =	shalt  }
0x5f: {  	_ =	shalt  }
0x60: {  	_ =	shalt  }
0x61: {  	_ =	shalt  }
0x62: {  	_ =	shalt  }
0x63: {  	_ =	shalt  }
0x64: {  	_ =	shalt  }
0x65: {  	_ =	shalt  }
0x66: {  	_ =	shalt  }
0x67: {  	_ =	shalt  }
0x68: {  	_ =	shalt  }
0x69: {  	_ =	shalt  }
0x6a: {  	_ =	shalt  }
0x6b: {  	_ =	shalt  }
0x6c: {  	_ =	shalt  }
0x6d: {  	_ =	shalt  }
0x6e: {  	_ =	shalt  }
0x6f: {  	_ =	shalt  }
0x70: {  	_ =	shalt  }
0x71: {  	_ =	shalt  }
0x72: {  	_ =	shalt  }
0x73: {  	_ =	shalt  }
0x74: {  	_ =	shalt  }
0x75: {  	_ =	shalt  }
0x76: {  	_ =	shalt  }
0x77: {  	_ =	shalt  }
0x78: {  	_ =	shalt  }
0x79: {  	_ =	shalt  }
0x7a: {  	_ =	shalt  }
0x7b: {  	_ =	shalt  }
0x7c: {  	_ =	shalt  }
0x7d: {  	_ =	shalt  }
0x7e: {  	_ =	shalt  }
0x7f: {  	_ =	shalt  }
0x80: {  	_ =	shalt  }
0x81: {  	_ =	shalt  }
0x82: {  	_ =	shalt  }
0x83: {  	_ =	shalt  }
0x84: {  	_ =	shalt  }
0x85: {  	_ =	shalt  }
0x86: {  	_ =	shalt  }
0x87: {  	_ =	shalt  }
.Lfunc_end0:
.L_simem_size_0:
called_computation_lowered:
.L_overlay_start_0:
0x88: {  	s2 =	sld [smem:$0x3FD9]  }
0x89: {  	s3 =	sld [smem:$0x3FFE];
	_ =	sdelay $0x1  }
0x8a: {  	s1 =	srdreg.scid  }
0x8b: {  	s0 =	sand.u32 $0x1, s1  }
0x8c: {  	s18 =	sshll.u32 s0, $0xA;
	s2 =	sadd.s32 s3, s2  }
0x8d: {  	s2 =	sadd.s32 s2, s18  }
0x8e: {  	[smem:$0x3FC7] =	sst s2  }
0x8f: {  	_ = 	snop  }
0x90: {  	s2 =	sld [smem:$0x3FC9]  }
0x91: {  	s19 =	sld [smem:$0x3FD0];
	(tm) =	ssettm $0x1  }
0x92: {  	s4 =	sld [smem:$0x3FFB];
	_ =	sdelay $0x3  }
0x93: {  	_ =	strace s4  }
0x94: {  	s4 =	sld [smem:$0x3FFC];
	_ =	sdelay $0x3  }
0x95: {  	_ =	strace s4  }
0x96: {  	s4 =	sld [smem:$0x3FFD];
	_ =	sdelay $0x3  }
0x97: {  	_ =	strace s4  }
0x98: {  	_ =	strace $0x8FFFFFFF  }
0x99: {  	s20 =	sld [smem:$0x3FDB];
	_ =	sdelay $0x1  }
0x9a: {  	s5 =	simm.s32 $_scs_section_size  }
0x9b: {  	s6 =	simm.s32 $_size__tile_overlayer_lowered;
	s7 =	simm.s32 $_tile_overlayer_lowered  }
0x9c: {  	s23 =	simm.s32 $0x1BFF;
	s22 =	sshll.u32 s7, $0x1;
	s4 =	sadd.s32 s5, s20  }
0x9d: {  	s8 =	simm.s32 $0x0;
	s21 =	sshll.u32 s6, $0x1;
	s6 =	sadd.s32 s22, s4  }
0x9e: {  	[timem:s8], [sflag:s23] =	dma.local [hbm:s6], s21  }
0x9f: {  	_ =	swait.ge [sflag:s23], s21  }
0xa0: {  	s5 =	ssub.s32 $0x0, s21;
	[sflag:s23] =	ssyncset.done $0x0  }
0xa1: {  	[sflag:s23] =	ssyncadd.s32 s5;
	_ =	sdelay $0x1  }
0xa2: {  	s24 =	simm.s32 $0x1B8B  }
0xa3: {  	_ =	swait.ge [sflag:s24], $0x1  }
0xa4: {  	[sflag:s24] =	ssyncset.done $0x0  }
0xa5: {  	s25 =	simm.s32 $0x1B8E;
	[sflag:s24] =	ssyncadd.s32 $0xFFFFFFFF  }
0xa6: {  	s26 =	simm.s32 $execute0_lowered;
	[smem:$0x3FD2] =	sst s25  }
0xa7: {  	s5 =	sshll.u32 s26, $0x1;
	_ =	strace $0x80000046;
	[dreg:$0x1] =	wrdreg $0xFFFFFFFF  }
0xa8: {  	s28 =	simm.s32 $_size_execute0_lowered;
	s4 =	sadd.s32 s4, s5;
	[dreg:$0x0] =	wrdreg $0x0  }
0xa9: {  	s5 =	sshll.u32 s28, $0x1;
	[dreg:$0x2] =	wrdreg s4  }
0xaa: {  	[dreg:$0x3] =	wrdreg s5  }
0xab: {  	[dreg:$0x4] =	wrdreg $0xC0  }
0xac: {  	_ =	task [dreg:s8], $0x5FFFF  }
0xad: {  	[dreg:$0x1] =	wrdreg $0xFFFFFFFF  }
0xae: {  	[dreg:$0x0] =	wrdreg $0x60  }
0xaf: {  	[dreg:$0x2] =	wrdreg s2  }
0xb0: {  	[dreg:$0x3] =	wrdreg s19  }
0xb1: {  	[dreg:$0x4] =	wrdreg $0x9  }
0xb2: {  	_ =	task.clear_ibuf [dreg:s8], $0x5FFFF;
	_ =	strace $0x90000046  }
0xb3: {  	s29 =	simm.s32 $0x9;
	_ =	strace $0x80000048  }
0xb4: {  	_ =	swait.ge [sflag:s29], $0x1  }
0xb5: {  	[sflag:s29] =	ssyncadd.s32 $0xFFFFFFFF  }
0xb6: {  	_ =	strace $0x90000048  }
0xb7: {  	_ =	sfence  }
0xb8: {  	s30 =	sld [smem:$0x0];
	_ =	sdelay $0x2  }
0xb9: {  	s31 =	sshll.u32 s1, $0xD;
	s1 =	sshrl.u32 s1, $0x2  }
0xba: {  	s3 =	sand.u32 $0x4000, s31;
	s1 =	sadd.s32 s1, s30  }
0xbb: {  	s0 =	sor.u32 s3, s0;
	s1 =	sshll.u32 s1, $0x11  }
0xbc: {  	s0 =	sor.u32 s1, s0  }
0xbd: {  	s0 =	sadd.s32 $0x8F2B, s0  }
0xbe: {  	[sflag:s0] =	ssyncadd.remote.s32 $0x1  }
0xbf: {  	_ =	sfence.sel $0xFFFF  }
0xc0: {  	[dreg:$0x0] =	wrdreg $0xFFFFFFFF;
	(pc) =	sbr.abs _section_cstart, $3  }
0xc1: {  	[dreg:$0x1] =	wrdreg $0xFFFFFFFF  }
0xc2: {  	_ =	task.clear_ibuf [dreg:s8], $0x2FFFF;
	_ =	strace $0x9FFFFFFF  }
0xc3: {  	(tm) =	ssettm $0x7FFFFFFF  }
tec
execute0_lowered:
.L_overlay_start_1:
0x0: {  	(tag) =	ssettag $0x1  }
0x1: {  	s0 =	rddreg [dreg:$0x0]  }
0x2: {  	s1 =	rddreg [dreg:$0x1]  }
0x3: {  	s3 =	srdreg.scid;
	s6 =	stileid.u32;
	s2 =	simm.s32 $0x0  }
0x4: {  	s9 =	simm.s32 $0x400;
	s10 =	simm.s32 $0x2000;
	s11 =	simm.s32 $0x1  }
0x5: {  	s12 =	simm.s32 $0xA000;
	s13 =	simm.s32 $0xA800;
	s14 =	simm.s32 $0x1000  }
0x6: {  	s16 =	simm.s32 $0x2;
	s18 =	simm.s32 $0x3;
	s19 =	simm.s32 $0x4  }
0x7: {  	s20 =	simm.s32 $0x0;
	s3 =	sand.u32 $0x1, s3;
	s4 =	sshll.u32 s6, $0x6  }
0x8: {  	s6 =	sshll.u32 s6, $0xC;
	s5 =	sshll.u32 s3, $0x5;
	s4 =	sand.u32 $0x40, s4  }
0x9: {  	s3 =	ssub.s32 $0x2, s3;
	s6 =	sand.u32 $0xE000, s6;
	s4 =	sor.u32 s5, s4  }
0xa: {  	v0 =	vlaneseq.u32;
	[smem:$0x7FF] =	sst s2;
	s31 =	sshrl.u32 s3, $0x1;
	s6 =	sor.u32 s6, s4  }
0xb: {  	v3 =	vmul.u32 $0xFFFFFFFF, v0;
	_ =	strace $0x80000047;
	s7 =	ssub.s32 s3, s31;
	s8 =	sor.u32 $0x10, s6  }
0xc: {  	v1 =	vimm.s32 $0x0;
	v2 =	vimm.s32 $0x1;
	s3 =	sadd.s32 s0, s6;
	s5 =	sadd.s32 s1, s6;
	s7 =	smax.u32 s7, $0x1  }
0xd: {  	v4 =	vimm.s32 $0x80000000;
	v5 =	vimm.f32 $0.0e+00;
	v3 =	vadd.s32 $0xF, v3;
	s4 =	sadd.s32 s0, s8;
	s6 =	sadd.s32 s1, s8;
	s8 =	simm.s32 $0x80  }
.LBB2_1:
0xe: {  	[tilespmem:s2], [sflag:$0x1] =	stream.strided.gather [hbm4b:s3+s8], $0x2000, s9, s8, $0x38;
	[tilespmem:$0x12A80] =	vst v63  }
0xf: {  	_ = 	snop  }
0x10: {  	[tilespmem:s10], [sflag:$0x2] =	stream.strided.gather [hbm4b:s4+s8], $0x2000, s9, s8, $0x38;
	[tilespmem:$0x12A80] =	vst v63  }
0x11: {  	_ =	swait.ge [sflag:s11], $0x2000  }
0x12: {  	[sflag:s11] =	ssyncset.done $0x0  }
0x13: {  	s0 =	simm.s32 $0xA040;
	[sflag:s11] =	ssyncadd.s32 $0xFFFFE000  }
0x14: {  	[tilespmem:s0+$0xFFFFFFC0] =	vst v1  }
0x15: {  	[tilespmem:s0+$0x30] =	vst v1  }
0x16: {  	[tilespmem:s0+$0x20] =	vst v1  }
0x17: {  	[tilespmem:s0+$0x10] =	vst v1  }
0x18: {  	[tilespmem:s0+$0x0] =	vst v1  }
0x19: {  	[tilespmem:s0+$0xFFFFFFF0] =	vst v1  }
0x1a: {  	s1 =	simm.s32 $0x0;
	[tilespmem:s0+$0xFFFFFFE0] =	vst v1  }
.LBB2_2:
0x1b: {  	s1 =	sadd.s32 $0x80, s1;
	[tilespmem:s0+$0xFFFFFFD0] =	vst v1;
	s0 =	sadd.s32 $0x80, s0  }
0x1c: {  	[tilespmem:s0+$0xFFFFFFC0] =	vst v1;
	p0 =	slt.u32 s1, $0x780  }
0x1d: {  	[tilespmem:s0+$0x30] =	vst v1  }
.Ltmp0:
0x1e: {  	[tilespmem:s0+$0x20] =	vst v1;
	(pc) =	sbr.rel @p0 .LBB2_2-.Ltmp0, $4  }
0x1f: {  	[tilespmem:s0+$0x10] =	vst v1  }
0x20: {  	[tilespmem:s0+$0x0] =	vst v1  }
0x21: {  	[tilespmem:s0+$0xFFFFFFF0] =	vst v1  }
0x22: {  	[tilespmem:s0+$0xFFFFFFE0] =	vst v1  }
0x23: {  	[tilespmem:s0+$0xFFFFFFD0] =	vst v1  }
0x24: {  	[tilespmem:$0xA800] =	vst v1  }
0x25: {  	[tilespmem:$0xA810] =	vst v1  }
0x26: {  	[tilespmem:$0xA820] =	vst v1  }
0x27: {  	[tilespmem:$0xA830] =	vst v1  }
0x28: {  	[tilespmem:$0xA840] =	vst v1  }
0x29: {  	[tilespmem:$0xA850] =	vst v1  }
0x2a: {  	[tilespmem:$0xA860] =	vst v1  }
0x2b: {  	s31 =	simm.s32 $0x40;
	[tilespmem:$0xA870] =	vst v1  }
0x2c: {  	v6 =	vld [tilespmem:s31+$0xFFFFFFC0]  }
0x2d: {  	v7 =	vld [tilespmem:s31+$0xFFFFFFD0]  }
0x2e: {  	v8 =	vld [tilespmem:s31+$0xFFFFFFE0];
	_ =	sdelay $0x1  }
0x2f: {  	v15 =	vld [tilespmem:s31+$0x10]  }
0x30: {  	v9 =	vsub.s32 $0x80000000, v6;
	vm0 =	vlt.s32 v6, $0x0  }
0x31: {  	v10 =	vimm.s32 $0x80000000;
	v12 =	vsub.s32 $0x80000000, v7;
	v11 =	vsel vm0, v9, v6;
	v9 =	vld [tilespmem:s31+$0xFFFFFFF0]  }
0x32: {  	vm1 =	vlt.s32 v7, $0x0;
	v14 =	vsub.s32 $0x80000000, v8;
	vm0 =	vgt.s32 v10, v11  }
0x33: {  	vm11 =	vlt.s32 v8, $0x0;
	v13 =	vsel vm1, v12, v7;
	v12 =	vld [tilespmem:s31+$0x0];
	v10 =	vsel vm0, v10, v11  }
0x34: {  	vm14 =	vlt.s32 v15, $0x0;
	v14 =	vsel vm11, v14, v8;
	vm0 =	vgt.s32 v10, v13  }
0x35: {  	v17 =	vld [tilespmem:s31+$0x20];
	v6 =	vshra.s32 v11, $0x15;
	v7 =	vshra.s32 v13, $0x15;
	v10 =	vsel vm0, v10, v13  }
0x36: {  	s21 =	simm.s32 $0x4040;
	vm0 =	vgt.s32 v10, v14;
	v16 =	vsub.s32 $0x80000000, v9;
	vm12 =	vlt.s32 v9, $0x0  }
0x37: {  	[tilespmem:s21+$0xFFFFFFC0] =	vst v11;
	v11 =	vsub.s32 $0x80000000, v15;
	v10 =	vsel vm0, v10, v14;
	v16 =	vsel vm12, v16, v9  }
0x38: {  	vm13 =	vlt.s32 v12, $0x0;
	v9 =	vsub.s32 $0x80000000, v12;
	vm0 =	vgt.s32 v10, v16  }
0x39: {  	[tilespmem:s21+$0xFFFFFFD0] =	vst v13;
	v13 =	vsel vm14, v11, v15;
	v15 =	vld [tilespmem:s31+$0x30];
	v12 =	vsel vm13, v9, v12;
	v18 =	vsel vm0, v10, v16  }
0x3a: {  	vm15 =	vlt.s32 v17, $0x0;
	vm0 =	vgt.s32 v18, v12  }
0x3b: {  	v8 =	vshra.s32 v14, $0x15;
	v11 =	vshra.s32 v13, $0x15;
	v18 =	vsel vm0, v18, v12  }
0x3c: {  	[tilespmem:s21+$0xFFFFFFE0] =	vst v14;
	v14 =	vsub.s32 $0x80000000, v17;
	v9 =	vshra.s32 v16, $0x15;
	vm0 =	vgt.s32 v18, v13  }
0x3d: {  	s22 =	simm.s32 $0x0;
	s0 =	simm.s32 $0xC0;
	[tilespmem:s21+$0xFFFFFFF0] =	vst v16;
	v14 =	vsel vm15, v14, v17;
	v10 =	vshra.s32 v12, $0x15;
	v16 =	vsel vm0, v18, v13  }
.LBB2_4:
0x3e: {  	v17 =	vld [tilespmem:s0+$0xFFFFFFC0];
	s22 =	sadd.s32 $0x80, s22;
	[tilespmem:s21+$0x0] =	vst v12;
	vm0 =	vgt.s32 v16, v14;
	v12 =	vsub.s32 $0x80000000, v15;
	vm1 =	vlt.s32 v15, $0x0  }
0x3f: {  	p0 =	slt.u32 s22, $0x1F80;
	[tilespmem:s21+$0x10] =	vst v13;
	v13 =	vshra.s32 v14, $0x15;
	v16 =	vsel vm0, v16, v14;
	v12 =	vsel vm1, v12, v15  }
0x40: {  	v6 =	vadd.s32 $0x400, v6;
	v15 =	vld [tilespmem:s0+$0xFFFFFFD0];
	[tilespmem:s21+$0x20] =	vst v14;
	v14 =	vshra.s32 v12, $0x15;
	vm0 =	vgt.s32 v16, v12  }
0x41: {  	v7 =	vadd.s32 $0x400, v7;
	v8 =	vadd.s32 $0x400, v8;
	[tilespmem:s21+$0x30] =	vst v12;
	v12 =	vsel vm0, v16, v12  }
0x42: {  	v9 =	vadd.s32 $0x400, v9;
	v10 =	vadd.s32 $0x400, v10;
	v11 =	vadd.s32 $0x400, v11;
	v16 =	vld [tilespmem:s0+$0xFFFFFFE0]  }
0x43: {  	v19 =	vadd.s32 $0x400, v13;
	v18 =	vsub.s32 $0x80000000, v17;
	vm0 =	vlt.s32 v17, $0x0  }
0x44: {  	v13 =	vsel vm0, v18, v17;
	v17 =	vld [tilespmem:s0+$0xFFFFFFF0];
	v18 =	vadd.s32 $0x400, v14  }
0x45: {  	s21 =	sadd.s32 $0x80, s21;
	vm0 =	vgt.s32 v12, v13;
	v14 =	vsub.s32 $0x80000000, v15;
	vm1 =	vlt.s32 v15, $0x0;
	[tilespmem:v6+s12+$0x0] =	vst.idx.add.s32.msk $0xffff, v2  }
0x46: {  	v6 =	vshra.s32 v13, $0x15;
	[tilespmem:s21+$0xFFFFFFC0] =	vst v13;
	v12 =	vsel vm0, v12, v13;
	v13 =	vsel vm1, v14, v15;
	v14 =	vld [tilespmem:s0+$0x0]  }
0x47: {  	vm0 =	vgt.s32 v12, v13;
	v15 =	vsub.s32 $0x80000000, v16;
	vm1 =	vlt.s32 v16, $0x0;
	[tilespmem:v7+s12+$0x0] =	vst.idx.add.s32.msk $0xffff, v2  }
0x48: {  	v7 =	vshra.s32 v13, $0x15;
	[tilespmem:s21+$0xFFFFFFD0] =	vst v13;
	v12 =	vsel vm0, v12, v13;
	v13 =	vsel vm1, v15, v16;
	v16 =	vld [tilespmem:s0+$0x10]  }
0x49: {  	vm0 =	vgt.s32 v12, v13;
	v15 =	vsub.s32 $0x80000000, v17;
	vm1 =	vlt.s32 v17, $0x0;
	[tilespmem:v8+s12+$0x0] =	vst.idx.add.s32.msk $0xffff, v2  }
0x4a: {  	v8 =	vshra.s32 v13, $0x15;
	[tilespmem:s21+$0xFFFFFFE0] =	vst v13;
	v12 =	vsel vm0, v12, v13;
	v13 =	vsel vm1, v15, v17;
	v17 =	vld [tilespmem:s0+$0x20]  }
0x4b: {  	vm0 =	vgt.s32 v12, v13;
	v15 =	vsub.s32 $0x80000000, v14;
	vm1 =	vlt.s32 v14, $0x0;
	[tilespmem:v9+s12+$0x0] =	vst.idx.add.s32.msk $0xffff, v2  }
.Ltmp1:
0x4c: {  	v9 =	vshra.s32 v13, $0x15;
	[tilespmem:s21+$0xFFFFFFF0] =	vst v13;
	v13 =	vsel vm0, v12, v13;
	v12 =	vsel vm1, v15, v14;
	v15 =	vld [tilespmem:s0+$0x30];
	(pc) =	sbr.rel @p0 .LBB2_4-.Ltmp1, $4  }
0x4d: {  	vm0 =	vgt.s32 v13, v12;
	v14 =	vsub.s32 $0x80000000, v16;
	vm1 =	vlt.s32 v16, $0x0;
	[tilespmem:v10+s12+$0x0] =	vst.idx.add.s32.msk $0xffff, v2  }
0x4e: {  	v10 =	vshra.s32 v12, $0x15;
	v20 =	vsel vm0, v13, v12;
	v13 =	vsel vm1, v14, v16;
	[tilespmem:v11+s12+$0x0] =	vst.idx.add.s32.msk $0xffff, v2  }
0x4f: {  	vm0 =	vgt.s32 v20, v13;
	v14 =	vsub.s32 $0x80000000, v17;
	vm1 =	vlt.s32 v17, $0x0;
	[tilespmem:v19+s12+$0x0] =	vst.idx.add.s32.msk $0xffff, v2  }
0x50: {  	s0 =	sadd.s32 $0x80, s0;
	v11 =	vshra.s32 v13, $0x15;
	v16 =	vsel vm0, v20, v13;
	v14 =	vsel vm1, v14, v17;
	[tilespmem:v18+s12+$0x0] =	vst.idx.add.s32.msk $0xffff, v2  }
0x51: {  	vm0 =	vgt.s32 v16, v14;
	v17 =	vsub.s32 $0x80000000, v15;
	vm1 =	vlt.s32 v15, $0x0  }
0x52: {  	v15 =	vsel vm1, v17, v15;
	v16 =	vsel vm0, v16, v14  }
0x53: {  	vm0 =	vgt.s32 v16, v15  }
0x54: {  	v16 =	vsel vm0, v16, v15  }
0x55: {  	v16 =	vxor.u32 $0x80000000, v16  }
0x56: {  	(xrf0) =	vmax.scan.msk.u32 $0xffff, v16;
	_ =	sdelay $0x5  }
0x57: {  	v16, _, _ =	vpop (xrf0)  }
0x58: {  	(v2sf) =	vpush v16, $0xF;
	_ =	sdelay $0xc  }
0x59: {  	v6 =	vadd.s32 $0x400, v6  }
0x5a: {  	[tilespmem:s21+$0x0] =	vst v12;
	v7 =	vadd.s32 $0x400, v7  }
0x5b: {  	[tilespmem:s21+$0x10] =	vst v13;
	v8 =	vadd.s32 $0x400, v8;
	s0 =	spop (v2sf)  }
0x5c: {  	[tilespmem:s21+$0x20] =	vst v14;
	v9 =	vadd.s32 $0x400, v9;
	s0 =	sshra.s32 s0, $0x15  }
0x5d: {  	v10 =	vadd.s32 $0x400, v10;
	[tilespmem:s21+$0x30] =	vst v15;
	s0 =	sxor.u32 $0xFFFFFC00, s0  }
0x5e: {  	v63 =	vshra.s32 v14, $0x15;
	v11 =	vadd.s32 $0x400, v11;
	[tilespmem:v6+s12+$0x0] =	vst.idx.add.s32.msk $0xffff, v2;
	s1 =	ssub.s32 $0x3FF, s0  }
0x5f: {  	v12 =	vadd.s32 $0x400, v63;
	v6 =	vshra.s32 v15, $0x15;
	[tilespmem:v7+s12+$0x0] =	vst.idx.add.s32.msk $0xffff, v2;
	s15 =	sand.u32 $0xF, s1  }
0x60: {  	[tilespmem:v8+s12+$0x0] =	vst.idx.add.s32.msk $0xffff, v2;
	v6 =	vadd.s32 $0x400, v6;
	p0 =	sgt.s32 s0, $0x3FE;
	p1 =	sne.s32 s15, $0x0  }
0x61: {  	[tilespmem:v9+s12+$0x0] =	vst.idx.add.s32.msk $0xffff, v2;
	s31 =	sshrl.u32 s1, $0x1C;
	p0 =	por !p0, !p1  }
0x62: {  	[tilespmem:v10+s12+$0x0] =	vst.idx.add.s32.msk $0xffff, v2;
	s0 =	sadd.s32 s31, s1;
	s1 =	simm.s32 $0x1;
	p0 =	por !p0, !p0  }
0x63: {  	[tilespmem:v11+s12+$0x0] =	vst.idx.add.s32.msk $0xffff, v2;
	s0 =	sshra.s32 s0, $0x4;
	s1 =	simm.s32 @!p0 $0x0  }
0x64: {  	[tilespmem:v12+s12+$0x0] =	vst.idx.add.s32.msk $0xffff, v2;
	s0 =	ssub.s32 s0, s1  }
0x65: {  	[tilespmem:v6+s12+$0x0] =	vst.idx.add.s32.msk $0xffff, v2;
	s15 =	simm.s32 $0x0;
	s1 =	sadd.s32 $0x1, s0  }
.LBB2_6:
0x66: {  	s0 =	sshll.u32 s1, $0x4  }
0x67: {  	s17 =	ssub.s32 $0xA800, s0  }
0x68: {  	v6 =	vld [tilespmem:s17+$0x0];
	_ =	sdelay $0x4  }
0x69: {  	v6 =	vperm.xlane v6, v3;
	_ =	sdelay $0x1  }
0x6a: {  	(xrf0) =	vadd.scan.msk.s32 $0xffff, v6;
	_ =	sdelay $0x5  }
0x6b: {  	v7, _, _ =	vpop (xrf0)  }
0x6c: {  	v7 =	vadd.s32 s15, v7  }
0x6d: {  	vm0 =	vgt.s32 v7, $0xFF  }
0x6e: {  	v8 =	vmpcnt.ones.xlane vm0;
	_ =	sdelay $0x1  }
0x6f: {  	(v2sf) =	vpush v8, $0x0;
	_ =	sdelay $0x5  }
0x70: {  	(v2sf) =	vpush v7, $0xF;
	_ =	sdelay $0x8  }
0x71: {  	s31 =	spop (v2sf)  }
0x72: {  	p0 =	slt.s32 s31, $0x1  }
.Ltmp2:
0x73: {  	_ = 	snop;
	(pc) =	sbr.rel @p0 .LBB2_6-.Ltmp2, $2  }
0x74: {  	_ =	sdelay $0x2  }
0x75: {  	s1 =	sadd.s32 $0x1, s1;
	s15 =	spop (v2sf)  }
0x76: {  	v9 =	vmctz.xlane vm0;
	_ =	sdelay $0x1  }
0x77: {  	(v2sf) =	vpush v9, $0x0;
	_ =	sdelay $0xa  }
0x78: {  	s1 =	simm.s32 $0x4020  }
0x79: {  	v11 =	vld [tilespmem:s1+$0xFFFFFFE0]  }
0x7a: {  	v19 =	vld [tilespmem:s1+$0xFFFFFFF0]  }
0x7b: {  	v21 =	vld [tilespmem:s1+$0x0]  }
0x7c: {  	s15 =	spop (v2sf)  }
0x7d: {  	v22 =	vld [tilespmem:s1+$0x10];
	s21 =	sadd.s32 s0, s15  }
0x7e: {  	v8 =	vshra.s32 v11, $0x15;
	s0 =	ssub.s32 $0x80F, s21  }
0x7f: {  	v10 =	vshra.s32 v19, $0x15;
	v8 =	vadd.s32 $0x400, v8;
	v16 =	vmov s0  }
0x80: {  	vm0 =	veq.s32 v8, v16;
	v8 =	vadd.s32 $0x400, v10;
	v10 =	vshra.s32 v21, $0x15  }
0x81: {  	s17 =	simm.s32 $0x40A0;
	v12 =	vmpcnt.ones.xlane vm0;
	vm1 =	veq.s32 v8, v16;
	v8 =	vadd.s32 $0x400, v10  }
0x82: {  	v18 =	vld [tilespmem:s17+$0xFFFFFFE0];
	v13 =	vshra.s32 v22, $0x15;
	s15 =	simm.s32 $0x4060;
	v14 =	vmpcnt.ones.xlane vm1;
	vm2 =	veq.s32 v8, v16  }
0x83: {  	v17 =	vld [tilespmem:s15+$0xFFFFFFE0];
	v8 =	vadd.s32 $0x400, v13;
	v13 =	vmpcnt.ones.xlane vm2;
	(v2sf) =	vpush v12, $0x0  }
0x84: {  	v15 =	vld [tilespmem:s15+$0xFFFFFFF0];
	vm3 =	veq.s32 v8, v16;
	(v2sf) =	vpush v14, $0x0  }
0x85: {  	v10 =	vld [tilespmem:s15+$0x10];
	v8 =	vmpcnt.ones.xlane vm3;
	(v2sf) =	vpush v13, $0x0  }
0x86: {  	s24 =	simm.s32 $0x30;
	v14 =	vld [tilespmem:s15+$0x0]  }
0x87: {  	s22 =	simm.s32 $0x0;
	v63 =	vor.u32 s24, v0;
	vm4 =	vmmov vm0;
	(v2sf) =	vpush v8, $0x0  }
0x88: {  	vm1 =	vmmov vm1;
	[tilespmem:s22+$0xA880] =	vst.msk vm4, v11;
	v11 =	vshra.s32 v18, $0x15;
	vm2 =	vmmov vm2  }
0x89: {  	v12 =	vshra.s32 v15, $0x15;
	v11 =	vadd.s32 $0x400, v11;
	v8 =	vshra.s32 v17, $0x15  }
0x8a: {  	vm3 =	vmmov vm3;
	v13 =	vshra.s32 v10, $0x15;
	v8 =	vadd.s32 $0x400, v8  }
0x8b: {  	vm6 =	veq.s32 v8, v16;
	v8 =	vadd.s32 $0x400, v12;
	v12 =	vshra.s32 v14, $0x15  }
0x8c: {  	v20 =	vmpcnt.ones.xlane vm6;
	vm5 =	veq.s32 v8, v16;
	v12 =	vadd.s32 $0x400, v12  }
0x8d: {  	v23 =	vmpcnt.ones.xlane vm5;
	vm0 =	veq.s32 v12, v16;
	v12 =	vadd.s32 $0x400, v13  }
0x8e: {  	(v2sf) =	vpush v20, $0x0;
	v24 =	vmpcnt.ones.xlane vm0;
	vm7 =	veq.s32 v12, v16;
	v12 =	vld [tilespmem:s17+$0xFFFFFFF0]  }
0x8f: {  	v13 =	vld [tilespmem:s17+$0x0];
	(v2sf) =	vpush v23, $0x0;
	v23 =	vor.u32 s22, v0;
	v20 =	vmpcnt.ones.xlane vm7  }
0x90: {  	vm2 =	vmmov vm2;
	v8 =	vld [tilespmem:s17+$0x10];
	[tilespmem:s22+$0xC900] =	vst.msk vm4, v23;
	vm4 =	veq.s32 v11, v16;
	(v2sf) =	vpush v24, $0x0  }
0x91: {  	vm10 =	vmmov vm3;
	v26 =	vmpcnt.ones.xlane vm4;
	(v2sf) =	vpush v20, $0x0  }
0x92: {  	vm3 =	vmmov vm1;
	vm6 =	vmmov vm6;
	vm1 =	vmmov vm5;
	s25 =	spop (v2sf)  }
0x93: {  	vm0 =	vmmov vm0;
	v23 =	vshra.s32 v12, $0x15;
	(v2sf) =	vpush v26, $0x0;
	s25 =	sadd.s32 $0x0, s25;
	s26 =	spop (v2sf)  }
0x94: {  	s23 =	simm.s32 $0x20;
	vm5 =	vmmov vm7;
	v11 =	vadd.s32 $0x400, v23;
	v23 =	vshra.s32 v13, $0x15;
	[tilespmem:s25+$0xA880] =	vst.msk vm3, v19;
	s28 =	sadd.s32 s25, s26;
	s30 =	spop (v2sf)  }
0x95: {  	s29 =	simm.s32 $0x100;
	s0 =	simm.s32 $0x40E0;
	v25 =	vshra.s32 v8, $0x15;
	vm7 =	veq.s32 v11, v16;
	v19 =	vadd.s32 $0x400, v23;
	[tilespmem:s28+$0xA880] =	vst.msk vm2, v21;
	s1 =	sadd.s32 s28, s30  }
0x96: {  	s24 =	simm.s32 $0x40;
	s15 =	simm.s32 $0x10;
	v11 =	vld [tilespmem:s0+$0x10];
	v23 =	vadd.s32 $0x400, v25;
	s31 =	spop (v2sf);
	v21 =	vmpcnt.ones.xlane vm7;
	vm9 =	veq.s32 v19, v16;
	[tilespmem:s1+$0xA880] =	vst.msk vm10, v22  }
0x97: {  	s22 =	simm.s32 $0xC0;
	v20 =	vor.u32 s23, v0;
	s23 =	simm.s32 $0x80;
	v19 =	vld [tilespmem:s0+$0xFFFFFFE0];
	vm8 =	veq.s32 v23, v16;
	s26 =	sadd.s32 s1, s31;
	v22 =	vmpcnt.ones.xlane vm9;
	[tilespmem:s1+$0xC900] =	vst.msk vm10, v63  }
.LBB2_8:
0x98: {  	p0 =	slt.u32 s29, $0x1FC0;
	v24 =	vmpcnt.ones.xlane vm8;
	(v2sf) =	vpush v21, $0x0;
	v21 =	vor.u32 s15, v0  }
0x99: {  	v23 =	vld [tilespmem:s0+$0xFFFFFFF0];
	[tilespmem:s28+$0xC900] =	vst.msk vm2, v20;
	vm2 =	vmmov vm0;
	vm0 =	vmmov vm9;
	vm10 =	vmmov vm5;
	s1 =	smov.u32 s23;
	s23 =	smov.u32 s22;
	s22 =	smov.u32 s29  }
0x9a: {  	v25 =	vld [tilespmem:s0+$0x0];
	(v2sf) =	vpush v22, $0x0;
	[tilespmem:s25+$0xC900] =	vst.msk vm3, v21;
	vm3 =	vmmov vm1;
	vm1 =	vmmov vm7  }
0x9b: {  	v20 =	vor.u32 s24, v0;
	vm5 =	vmmov vm8;
	(v2sf) =	vpush v24, $0x0;
	[tilespmem:s26+$0xA880] =	vst.msk vm6, v17;
	v17 =	vmovc v18  }
0x9c: {  	s15 =	sadd.s32 $0x20, s24;
	s17 =	sadd.s32 $0x30, s24;
	[tilespmem:s26+$0xC900] =	vst.msk vm6, v20;
	vm6 =	vmmov vm4  }
0x9d: {  	v24 =	vor.u32 s17, v0;
	v20 =	vor.u32 s15, v0;
	v21 =	vshra.s32 v19, $0x15;
	s15 =	spop (v2sf);
	v18 =	vmovc v19  }
.Ltmp3:
0x9e: {  	v22 =	vshra.s32 v11, $0x15;
	v19 =	vadd.s32 $0x400, v21;
	v21 =	vshra.s32 v23, $0x15;
	s25 =	sadd.s32 s26, s15;
	s15 =	spop (v2sf);
	(pc) =	sbr.rel @p0 .LBB2_8-.Ltmp3, $4  }
0x9f: {  	vm4 =	veq.s32 v19, v16;
	v19 =	vadd.s32 $0x400, v21;
	v21 =	vshra.s32 v25, $0x15;
	[tilespmem:s25+$0xA880] =	vst.msk vm3, v15;
	s28 =	sadd.s32 s25, s15;
	s15 =	spop (v2sf);
	v15 =	vmovc v12;
	v12 =	vmovc v23  }
0xa0: {  	s0 =	sadd.s32 $0x40, s0;
	v23 =	vmpcnt.ones.xlane vm4;
	vm7 =	veq.s32 v19, v16;
	v19 =	vadd.s32 $0x400, v21;
	[tilespmem:s28+$0xA880] =	vst.msk vm2, v14;
	s17 =	sadd.s32 s28, s15;
	s15 =	spop (v2sf);
	v14 =	vmovc v13;
	v13 =	vmovc v25  }
0xa1: {  	v25 =	vadd.s32 $0x400, v22;
	v21 =	vmpcnt.ones.xlane vm7;
	vm9 =	veq.s32 v19, v16;
	[tilespmem:s17+$0xA880] =	vst.msk vm10, v10;
	s26 =	sadd.s32 s17, s15;
	v10 =	vmovc v8;
	v8 =	vmovc v11;
	v11 =	vld [tilespmem:s0+$0x10]  }
0xa2: {  	s29 =	sadd.s32 $0x40, s29;
	vm8 =	veq.s32 v25, v16;
	s15 =	sadd.s32 $0x10, s24;
	s24 =	smov.u32 s1;
	v19 =	vld [tilespmem:s0+$0xFFFFFFE0];
	v22 =	vmpcnt.ones.xlane vm9;
	(v2sf) =	vpush v23, $0x0;
	[tilespmem:s17+$0xC900] =	vst.msk vm10, v24  }
0xa3: {  	v23 =	vld [tilespmem:s0+$0xFFFFFFF0]  }
0xa4: {  	v24 =	vld [tilespmem:s0+$0x0]  }
0xa5: {  	v25 =	vmpcnt.ones.xlane vm8;
	(v2sf) =	vpush v21, $0x0  }
0xa6: {  	(v2sf) =	vpush v22, $0x0  }
0xa7: {  	(v2sf) =	vpush v25, $0x0;
	v53 =	vshra.s32 v19, $0x15  }
0xa8: {  	v55 =	vshra.s32 v11, $0x15;
	v21 =	vadd.s32 $0x400, v53;
	v54 =	vshra.s32 v23, $0x15  }
0xa9: {  	v57 =	vshra.s32 v24, $0x15;
	vm12 =	veq.s32 v21, v16;
	v56 =	vadd.s32 $0x400, v54  }
0xaa: {  	v22 =	vadd.s32 $0x400, v57;
	vm13 =	veq.s32 v56, v16;
	v58 =	vmpcnt.ones.xlane vm12  }
0xab: {  	v25 =	vadd.s32 $0x400, v55;
	vm11 =	veq.s32 v22, v16;
	v59 =	vmpcnt.ones.xlane vm13  }
0xac: {  	vm10 =	veq.s32 v25, v16;
	v60 =	vmpcnt.ones.xlane vm11;
	(v2sf) =	vpush v58, $0x0  }
0xad: {  	v61 =	vmpcnt.ones.xlane vm10;
	(v2sf) =	vpush v59, $0x0  }
0xae: {  	(v2sf) =	vpush v60, $0x0  }
0xaf: {  	[tilespmem:s28+$0xC900] =	vst.msk vm2, v20;
	(v2sf) =	vpush v61, $0x0  }
0xb0: {  	v62 =	vor.u32 s15, v0;
	[tilespmem:s26+$0xA880] =	vst.msk vm6, v17  }
0xb1: {  	v63 =	vor.u32 s24, v0;
	[tilespmem:s25+$0xC900] =	vst.msk vm3, v62;
	s25 =	spop (v2sf)  }
0xb2: {  	v9 =	vbroadcast v9, $0x0;
	vm1 =	vmmov vm1;
	[tilespmem:s26+$0xC900] =	vst.msk vm6, v63;
	s0 =	sadd.s32 s26, s25;
	s1 =	spop (v2sf)  }
0xb3: {  	vm0 =	vmmov vm0;
	s29 =	sadd.s32 $0x20, s24;
	[tilespmem:s0+$0xA880] =	vst.msk vm1, v15;
	s1 =	sadd.s32 s0, s1  }
0xb4: {  	v6 =	vsub.s32 v7, v6;
	v7 =	vor.u32 s29, v0;
	vm14 =	veq.s32 v9, v0;
	s28 =	spop (v2sf);
	[tilespmem:s1+$0xA880] =	vst.msk vm0, v14  }
0xb5: {  	vm15 =	vmmov vm5;
	s17 =	sadd.s32 $0x30, s24;
	v6 =	vnsel vm14, $0x0, v6;
	s15 =	sadd.s32 s1, s28;
	[tilespmem:s1+$0xC900] =	vst.msk vm0, v7  }
0xb6: {  	s26 =	sadd.s32 $0x10, s24;
	(xrf0) =	vadd.scan.msk.s32 $0xffff, v6;
	v6 =	vor.u32 s17, v0;
	s31 =	spop (v2sf);
	[tilespmem:s15+$0xA880] =	vst.msk vm15, v10  }
0xb7: {  	[tilespmem:s15+$0xC900] =	vst.msk vm15, v6;
	s15 =	sadd.s32 s15, s31;
	v6 =	vor.u32 s26, v0;
	s28 =	spop (v2sf)  }
0xb8: {  	vm5 =	vmmov vm4;
	[tilespmem:s0+$0xC900] =	vst.msk vm1, v6;
	s0 =	sadd.s32 s15, s28;
	s29 =	spop (v2sf)  }
0xb9: {  	[tilespmem:s15+$0xA880] =	vst.msk vm5, v18;
	v6 =	vor.u32 s23, v0;
	s1 =	sadd.s32 s0, s29;
	s31 =	spop (v2sf)  }
0xba: {  	vm6 =	vmmov vm7;
	vm7 =	vmmov vm9;
	[tilespmem:s15+$0xC900] =	vst.msk vm5, v6;
	s15 =	sadd.s32 s1, s31;
	s24 =	spop (v2sf)  }
0xbb: {  	vm9 =	vmmov vm8;
	vm2 =	vmmov vm7;
	s17 =	sadd.s32 s15, s24;
	s25 =	spop (v2sf)  }
0xbc: {  	vm0 =	vmmov vm9;
	s26 =	sadd.s32 $0x30, s23;
	[tilespmem:s1+$0xA880] =	vst.msk vm2, v13;
	s24 =	sadd.s32 s17, s25;
	s29 =	spop (v2sf)  }
0xbd: {  	v7, _, _ =	vpop (xrf0);
	v6 =	vor.u32 s26, v0;
	s31 =	sadd.s32 $0x20, s23;
	[tilespmem:s15+$0xA880] =	vst.msk vm0, v8;
	s25 =	sadd.s32 s24, s29;
	s29 =	spop (v2sf)  }
0xbe: {  	(v2sf) =	vpush v7, $0xF;
	v7 =	vor.u32 s31, v0;
	[tilespmem:s15+$0xC900] =	vst.msk vm0, v6;
	s15 =	sadd.s32 s25, s29;
	s28 =	spop (v2sf)  }
0xbf: {  	vm1 =	vmmov vm6;
	[tilespmem:s1+$0xC900] =	vst.msk vm2, v7;
	s1 =	sadd.s32 s15, s28  }
0xc0: {  	vm12 =	vmmov vm12;
	[tilespmem:s0+$0xA880] =	vst.msk vm1, v12;
	s31 =	sadd.s32 $0x10, s23;
	s29 =	sadd.s32 $0xF, s1  }
0xc1: {  	v6 =	vor.u32 s31, v0;
	[tilespmem:s17+$0xA880] =	vst.msk vm12, v19;
	s31 =	sand.u32 $0xF, s29  }
0xc2: {  	[tilespmem:s0+$0xC900] =	vst.msk vm1, v6;
	v6 =	vor.u32 s22, v0;
	s26 =	sshra.s32 s29, $0x1F;
	p0 =	slt.s32 s29, $0x1;
	p1 =	sne.s32 s31, $0x0  }
0xc3: {  	[tilespmem:s17+$0xC900] =	vst.msk vm12, v6;
	s17 =	sshrl.u32 s26, $0x1C;
	p0 =	por !p0, !p1  }
0xc4: {  	s0 =	sadd.s32 s17, s29;
	s17 =	simm.s32 $0x1;
	p0 =	por !p0, !p0  }
0xc5: {  	vm13 =	vmmov vm13;
	s0 =	sshrl.u32 s0, $0x4;
	s17 =	simm.s32 @!p0 $0x0  }
0xc6: {  	vm14 =	vmmov vm11;
	vm1 =	vmmov vm13;
	s0 =	ssub.s32 s0, s17  }
0xc7: {  	vm15 =	vmmov vm10;
	vm2 =	vmmov vm14;
	[tilespmem:s24+$0xA880] =	vst.msk vm1, v23;
	s30 =	sshll.u32 s0, $0x4  }
0xc8: {  	vm0 =	vmmov vm15;
	[tilespmem:s25+$0xA880] =	vst.msk vm2, v24;
	s28 =	sadd.s32 $0x30, s22;
	p0 =	slt.s32 s30, $0x1  }
.Ltmp4:
0xc9: {  	[tilespmem:s15+$0xA880] =	vst.msk vm0, v11;
	v6 =	vor.u32 s28, v0;
	s31 =	sadd.s32 $0x10, s22;
	(pc) =	sbr.rel @p0 .LBB2_15-.Ltmp4, $4  }
0xca: {  	[tilespmem:s15+$0xC900] =	vst.msk vm0, v6;
	s29 =	sadd.s32 $0x20, s22;
	v6 =	vor.u32 s31, v0  }
0xcb: {  	v7 =	vor.u32 s29, v0;
	[tilespmem:s24+$0xC900] =	vst.msk vm1, v6  }
0xcc: {  	[tilespmem:s25+$0xC900] =	vst.msk vm2, v7  }
0xcd: {  	[tilespmem:s1+$0xA880] =	vst v4;
	s0 =	spop (v2sf)  }
0xce: {  	p2 =	sgt.s32 s30, $0x10  }
.Ltmp5:
0xcf: {  	_ = 	snop;
	(pc) =	sbr.rel @!p2 .LBB2_11-.Ltmp5, $3  }
0xd0: {  	_ =	sdelay $0x1  }
0xd1: {  	s1 =	simm.s32 $0xA880  }
0xd2: {  	p1 =	por $0x0, $0x0;
	v6 =	vld [tilespmem:s1+$0x0]  }
0xd3: {  	p2 =	sgt.s32 s30, $0x20  }
.Ltmp6:
0xd4: {  	_ = 	snop;
	(pc) =	sbr.rel @!p2 .LBB2_14-.Ltmp6, $3  }
0xd5: {  	_ =	sdelay $0x1  }
0xd6: {  	s1 =	simm.s32 $0xA890;
	v7 =	vshrl.u32 v6, $0xE  }
0xd7: {  	s15 =	simm.s32 $0x20;
	p1 =	por $0x1, $0x1;
	vm0 =	vne.s32 v6, $0x80000000;
	v6 =	vld [tilespmem:s1+$0x0];
	v7 =	vand.u32 $0x7F, v7  }
.LBB2_13:
0xd8: {  	s15 =	sadd.s32 $0x10, s15  }
0xd9: {  	p2 =	slt.s32 s15, s30  }
.Ltmp7:
0xda: {  	_ = 	snop;
	(pc) =	sbr.rel @p2 .LBB2_13-.Ltmp7, $3  }
0xdb: {  	_ =	sdelay $0x1  }
0xdc: {  	s1 =	sadd.s32 $0x10, s1;
	[tilespmem:v7+s13+$0x0] =	vst.idx.add.s32.msk vm0, v2;
	v8 =	vshrl.u32 v6, $0xE;
	vm0 =	vne.s32 v6, $0x80000000  }
0xdd: {  	v6 =	vld [tilespmem:s1+$0x0];
	v7 =	vand.u32 $0x7F, v8  }
.LBB2_14:
0xde: {  	_ =	sdelay $0x3  }
0xdf: {  	v8 =	vshrl.u32 v6, $0xE;
	vm1 =	vne.s32 v6, $0x80000000  }
0xe0: {  	v6 =	vand.u32 $0x7F, v8;
	_ =	sdelay $0x3  }
0xe1: {  	[tilespmem:v7+s13+$0x0] =	vst.idx.add.s32.msk @p1 vm0, v2  }
0xe2: {  	[tilespmem:v6+s13+$0x0] =	vst.idx.add.s32.msk vm1, v2  }
.LBB2_15:
0xe3: {  	s23 =	ssub.s32 $0x100, s0;
	s15 =	simm.s32 $0x0  }
0xe4: {  	s0 =	simm.s32 $0x8F;
	s24 =	simm.s32 $0x23C000;
	s1 =	simm.s32 $0xA870;
	v6 =	vmov s23  }
.LBB2_16:
0xe5: {  	v7 =	vld [tilespmem:s1+$0x0];
	_ =	sdelay $0x4  }
0xe6: {  	v7 =	vperm.xlane v7, v3;
	_ =	sdelay $0x1  }
0xe7: {  	(xrf0) =	vadd.scan.msk.s32 $0xffff, v7;
	_ =	sdelay $0x5  }
0xe8: {  	v8, _, _ =	vpop (xrf0)  }
0xe9: {  	v8 =	vadd.s32 s15, v8  }
0xea: {  	vm0 =	vge.s32 v8, v6  }
0xeb: {  	v9 =	vmpcnt.ones.xlane vm0;
	_ =	sdelay $0x1  }
0xec: {  	(v2sf) =	vpush v9, $0x0;
	_ =	sdelay $0x5  }
0xed: {  	(v2sf) =	vpush v8, $0xF;
	_ =	sdelay $0x8  }
0xee: {  	s31 =	spop (v2sf)  }
0xef: {  	p1 =	slt.s32 s31, $0x1  }
.Ltmp8:
0xf0: {  	_ = 	snop;
	(pc) =	sbr.rel @p1 .LBB2_16-.Ltmp8, $3  }
0xf1: {  	_ =	sdelay $0x1  }
0xf2: {  	s0 =	sadd.s32 $0xFFFFFFF0, s0  }
0xf3: {  	s24 =	sadd.s32 $0xFFFC0000, s24;
	s1 =	sadd.s32 $0xFFFFFFF0, s1;
	s15 =	spop (v2sf)  }
0xf4: {  	v6 =	vmctz.xlane vm0;
	_ =	sdelay $0x1  }
0xf5: {  	v9 =	vbroadcast v6, $0x0;
	_ =	sdelay $0x1  }
0xf6: {  	v7 =	vsub.s32 v8, v7;
	vm15 =	veq.s32 v9, v0  }
0xf7: {  	v7 =	vnsel vm15, $0x0, v7  }
0xf8: {  	(xrf0) =	vadd.scan.msk.s32 $0xffff, v7;
	_ =	sdelay $0x5  }
0xf9: {  	(v2sf) =	vpush v6, $0x0;
	v6, _, _ =	vpop (xrf0)  }
0xfa: {  	(v2sf) =	vpush v6, $0xF;
	_ =	sdelay $0xa  }
.Ltmp9:
0xfb: {  	_ = 	snop;
	(pc) =	sbr.rel @p0 .LBB2_31-.Ltmp9, $3  }
0xfc: {  	_ =	sdelay $0x1  }
0xfd: {  	s26 =	spop (v2sf)  }
0xfe: {  	s22 =	simm.s32 $0x0;
	s1 =	simm.s32 $0x0;
	s25 =	spop (v2sf)  }
0xff: {  	p4 =	sgt.s32 s30, $0x10  }
.Ltmp10:
0x100: {  	_ = 	snop;
	(pc) =	sbr.rel @!p4 .LBB2_19-.Ltmp10, $4  }
0x101: {  	_ = 	snop  }
0x102: {  	s0 =	ssub.s32 s0, s26;
	s28 =	simm.s32 $0x0  }
0x103: {  	s29 =	simm.s32 $0xC900;
	s31 =	simm.s32 $0xA880;
	p0 =	por $0x0, $0x0  }
0x104: {  	p1 =	por $0x0, $0x0;
	p2 =	por $0x0, $0x0;
	p3 =	por $0x0, $0x0;
	v7 =	vmov s0;
	v8 =	vld [tilespmem:s31+$0x0]  }
0x105: {  	_ =	sdelay $0x1  }
0x106: {  	p4 =	sgt.s32 s30, $0x20  }
.Ltmp11:
0x107: {  	_ = 	snop;
	(pc) =	sbr.rel @!p4 .LBB2_21-.Ltmp11, $4  }
0x108: {  	v6 =	vshrl.u32 v8, $0xE  }
0x109: {  	v6 =	vand.u32 $0x7F, v6  }
0x10a: {  	s0 =	simm.s32 $0xA890;
	vm1 =	vne.s32 v8, $0x80000000;
	vm0 =	veq.s32 v6, v7  }
0x10b: {  	p0 =	por $0x1, $0x1;
	v9 =	vld [tilespmem:s0+$0x0];
	vm0 =	vmand vm1, vm0  }
0x10c: {  	_ =	sdelay $0x2  }
0x10d: {  	p4 =	sgt.s32 s30, $0x30  }
.Ltmp12:
0x10e: {  	v6 =	vshrl.u32 v9, $0xE;
	(pc) =	sbr.rel @!p4 .LBB2_23-.Ltmp12, $4  }
0x10f: {  	s0 =	simm.s32 $0xA8A0;
	v6 =	vand.u32 $0x7F, v6  }
0x110: {  	v10 =	vmpcnt.ones.xlane vm0;
	vm2 =	vmmov vm0;
	vm0 =	veq.s32 v6, v7;
	v6 =	vld [tilespmem:s0+$0x0]  }
0x111: {  	vm1 =	vne.s32 v9, $0x80000000  }
0x112: {  	p1 =	por $0x1, $0x1;
	(v2sf) =	vpush v10, $0x0;
	vm0 =	vmand vm1, vm0  }
0x113: {  	v11 =	vmpcnt.ones.xlane vm0;
	_ =	sdelay $0x1  }
0x114: {  	(v2sf) =	vpush v11, $0x0;
	_ =	sdelay $0x2  }
0x115: {  	p4 =	sgt.s32 s30, $0x40  }
.Ltmp13:
0x116: {  	_ = 	snop;
	(pc) =	sbr.rel @!p4 .LBB2_25-.Ltmp13, $4  }
0x117: {  	s0 =	simm.s32 $0xA8B0;
	v10 =	vshrl.u32 v6, $0xE  }
0x118: {  	v15 =	vld [tilespmem:s0+$0x0];
	v12 =	vand.u32 $0x7F, v10  }
0x119: {  	vm3 =	vmmov vm0;
	vm4 =	vne.s32 v6, $0x80000000;
	vm0 =	veq.s32 v12, v7  }
0x11a: {  	vm1 =	vmmov vm2;
	p2 =	por $0x1, $0x1;
	v10 =	vld [tilespmem:s29+$0x0];
	vm0 =	vmand vm4, vm0  }
0x11b: {  	v12 =	vmpcnt.ones.xlane vm0;
	_ =	sdelay $0x1  }
0x11c: {  	(v2sf) =	vpush v12, $0x0;
	_ =	sdelay $0x2  }
0x11d: {  	p4 =	sgt.s32 s30, $0x50  }
.Ltmp14:
0x11e: {  	_ = 	snop;
	(pc) =	sbr.rel @!p4 .LBB2_27-.Ltmp14, $4  }
0x11f: {  	s17 =	simm.s32 $0xA8C0;
	v11 =	vshrl.u32 v15, $0xE  }
0x120: {  	s31 =	simm.s32 $0xC910;
	v16 =	vld [tilespmem:s17+$0x0];
	v13 =	vand.u32 $0x7F, v11  }
0x121: {  	s15 =	simm.s32 $0x50;
	[tilespmem:s28+$0xE980] =	vst.msk vm1, v8;
	vm2 =	vmmov vm0;
	vm5 =	vne.s32 v15, $0x80000000;
	v11 =	vld [tilespmem:s31+$0x0];
	vm0 =	veq.s32 v13, v7  }
0x122: {  	vm4 =	vmmov vm3;
	p3 =	por $0x1, $0x1;
	s0 =	simm.s32 $0x0;
	s1 =	spop (v2sf);
	[tilespmem:s28+$0x10A00] =	vst.msk vm1, v10;
	v12 =	vmov v9;
	vm0 =	vmand vm5, vm0  }
.LBB2_28:
0x123: {  	s15 =	sadd.s32 $0x10, s15  }
0x124: {  	v13 =	vmpcnt.ones.xlane vm0;
	s0 =	sadd.s32 s0, s1;
	p4 =	slt.s32 s15, s30  }
.Ltmp15:
0x125: {  	s31 =	sadd.s32 $0x10, s31;
	[tilespmem:s0+$0xE980] =	vst.msk vm4, v12;
	v12 =	vmov v6;
	v6 =	vmov v15;
	(pc) =	sbr.rel @p4 .LBB2_28-.Ltmp15, $4  }
0x126: {  	s17 =	sadd.s32 $0x10, s17;
	v14 =	vshrl.u32 v16, $0xE;
	(v2sf) =	vpush v13, $0x0;
	[tilespmem:s0+$0x10A00] =	vst.msk vm4, v11;
	v11 =	vld [tilespmem:s31+$0x0];
	v15 =	vmovc v16;
	vm4 =	vmmov vm2  }
0x127: {  	vm2 =	vmmov vm0;
	v16 =	vld [tilespmem:s17+$0x0];
	v13 =	vand.u32 $0x7F, v14  }
0x128: {  	vm5 =	vne.s32 v15, $0x80000000;
	vm0 =	veq.s32 v13, v7  }
0x129: {  	vm0 =	vmand vm5, vm0;
	s1 =	spop (v2sf)  }
0x12a: {  	_ =	sdelay $0x1  }
0x12b: {  	v14 =	vmov v6;
	v13 =	vmov v15;
	v6 =	vmov v16  }
.LBB2_30:
0x12c: {  	v15 =	vmpcnt.ones.xlane @p0 vm0;
	v16 =	vshrl.u32 v6, $0xE  }
0x12d: {  	v16 =	vand.u32 $0x7F, v16  }
0x12e: {  	vm6 =	vne.s32 v6, $0x80000000;
	(v2sf) =	vpush @p0 v15, $0x0;
	vm5 =	veq.s32 v16, v7  }
0x12f: {  	vm5 =	vmand vm6, vm5  }
0x130: {  	v7 =	vmpcnt.ones.xlane vm5;
	_ =	sdelay $0x1  }
0x131: {  	(v2sf) =	vpush v7, $0x0;
	_ =	sdelay $0x3  }
0x132: {  	s0 =	sadd.s32 @p3 s0, s1;
	s1 =	sadd.s32 @p2 $0x10, s31;
	s15 =	simm.s32 $0xC900  }
0x133: {  	s17 =	spop @p2 (v2sf);
	s15 =	smov.u32 @p2 s1;
	s1 =	simm.s32 $0x0  }
0x134: {  	s1 =	smov.u32 @p3 s0;
	s0 =	sadd.s32 @p1 $0x10, s15;
	v7 =	vld @p1 [tilespmem:s15+$0x0];
	s15 =	simm.s32 $0xC900  }
0x135: {  	s17 =	smov.u32 @p2 s17;
	s15 =	smov.u32 @p1 s0  }
0x136: {  	v8 =	vpsel p1, v14, v8;
	s0 =	sadd.s32 @p2 s1, s17;
	s17 =	simm.s32 $0x0;
	v15 =	vld @p0 [tilespmem:s15+$0x0]  }
0x137: {  	vm2 =	vmmov @p1 vm2;
	vm0 =	vmmov @p0 vm0;
	[tilespmem:s1+$0xE980] =	vst.msk @p2 vm4, v12;
	v12 =	vmov @p0 v13;
	s17 =	smov.u32 @p2 s0;
	s0 =	spop @p1 (v2sf);
	s15 =	sadd.s32 @p0 $0x10, s15  }
0x138: {  	vm1 =	vmmov @p1 vm2;
	vm3 =	vmmov @p0 vm0;
	[tilespmem:s1+$0x10A00] =	vst.msk @p2 vm4, v11;
	v9 =	vpsel p0, v12, v9;
	s0 =	smov.u32 @p1 s0;
	s29 =	smov.u32 @p0 s15  }
0x139: {  	vm0 =	vmmov @p0 vm3;
	s1 =	simm.s32 $0x0;
	[tilespmem:s17+$0xE980] =	vst.msk @p1 vm1, v8;
	v8 =	vmov @p0 v9;
	s0 =	sadd.s32 @p1 s17, s0;
	v63 =	vld [tilespmem:s29+$0x0];
	v7 =	vpsel p1, v7, v10;
	s15 =	spop @p0 (v2sf)  }
0x13a: {  	vm0 =	vmmov @p0 vm0;
	s1 =	smov.u32 @p1 s0;
	[tilespmem:s17+$0x10A00] =	vst.msk @p1 vm1, v7;
	v7 =	vpsel p0, v8, v0;
	s0 =	smov.u32 @p0 s15  }
0x13b: {  	vm14 =	vmmov vm5;
	v8 =	vpsel p0, v15, v0;
	[tilespmem:s1+$0xE980] =	vst.msk @p0 vm0, v7;
	s0 =	sadd.s32 @p0 s1, s0  }
0x13c: {  	vm15 =	vmmov vm14;
	[tilespmem:s1+$0x10A00] =	vst.msk @p0 vm0, v8;
	s28 =	smov.u32 @p0 s0  }
0x13d: {  	[tilespmem:s28+$0xE980] =	vst.msk vm15, v6;
	s31 =	spop (v2sf)  }
0x13e: {  	[tilespmem:s28+$0x10A00] =	vst.msk vm15, v63;
	s1 =	sadd.s32 s28, s31  }
.LBB2_31:
0x13f: {  	s0 =	sadd.s32 $0xF, s1  }
0x140: {  	s15 =	sand.u32 $0xF, s0;
	s30 =	sshra.s32 s0, $0x1F  }
0x141: {  	p1 =	slt.s32 s0, $0x1;
	p0 =	sne.s32 s15, $0x0;
	s15 =	sshrl.u32 s30, $0x1C  }
0x142: {  	p0 =	por !p1, !p0;
	s0 =	sadd.s32 s15, s0  }
.Ltmp16:
0x143: {  	s15 =	simm.s32 $0x1;
	p0 =	por !p0, !p0;
	(pc) =	sbr.rel .LBB2_32-.Ltmp16, $4  }
0x144: {  	s0 =	sshrl.u32 s0, $0x4;
	s15 =	simm.s32 @!p0 $0x0  }
0x145: {  	s31 =	sshll.u32 s21, $0x15;
	s17 =	sshll.u32 s26, $0xE;
	s0 =	ssub.s32 s0, s15  }
0x146: {  	s17 =	ssub.s32 s24, s17;
	s15 =	ssub.s32 $0x81E00000, s31;
	s21 =	sshll.u32 s0, $0x4  }
0x147: {  	s23 =	ssub.s32 s23, s25;
	[tilespmem:s1+$0xE980] =	vst v4;
	s0 =	sor.u32 s15, s17;
	p0 =	slt.s32 s21, $0x1  }
.LBB2_33:
0x148: {  	v6 =	vimm.s32 $0x0  }
.LBB2_34:
0x149: {  	(xrf0) =	vadd.scan.msk.s32 $0xffff, v6;
	_ =	sdelay $0x5  }
0x14a: {  	v6, _, _ =	vpop (xrf0)  }
0x14b: {  	(v2sf) =	vpush v6, $0xF;
	_ =	sdelay $0xe  }
0x14c: {  	s15 =	spop (v2sf)  }
0x14d: {  	s22 =	sadd.s32 $0x1, s22;
	p1 =	slt.s32 s15, s23  }
0x14e: {  	s1 =	smov.u32 @p1 s0;
	p1 =	seq.s32 s22, $0xE  }
.Ltmp17:
0x14f: {  	_ = 	snop;
	(pc) =	sbr.rel @p1 .LBB2_35-.Ltmp17, $2  }
0x150: {  	_ =	sdelay $0x2  }
0x151: {  	s0 =	smov.u32 s1  }
.LBB2_32:
.Ltmp18:
0x152: {  	(pc) =	sbr.rel @p0 .LBB2_33-.Ltmp18, $3  }
0x153: {  	_ =	sdelay $0x1  }
0x154: {  	s1 =	sshrl.u32 s10, s22  }
0x155: {  	s1 =	sor.u32 s1, s0  }
0x156: {  	p2 =	sgt.s32 s21, $0x10  }
.Ltmp19:
0x157: {  	_ = 	snop;
	(pc) =	sbr.rel @!p2 .LBB2_54-.Ltmp19, $3  }
0x158: {  	_ =	sdelay $0x1  }
0x159: {  	s15 =	simm.s32 $0xE980  }
0x15a: {  	v7 =	vmov s1;
	v6 =	vimm.s32 $0x0;
	p1 =	por $0x0, $0x0;
	v8 =	vld [tilespmem:s15+$0x0]  }
0x15b: {  	p2 =	sgt.s32 s21, $0x20  }
.Ltmp20:
0x15c: {  	_ = 	snop;
	(pc) =	sbr.rel @!p2 .LBB2_56-.Ltmp20, $3  }
0x15d: {  	_ =	sdelay $0x1  }
0x15e: {  	s15 =	simm.s32 $0xE990;
	vm0 =	vge.s32 v8, v7  }
0x15f: {  	s17 =	simm.s32 $0x20;
	p1 =	por $0x1, $0x1;
	v9 =	vimm.s32 $0x0;
	v8 =	vld [tilespmem:s15+$0x0];
	v10 =	vsel vm0, $0x1, v1  }
.LBB2_57:
0x160: {  	s17 =	sadd.s32 $0x10, s17  }
0x161: {  	v9 =	vadd.s32 v10, v9;
	p2 =	slt.s32 s17, s21  }
.Ltmp21:
0x162: {  	(pc) =	sbr.rel @p2 .LBB2_57-.Ltmp21, $3  }
0x163: {  	_ =	sdelay $0x1  }
0x164: {  	s15 =	sadd.s32 $0x10, s15;
	vm0 =	vge.s32 v8, v7  }
0x165: {  	v8 =	vld [tilespmem:s15+$0x0];
	v10 =	vsel vm0, $0x1, v1  }
.LBB2_58:
0x166: {  	_ =	sdelay $0x1  }
.Ltmp22:
0x167: {  	_ = 	snop;
	(pc) =	sbr.rel .LBB2_34-.Ltmp22, $4  }
0x168: {  	_ = 	snop  }
0x169: {  	v9 =	vadd.s32 @p1 v10, v9;
	vm0 =	vge.s32 v8, v7  }
0x16a: {  	v6 =	vpsel p1, v9, v6;
	v7 =	vsel vm0, $0x1, v1  }
0x16b: {  	v6 =	vadd.s32 v7, v6  }
.LBB2_54:
.Ltmp23:
0x16c: {  	(pc) =	sbr.rel .LBB2_58-.Ltmp23, $2  }
0x16d: {  	_ =	sdelay $0x2  }
0x16e: {  	v9 =	vimm.s32 $0x0  }
.LBB2_56:
.Ltmp24:
0x16f: {  	(pc) =	sbr.rel .LBB2_58-.Ltmp24, $2  }
0x170: {  	_ =	sdelay $0x2  }
0x171: {  	v9 =	vimm.s32 $0x0  }
.LBB2_35:
.Ltmp25:
0x172: {  	(pc) =	sbr.rel @p0 .LBB2_36-.Ltmp25, $2  }
0x173: {  	_ =	sdelay $0x2  }
0x174: {  	v6 =	vmov s1;
	v7 =	vimm.s32 $0x0  }
0x175: {  	p2 =	sgt.s32 s21, $0x10  }
.Ltmp26:
0x176: {  	_ = 	snop;
	(pc) =	sbr.rel @!p2 .LBB2_60-.Ltmp26, $3  }
0x177: {  	_ =	sdelay $0x1  }
0x178: {  	s0 =	simm.s32 $0xE980  }
0x179: {  	p1 =	por $0x0, $0x0;
	v8 =	vld [tilespmem:s0+$0x0]  }
0x17a: {  	p2 =	sgt.s32 s21, $0x20  }
.Ltmp27:
0x17b: {  	_ = 	snop;
	(pc) =	sbr.rel @!p2 .LBB2_62-.Ltmp27, $3  }
0x17c: {  	_ =	sdelay $0x1  }
0x17d: {  	s0 =	simm.s32 $0xE990;
	vm0 =	vgt.s32 v8, v6  }
0x17e: {  	s1 =	simm.s32 $0x20;
	p1 =	por $0x1, $0x1;
	v9 =	vimm.s32 $0x0;
	v8 =	vld [tilespmem:s0+$0x0];
	v10 =	vsel vm0, $0x1, v1  }
.LBB2_63:
0x17f: {  	s1 =	sadd.s32 $0x10, s1  }
0x180: {  	v9 =	vadd.s32 v10, v9;
	p2 =	slt.s32 s1, s21  }
.Ltmp28:
0x181: {  	(pc) =	sbr.rel @p2 .LBB2_63-.Ltmp28, $3  }
0x182: {  	_ =	sdelay $0x1  }
0x183: {  	s0 =	sadd.s32 $0x10, s0;
	vm0 =	vgt.s32 v8, v6  }
0x184: {  	v8 =	vld [tilespmem:s0+$0x0];
	v10 =	vsel vm0, $0x1, v1  }
.LBB2_64:
0x185: {  	_ =	sdelay $0x3  }
0x186: {  	v9 =	vadd.s32 @p1 v10, v9;
	vm0 =	vgt.s32 v8, v6  }
0x187: {  	v7 =	vpsel p1, v9, v7;
	v8 =	vsel vm0, $0x1, v1  }
0x188: {  	v7 =	vadd.s32 v8, v7  }
.LBB2_36:
0x189: {  	(xrf0) =	vadd.scan.msk.s32 $0xffff, v7;
	_ =	sdelay $0x5  }
0x18a: {  	v7, _, _ =	vpop (xrf0)  }
0x18b: {  	(v2sf) =	vpush v7, $0xF;
	_ =	sdelay $0xb  }
.Ltmp29:
0x18c: {  	_ = 	snop;
	(pc) =	sbr.rel .LBB2_37-.Ltmp29, $3  }
0x18d: {  	_ =	sdelay $0x1  }
0x18e: {  	s0 =	spop (v2sf)  }
0x18f: {  	s22 =	simm.s32 $0x0;
	s1 =	ssub.s32 s23, s0;
	s0 =	simm.s32 $0x0  }
.LBB2_38:
0x190: {  	v7 =	vimm.s32 $0x0  }
.LBB2_39:
0x191: {  	(xrf0) =	vadd.scan.msk.s32 $0xffff, v7;
	_ =	sdelay $0x5  }
0x192: {  	v7, _, _ =	vpop (xrf0)  }
0x193: {  	(v2sf) =	vpush v7, $0xF;
	_ =	sdelay $0xa  }
0x194: {  	s22 =	sadd.s32 $0x1, s22  }
0x195: {  	p2 =	seq.s32 s22, $0xD  }
.Ltmp30:
0x196: {  	_ = 	snop;
	(pc) =	sbr.rel @p2 .LBB2_40-.Ltmp30, $4  }
0x197: {  	_ = 	snop  }
0x198: {  	s15 =	spop (v2sf)  }
0x199: {  	p1 =	slt.s32 s15, s1  }
0x19a: {  	s0 =	smov.u32 @p1 s23  }
.LBB2_37:
.Ltmp31:
0x19b: {  	(pc) =	sbr.rel @p0 .LBB2_38-.Ltmp31, $3  }
0x19c: {  	_ =	sdelay $0x1  }
0x19d: {  	s15 =	sshrl.u32 s14, s22  }
0x19e: {  	s23 =	sadd.s32 s15, s0  }
0x19f: {  	p2 =	sgt.s32 s21, $0x10  }
.Ltmp32:
0x1a0: {  	_ = 	snop;
	(pc) =	sbr.rel @!p2 .LBB2_66-.Ltmp32, $4  }
0x1a1: {  	_ = 	snop  }
0x1a2: {  	s17 =	simm.s32 $0xE980  }
0x1a3: {  	s15 =	simm.s32 $0x10A00;
	v11 =	vld [tilespmem:s17+$0x0]  }
0x1a4: {  	v8 =	vmov s23;
	v7 =	vimm.s32 $0x0;
	p1 =	por $0x0, $0x0;
	v9 =	vld [tilespmem:s15+$0x0]  }
0x1a5: {  	_ = 	snop  }
0x1a6: {  	p2 =	sgt.s32 s21, $0x20  }
.Ltmp33:
0x1a7: {  	_ = 	snop;
	(pc) =	sbr.rel @!p2 .LBB2_68-.Ltmp33, $4  }
0x1a8: {  	_ = 	snop  }
0x1a9: {  	s15 =	simm.s32 $0xE990;
	vm0 =	veq.s32 v11, v6;
	vm1 =	vlt.s32 v9, v8  }
0x1aa: {  	s17 =	simm.s32 $0x10A10;
	v11 =	vld [tilespmem:s15+$0x0];
	vm0 =	vmand vm0, vm1  }
0x1ab: {  	s24 =	simm.s32 $0x20;
	p1 =	por $0x1, $0x1;
	v10 =	vimm.s32 $0x0;
	v9 =	vld [tilespmem:s17+$0x0];
	v12 =	vsel vm0, $0x1, v1  }
.LBB2_69:
0x1ac: {  	s24 =	sadd.s32 $0x10, s24  }
0x1ad: {  	v10 =	vadd.s32 v12, v10;
	p2 =	slt.s32 s24, s21  }
.Ltmp34:
0x1ae: {  	(pc) =	sbr.rel @p2 .LBB2_69-.Ltmp34, $4  }
0x1af: {  	s15 =	sadd.s32 $0x10, s15  }
0x1b0: {  	s17 =	sadd.s32 $0x10, s17;
	vm0 =	veq.s32 v11, v6;
	v11 =	vld [tilespmem:s15+$0x0];
	vm1 =	vlt.s32 v9, v8  }
0x1b1: {  	v9 =	vld [tilespmem:s17+$0x0];
	vm0 =	vmand vm0, vm1  }
0x1b2: {  	v12 =	vsel vm0, $0x1, v1  }
.LBB2_70:
0x1b3: {  	_ =	sdelay $0x1  }
.Ltmp35:
0x1b4: {  	_ = 	snop;
	(pc) =	sbr.rel .LBB2_39-.Ltmp35, $4  }
0x1b5: {  	vm0 =	veq.s32 v11, v6;
	vm1 =	vlt.s32 v9, v8  }
0x1b6: {  	v8 =	vadd.s32 @p1 v12, v10;
	vm0 =	vmand vm0, vm1  }
0x1b7: {  	v7 =	vpsel p1, v8, v7;
	v63 =	vsel vm0, $0x1, v1  }
0x1b8: {  	v7 =	vadd.s32 v63, v7  }
.LBB2_66:
.Ltmp36:
0x1b9: {  	(pc) =	sbr.rel .LBB2_70-.Ltmp36, $2  }
0x1ba: {  	_ =	sdelay $0x2  }
0x1bb: {  	v10 =	vimm.s32 $0x0  }
.LBB2_68:
.Ltmp37:
0x1bc: {  	(pc) =	sbr.rel .LBB2_70-.Ltmp37, $2  }
0x1bd: {  	_ =	sdelay $0x2  }
0x1be: {  	v10 =	vimm.s32 $0x0  }
.LBB2_40:
0x1bf: {  	s26 =	simm.s32 $0x4040  }
0x1c0: {  	v7 =	vmov s0;
	s1 =	simm.s32 $0x0;
	s15 =	simm.s32 $0x60;
	s17 =	simm.s32 $0x70;
	v8 =	vld [tilespmem:s26+$0xFFFFFFD0]  }
0x1c1: {  	s22 =	simm.s32 $0x50;
	s29 =	simm.s32 $0x40;
	s30 =	simm.s32 $0x20;
	v9 =	vor.u32 s1, v0;
	v10 =	vld [tilespmem:s26+$0xFFFFFFE0];
	v11 =	vor.u32 s15, v0;
	v12 =	vor.u32 s17, v0  }
0x1c2: {  	s28 =	simm.s32 $0x10;
	s31 =	simm.s32 $0x30;
	v13 =	vor.u32 s22, v0;
	v14 =	vld [tilespmem:s26+$0x30];
	v15 =	vor.u32 s30, v0;
	v16 =	vor.u32 s29, v0  }
0x1c3: {  	v60 =	vor.u32 s31, v0;
	v61 =	vld [tilespmem:s26+$0xFFFFFFC0];
	vm1 =	vle.s32 v9, v7;
	v9 =	vor.u32 s28, v0  }
0x1c4: {  	vm2 =	vle.s32 v11, v7;
	vm4 =	vle.s32 v15, v7;
	vm5 =	vle.s32 v13, v7;
	v11 =	vld [tilespmem:s26+$0x10]  }
0x1c5: {  	vm3 =	vle.s32 v16, v7;
	vm9 =	vle.s32 v12, v7;
	vm0 =	vle.s32 v9, v7;
	v9 =	vld [tilespmem:s26+$0x0]  }
0x1c6: {  	vm6 =	vgt.s32 v8, v6;
	vm7 =	veq.s32 v8, v6;
	vm12 =	vgt.s32 v10, v6  }
0x1c7: {  	vm8 =	veq.s32 v10, v6;
	vm13 =	veq.s32 v14, v6;
	vm10 =	vgt.s32 v14, v6  }
0x1c8: {  	v8 =	vld [tilespmem:s26+$0xFFFFFFF0];
	vm11 =	veq.s32 v61, v6;
	vm0 =	vmand vm0, vm7;
	vm4 =	vmand vm4, vm8  }
0x1c9: {  	v10 =	vld [tilespmem:s26+$0x20];
	vm8 =	vmand vm9, vm13;
	vm14 =	veq.s32 v11, v6;
	vm15 =	vgt.s32 v11, v6  }
0x1ca: {  	vm1 =	vmand vm1, vm11;
	vm0 =	vmor vm6, vm0;
	vm6 =	veq.s32 v9, v6  }
0x1cb: {  	vm8 =	vmor vm10, vm8;
	vm4 =	vmor vm12, vm4;
	vm5 =	vmand vm5, vm14  }
0x1cc: {  	vm14 =	vgt.s32 v9, v6;
	v62 =	vsel vm8, $0x3F800000, v5;
	v63 =	vsel vm4, $0x3F800000, v5  }
0x1cd: {  	vm4 =	vle.s32 v60, v7;
	vm5 =	vmor vm15, vm5;
	vm15 =	vgt.s32 v61, v6  }
0x1ce: {  	s21 =	simm.s32 $0x6040;
	vm3 =	vmand vm3, vm6;
	vm7 =	veq.s32 v8, v6;
	vm8 =	veq.s32 v10, v6  }
0x1cf: {  	[tilespmem:s21+$0x30] =	vst v62;
	vm12 =	vgt.s32 v8, v6;
	vm13 =	vgt.s32 v10, v6;
	vm4 =	vmand vm4, vm7  }
0x1d0: {  	[tilespmem:s21+$0xFFFFFFE0] =	vst v63;
	v8 =	vsel vm5, $0x3F800000, v5;
	vm2 =	vmand vm2, vm8;
	vm4 =	vmor vm12, vm4  }
0x1d1: {  	vm1 =	vmor vm15, vm1;
	[tilespmem:s21+$0x10] =	vst v8;
	vm2 =	vmor vm13, vm2;
	v9 =	vsel vm4, $0x3F800000, v5  }
0x1d2: {  	s23 =	simm.s32 $0x60C0;
	s1 =	simm.s32 $0x80;
	s22 =	simm.s32 $0x40C0;
	v8 =	vsel vm1, $0x3F800000, v5;
	vm1 =	vmor vm14, vm3;
	[tilespmem:s21+$0xFFFFFFF0] =	vst v9;
	v9 =	vsel vm2, $0x3F800000, v5  }
.LBB2_41:
0x1d3: {  	s15 =	sadd.s32 $0x40, s1  }
0x1d4: {  	v10 =	vor.u32 s1, v0;
	v11 =	vld [tilespmem:s22+$0xFFFFFFD0];
	s0 =	sadd.s32 $0x60, s1;
	s17 =	sadd.s32 $0x70, s1;
	v12 =	vsel vm0, $0x3F800000, v5;
	[tilespmem:s21+$0x20] =	vst v9;
	s24 =	smov.u32 s1  }
0x1d5: {  	s25 =	sadd.s32 $0x10, s24;
	v9 =	vld [tilespmem:s22+$0xFFFFFFE0];
	s26 =	sadd.s32 $0x50, s24;
	v13 =	vor.u32 s0, v0;
	v14 =	vor.u32 s17, v0;
	s0 =	sadd.s32 $0x80, s1;
	[tilespmem:s21+$0xFFFFFFD0] =	vst v12;
	v12 =	vsel vm1, $0x3F800000, v5  }
0x1d6: {  	p0 =	slt.u32 s1, $0x1F80;
	vm1 =	vle.s32 v10, v7;
	s17 =	sadd.s32 $0x20, s24;
	v10 =	vor.u32 s25, v0;
	v15 =	vor.u32 s26, v0;
	v16 =	vld [tilespmem:s22+$0x30];
	[tilespmem:s21+$0x0] =	vst v12  }
0x1d7: {  	v17 =	vor.u32 s15, v0;
	v12 =	vor.u32 s17, v0;
	vm2 =	vle.s32 v13, v7;
	v18 =	vld [tilespmem:s22+$0x10];
	[tilespmem:s21+$0xFFFFFFC0] =	vst v8;
	s21 =	smov.u32 s23  }
0x1d8: {  	vm0 =	vle.s32 v10, v7;
	vm5 =	vle.s32 v12, v7;
	vm4 =	vle.s32 v15, v7;
	v8 =	vld [tilespmem:s22+$0x0]  }
0x1d9: {  	vm3 =	vle.s32 v17, v7;
	vm6 =	vgt.s32 v11, v6;
	vm7 =	veq.s32 v11, v6;
	v10 =	vld [tilespmem:s22+$0xFFFFFFF0]  }
0x1da: {  	vm0 =	vmand vm0, vm7;
	vm7 =	vgt.s32 v9, v6;
	vm8 =	veq.s32 v9, v6;
	v9 =	vld [tilespmem:s22+$0x20]  }
0x1db: {  	s1 =	sadd.s32 $0x30, s24;
	vm9 =	vle.s32 v14, v7;
	vm8 =	vmand vm5, vm8;
	vm5 =	veq.s32 v16, v6  }
0x1dc: {  	v11 =	vor.u32 s1, v0;
	vm10 =	vgt.s32 v16, v6;
	vm9 =	vmand vm9, vm5  }
0x1dd: {  	vm0 =	vmor vm6, vm0;
	v12 =	vld [tilespmem:s22+$0xFFFFFFC0];
	vm5 =	veq.s32 v8, v6;
	vm6 =	vmor vm10, vm9  }
0x1de: {  	vm7 =	vmor vm7, vm8;
	vm8 =	veq.s32 v10, v6;
	v13 =	vsel vm6, $0x3F800000, v5  }
0x1df: {  	v14 =	vsel vm7, $0x3F800000, v5;
	vm7 =	veq.s32 v18, v6;
	vm6 =	vle.s32 v11, v7;
	[tilespmem:s23+$0x30] =	vst v13  }
0x1e0: {  	vm9 =	vgt.s32 v18, v6;
	vm4 =	vmand vm4, vm7;
	vm7 =	veq.s32 v9, v6;
	[tilespmem:s23+$0xFFFFFFE0] =	vst v14  }
0x1e1: {  	vm10 =	vgt.s32 v10, v6;
	vm4 =	vmor vm9, vm4;
	vm9 =	vgt.s32 v9, v6  }
.Ltmp38:
0x1e2: {  	vm6 =	vmand vm6, vm8;
	v9 =	vsel vm4, $0x3F800000, v5;
	vm11 =	veq.s32 v12, v6;
	(pc) =	sbr.rel @p0 .LBB2_41-.Ltmp38, $4  }
0x1e3: {  	vm4 =	vmor vm10, vm6;
	vm6 =	vgt.s32 v8, v6;
	vm1 =	vmand vm1, vm11;
	[tilespmem:s23+$0x10] =	vst v9  }
0x1e4: {  	vm2 =	vmand vm2, vm7;
	v8 =	vsel vm4, $0x3F800000, v5;
	vm8 =	vgt.s32 v12, v6  }
0x1e5: {  	vm3 =	vmand vm3, vm5;
	vm2 =	vmor vm9, vm2;
	vm1 =	vmor vm8, vm1;
	[tilespmem:s23+$0xFFFFFFF0] =	vst v8  }
0x1e6: {  	s1 =	smov.u32 s0;
	s22 =	sadd.s32 $0x80, s22;
	v9 =	vsel vm2, $0x3F800000, v5;
	v8 =	vsel vm1, $0x3F800000, v5;
	vm1 =	vmor vm6, vm3;
	s23 =	sadd.s32 $0x80, s23  }
0x1e7: {  	[tilespmem:s21+$0x20] =	vst v9  }
0x1e8: {  	v6 =	vsel vm0, $0x3F800000, v5;
	[tilespmem:s21+$0xFFFFFFC0] =	vst v8  }
0x1e9: {  	[tilespmem:s21+$0xFFFFFFD0] =	vst v6;
	v6 =	vsel vm1, $0x3F800000, v5  }
0x1ea: {  	s0 =	simm.s32 $0x6000;
	[tilespmem:s21+$0x0] =	vst v6  }
0x1eb: {  	[hbm4b:s5+s8] =	stream.strided.scatter [tilespmem:s0], [sflag:$0x3], $0x2000, s9, s8, $0x38;
	[tilespmem:$0x12A80] =	vst v63  }
0x1ec: {  	_ =	swait.ge [sflag:s16], $0x2000  }
0x1ed: {  	[sflag:s16] =	ssyncset.done $0x0  }
0x1ee: {  	s0 =	simm.s32 $0xA040;
	[sflag:s16] =	ssyncadd.s32 $0xFFFFE000  }
0x1ef: {  	[tilespmem:s0+$0xFFFFFFC0] =	vst v1  }
0x1f0: {  	[tilespmem:s0+$0x30] =	vst v1  }
0x1f1: {  	[tilespmem:s0+$0x20] =	vst v1  }
0x1f2: {  	[tilespmem:s0+$0x10] =	vst v1  }
0x1f3: {  	[tilespmem:s0+$0x0] =	vst v1  }
0x1f4: {  	[tilespmem:s0+$0xFFFFFFF0] =	vst v1  }
0x1f5: {  	s1 =	simm.s32 $0x0;
	[tilespmem:s0+$0xFFFFFFE0] =	vst v1  }
.LBB2_43:
0x1f6: {  	s1 =	sadd.s32 $0x80, s1;
	[tilespmem:s0+$0xFFFFFFD0] =	vst v1;
	s0 =	sadd.s32 $0x80, s0  }
0x1f7: {  	[tilespmem:s0+$0xFFFFFFC0] =	vst v1;
	p0 =	slt.u32 s1, $0x780  }
0x1f8: {  	[tilespmem:s0+$0x30] =	vst v1  }
.Ltmp39:
0x1f9: {  	[tilespmem:s0+$0x20] =	vst v1;
	(pc) =	sbr.rel @p0 .LBB2_43-.Ltmp39, $4  }
0x1fa: {  	[tilespmem:s0+$0x10] =	vst v1  }
0x1fb: {  	[tilespmem:s0+$0x0] =	vst v1  }
0x1fc: {  	[tilespmem:s0+$0xFFFFFFF0] =	vst v1  }
0x1fd: {  	[tilespmem:s0+$0xFFFFFFE0] =	vst v1  }
0x1fe: {  	[tilespmem:s0+$0xFFFFFFD0] =	vst v1  }
0x1ff: {  	[tilespmem:$0xA800] =	vst v1  }
0x200: {  	[tilespmem:$0xA810] =	vst v1  }
0x201: {  	[tilespmem:$0xA820] =	vst v1  }
0x202: {  	[tilespmem:$0xA830] =	vst v1  }
0x203: {  	[tilespmem:$0xA840] =	vst v1  }
0x204: {  	[tilespmem:$0xA850] =	vst v1  }
0x205: {  	[tilespmem:$0xA860] =	vst v1  }
0x206: {  	s31 =	simm.s32 $0x2040;
	[tilespmem:$0xA870] =	vst v1  }
0x207: {  	v6 =	vld [tilespmem:s31+$0xFFFFFFC0]  }
0x208: {  	v7 =	vld [tilespmem:s31+$0xFFFFFFD0]  }
0x209: {  	v8 =	vld [tilespmem:s31+$0xFFFFFFE0];
	_ =	sdelay $0x1  }
0x20a: {  	v15 =	vld [tilespmem:s31+$0x10]  }
0x20b: {  	v9 =	vsub.s32 $0x80000000, v6;
	vm0 =	vlt.s32 v6, $0x0  }
0x20c: {  	v10 =	vimm.s32 $0x80000000;
	v12 =	vsub.s32 $0x80000000, v7;
	v11 =	vsel vm0, v9, v6;
	v9 =	vld [tilespmem:s31+$0xFFFFFFF0]  }
0x20d: {  	vm1 =	vlt.s32 v7, $0x0;
	v14 =	vsub.s32 $0x80000000, v8;
	vm0 =	vgt.s32 v10, v11  }
0x20e: {  	vm11 =	vlt.s32 v8, $0x0;
	v13 =	vsel vm1, v12, v7;
	v12 =	vld [tilespmem:s31+$0x0];
	v10 =	vsel vm0, v10, v11  }
0x20f: {  	vm14 =	vlt.s32 v15, $0x0;
	v14 =	vsel vm11, v14, v8;
	vm0 =	vgt.s32 v10, v13  }
0x210: {  	v17 =	vld [tilespmem:s31+$0x20];
	v6 =	vshra.s32 v11, $0x15;
	v7 =	vshra.s32 v13, $0x15;
	v10 =	vsel vm0, v10, v13  }
0x211: {  	s21 =	simm.s32 $0x4040;
	vm0 =	vgt.s32 v10, v14;
	v16 =	vsub.s32 $0x80000000, v9;
	vm12 =	vlt.s32 v9, $0x0  }
0x212: {  	[tilespmem:s21+$0xFFFFFFC0] =	vst v11;
	v11 =	vsub.s32 $0x80000000, v15;
	v10 =	vsel vm0, v10, v14;
	v16 =	vsel vm12, v16, v9  }
0x213: {  	vm13 =	vlt.s32 v12, $0x0;
	v9 =	vsub.s32 $0x80000000, v12;
	vm0 =	vgt.s32 v10, v16  }
0x214: {  	[tilespmem:s21+$0xFFFFFFD0] =	vst v13;
	v13 =	vsel vm14, v11, v15;
	v15 =	vld [tilespmem:s31+$0x30];
	v12 =	vsel vm13, v9, v12;
	v18 =	vsel vm0, v10, v16  }
0x215: {  	vm15 =	vlt.s32 v17, $0x0;
	vm0 =	vgt.s32 v18, v12  }
0x216: {  	v8 =	vshra.s32 v14, $0x15;
	v11 =	vshra.s32 v13, $0x15;
	v18 =	vsel vm0, v18, v12  }
0x217: {  	[tilespmem:s21+$0xFFFFFFE0] =	vst v14;
	v14 =	vsub.s32 $0x80000000, v17;
	v9 =	vshra.s32 v16, $0x15;
	vm0 =	vgt.s32 v18, v13  }
0x218: {  	s22 =	simm.s32 $0x0;
	s0 =	simm.s32 $0x20C0;
	[tilespmem:s21+$0xFFFFFFF0] =	vst v16;
	v14 =	vsel vm15, v14, v17;
	v10 =	vshra.s32 v12, $0x15;
	v16 =	vsel vm0, v18, v13  }
.LBB2_45:
0x219: {  	v17 =	vld [tilespmem:s0+$0xFFFFFFC0];
	s22 =	sadd.s32 $0x80, s22;
	[tilespmem:s21+$0x0] =	vst v12;
	vm0 =	vgt.s32 v16, v14;
	v12 =	vsub.s32 $0x80000000, v15;
	vm1 =	vlt.s32 v15, $0x0  }
0x21a: {  	p0 =	slt.u32 s22, $0x1F80;
	[tilespmem:s21+$0x10] =	vst v13;
	v13 =	vshra.s32 v14, $0x15;
	v16 =	vsel vm0, v16, v14;
	v12 =	vsel vm1, v12, v15  }
0x21b: {  	v6 =	vadd.s32 $0x400, v6;
	v15 =	vld [tilespmem:s0+$0xFFFFFFD0];
	[tilespmem:s21+$0x20] =	vst v14;
	v14 =	vshra.s32 v12, $0x15;
	vm0 =	vgt.s32 v16, v12  }
0x21c: {  	v7 =	vadd.s32 $0x400, v7;
	v8 =	vadd.s32 $0x400, v8;
	[tilespmem:s21+$0x30] =	vst v12;
	v12 =	vsel vm0, v16, v12  }
0x21d: {  	v9 =	vadd.s32 $0x400, v9;
	v10 =	vadd.s32 $0x400, v10;
	v11 =	vadd.s32 $0x400, v11;
	v16 =	vld [tilespmem:s0+$0xFFFFFFE0]  }
0x21e: {  	v19 =	vadd.s32 $0x400, v13;
	v18 =	vsub.s32 $0x80000000, v17;
	vm0 =	vlt.s32 v17, $0x0  }
0x21f: {  	v13 =	vsel vm0, v18, v17;
	v17 =	vld [tilespmem:s0+$0xFFFFFFF0];
	v18 =	vadd.s32 $0x400, v14  }
0x220: {  	s21 =	sadd.s32 $0x80, s21;
	vm0 =	vgt.s32 v12, v13;
	v14 =	vsub.s32 $0x80000000, v15;
	vm1 =	vlt.s32 v15, $0x0;
	[tilespmem:v6+s12+$0x0] =	vst.idx.add.s32.msk $0xffff, v2  }
0x221: {  	v6 =	vshra.s32 v13, $0x15;
	[tilespmem:s21+$0xFFFFFFC0] =	vst v13;
	v12 =	vsel vm0, v12, v13;
	v13 =	vsel vm1, v14, v15;
	v14 =	vld [tilespmem:s0+$0x0]  }
0x222: {  	vm0 =	vgt.s32 v12, v13;
	v15 =	vsub.s32 $0x80000000, v16;
	vm1 =	vlt.s32 v16, $0x0;
	[tilespmem:v7+s12+$0x0] =	vst.idx.add.s32.msk $0xffff, v2  }
0x223: {  	v7 =	vshra.s32 v13, $0x15;
	[tilespmem:s21+$0xFFFFFFD0] =	vst v13;
	v12 =	vsel vm0, v12, v13;
	v13 =	vsel vm1, v15, v16;
	v16 =	vld [tilespmem:s0+$0x10]  }
0x224: {  	vm0 =	vgt.s32 v12, v13;
	v15 =	vsub.s32 $0x80000000, v17;
	vm1 =	vlt.s32 v17, $0x0;
	[tilespmem:v8+s12+$0x0] =	vst.idx.add.s32.msk $0xffff, v2  }
0x225: {  	v8 =	vshra.s32 v13, $0x15;
	[tilespmem:s21+$0xFFFFFFE0] =	vst v13;
	v12 =	vsel vm0, v12, v13;
	v13 =	vsel vm1, v15, v17;
	v17 =	vld [tilespmem:s0+$0x20]  }
0x226: {  	vm0 =	vgt.s32 v12, v13;
	v15 =	vsub.s32 $0x80000000, v14;
	vm1 =	vlt.s32 v14, $0x0;
	[tilespmem:v9+s12+$0x0] =	vst.idx.add.s32.msk $0xffff, v2  }
.Ltmp40:
0x227: {  	v9 =	vshra.s32 v13, $0x15;
	[tilespmem:s21+$0xFFFFFFF0] =	vst v13;
	v13 =	vsel vm0, v12, v13;
	v12 =	vsel vm1, v15, v14;
	v15 =	vld [tilespmem:s0+$0x30];
	(pc) =	sbr.rel @p0 .LBB2_45-.Ltmp40, $4  }
0x228: {  	vm0 =	vgt.s32 v13, v12;
	v14 =	vsub.s32 $0x80000000, v16;
	vm1 =	vlt.s32 v16, $0x0;
	[tilespmem:v10+s12+$0x0] =	vst.idx.add.s32.msk $0xffff, v2  }
0x229: {  	v10 =	vshra.s32 v12, $0x15;
	v20 =	vsel vm0, v13, v12;
	v13 =	vsel vm1, v14, v16;
	[tilespmem:v11+s12+$0x0] =	vst.idx.add.s32.msk $0xffff, v2  }
0x22a: {  	vm0 =	vgt.s32 v20, v13;
	v14 =	vsub.s32 $0x80000000, v17;
	vm1 =	vlt.s32 v17, $0x0;
	[tilespmem:v19+s12+$0x0] =	vst.idx.add.s32.msk $0xffff, v2  }
0x22b: {  	s0 =	sadd.s32 $0x80, s0;
	v11 =	vshra.s32 v13, $0x15;
	v16 =	vsel vm0, v20, v13;
	v14 =	vsel vm1, v14, v17;
	[tilespmem:v18+s12+$0x0] =	vst.idx.add.s32.msk $0xffff, v2  }
0x22c: {  	vm0 =	vgt.s32 v16, v14;
	v17 =	vsub.s32 $0x80000000, v15;
	vm1 =	vlt.s32 v15, $0x0  }
0x22d: {  	v15 =	vsel vm1, v17, v15;
	v16 =	vsel vm0, v16, v14  }
0x22e: {  	vm0 =	vgt.s32 v16, v15  }
0x22f: {  	v16 =	vsel vm0, v16, v15  }
0x230: {  	v16 =	vxor.u32 $0x80000000, v16  }
0x231: {  	(xrf0) =	vmax.scan.msk.u32 $0xffff, v16;
	_ =	sdelay $0x5  }
0x232: {  	v16, _, _ =	vpop (xrf0)  }
0x233: {  	(v2sf) =	vpush v16, $0xF;
	_ =	sdelay $0xc  }
0x234: {  	v6 =	vadd.s32 $0x400, v6  }
0x235: {  	[tilespmem:s21+$0x0] =	vst v12;
	v7 =	vadd.s32 $0x400, v7  }
0x236: {  	[tilespmem:s21+$0x10] =	vst v13;
	v8 =	vadd.s32 $0x400, v8;
	s0 =	spop (v2sf)  }
0x237: {  	[tilespmem:s21+$0x20] =	vst v14;
	v9 =	vadd.s32 $0x400, v9;
	s0 =	sshra.s32 s0, $0x15  }
0x238: {  	v10 =	vadd.s32 $0x400, v10;
	[tilespmem:s21+$0x30] =	vst v15;
	s0 =	sxor.u32 $0xFFFFFC00, s0  }
0x239: {  	v63 =	vshra.s32 v14, $0x15;
	v11 =	vadd.s32 $0x400, v11;
	[tilespmem:v6+s12+$0x0] =	vst.idx.add.s32.msk $0xffff, v2;
	s1 =	ssub.s32 $0x3FF, s0  }
0x23a: {  	v12 =	vadd.s32 $0x400, v63;
	v6 =	vshra.s32 v15, $0x15;
	[tilespmem:v7+s12+$0x0] =	vst.idx.add.s32.msk $0xffff, v2;
	s15 =	sand.u32 $0xF, s1  }
0x23b: {  	[tilespmem:v8+s12+$0x0] =	vst.idx.add.s32.msk $0xffff, v2;
	v6 =	vadd.s32 $0x400, v6;
	p0 =	sgt.s32 s0, $0x3FE;
	p1 =	sne.s32 s15, $0x0  }
0x23c: {  	[tilespmem:v9+s12+$0x0] =	vst.idx.add.s32.msk $0xffff, v2;
	s31 =	sshrl.u32 s1, $0x1C;
	p0 =	por !p0, !p1  }
0x23d: {  	[tilespmem:v10+s12+$0x0] =	vst.idx.add.s32.msk $0xffff, v2;
	s0 =	sadd.s32 s31, s1;
	s1 =	simm.s32 $0x1;
	p0 =	por !p0, !p0  }
0x23e: {  	[tilespmem:v11+s12+$0x0] =	vst.idx.add.s32.msk $0xffff, v2;
	s0 =	sshra.s32 s0, $0x4;
	s1 =	simm.s32 @!p0 $0x0  }
0x23f: {  	[tilespmem:v12+s12+$0x0] =	vst.idx.add.s32.msk $0xffff, v2;
	s0 =	ssub.s32 s0, s1  }
0x240: {  	[tilespmem:v6+s12+$0x0] =	vst.idx.add.s32.msk $0xffff, v2;
	s15 =	simm.s32 $0x0;
	s1 =	sadd.s32 $0x1, s0  }
.LBB2_47:
0x241: {  	s0 =	sshll.u32 s1, $0x4  }
0x242: {  	s17 =	ssub.s32 $0xA800, s0  }
0x243: {  	v6 =	vld [tilespmem:s17+$0x0];
	_ =	sdelay $0x4  }
0x244: {  	v6 =	vperm.xlane v6, v3;
	_ =	sdelay $0x1  }
0x245: {  	(xrf0) =	vadd.scan.msk.s32 $0xffff, v6;
	_ =	sdelay $0x5  }
0x246: {  	v7, _, _ =	vpop (xrf0)  }
0x247: {  	v7 =	vadd.s32 s15, v7  }
0x248: {  	vm0 =	vgt.s32 v7, $0xFF  }
0x249: {  	v8 =	vmpcnt.ones.xlane vm0;
	_ =	sdelay $0x1  }
0x24a: {  	(v2sf) =	vpush v8, $0x0;
	_ =	sdelay $0x5  }
0x24b: {  	(v2sf) =	vpush v7, $0xF;
	_ =	sdelay $0x8  }
0x24c: {  	s31 =	spop (v2sf)  }
0x24d: {  	p0 =	slt.s32 s31, $0x1  }
.Ltmp41:
0x24e: {  	_ = 	snop;
	(pc) =	sbr.rel @p0 .LBB2_47-.Ltmp41, $2  }
0x24f: {  	_ =	sdelay $0x2  }
0x250: {  	s1 =	sadd.s32 $0x1, s1;
	s15 =	spop (v2sf)  }
0x251: {  	v9 =	vmctz.xlane vm0;
	_ =	sdelay $0x1  }
0x252: {  	(v2sf) =	vpush v9, $0x0;
	_ =	sdelay $0xa  }
0x253: {  	s1 =	simm.s32 $0x4020  }
0x254: {  	v11 =	vld [tilespmem:s1+$0xFFFFFFE0]  }
0x255: {  	v19 =	vld [tilespmem:s1+$0xFFFFFFF0]  }
0x256: {  	v21 =	vld [tilespmem:s1+$0x0]  }
0x257: {  	s15 =	spop (v2sf)  }
0x258: {  	v22 =	vld [tilespmem:s1+$0x10];
	s21 =	sadd.s32 s0, s15  }
0x259: {  	v8 =	vshra.s32 v11, $0x15;
	s0 =	ssub.s32 $0x80F, s21  }
0x25a: {  	v10 =	vshra.s32 v19, $0x15;
	v8 =	vadd.s32 $0x400, v8;
	v16 =	vmov s0  }
0x25b: {  	vm0 =	veq.s32 v8, v16;
	v8 =	vadd.s32 $0x400, v10;
	v10 =	vshra.s32 v21, $0x15  }
0x25c: {  	s17 =	simm.s32 $0x40A0;
	v12 =	vmpcnt.ones.xlane vm0;
	vm1 =	veq.s32 v8, v16;
	v8 =	vadd.s32 $0x400, v10  }
0x25d: {  	v18 =	vld [tilespmem:s17+$0xFFFFFFE0];
	v13 =	vshra.s32 v22, $0x15;
	s15 =	simm.s32 $0x4060;
	v14 =	vmpcnt.ones.xlane vm1;
	vm2 =	veq.s32 v8, v16  }
0x25e: {  	v17 =	vld [tilespmem:s15+$0xFFFFFFE0];
	v8 =	vadd.s32 $0x400, v13;
	v13 =	vmpcnt.ones.xlane vm2;
	(v2sf) =	vpush v12, $0x0  }
0x25f: {  	v15 =	vld [tilespmem:s15+$0xFFFFFFF0];
	vm3 =	veq.s32 v8, v16;
	(v2sf) =	vpush v14, $0x0  }
0x260: {  	v10 =	vld [tilespmem:s15+$0x10];
	v8 =	vmpcnt.ones.xlane vm3;
	(v2sf) =	vpush v13, $0x0  }
0x261: {  	s24 =	simm.s32 $0x30;
	v14 =	vld [tilespmem:s15+$0x0]  }
0x262: {  	s22 =	simm.s32 $0x0;
	v63 =	vor.u32 s24, v0;
	vm4 =	vmmov vm0;
	(v2sf) =	vpush v8, $0x0  }
0x263: {  	vm1 =	vmmov vm1;
	[tilespmem:s22+$0xA880] =	vst.msk vm4, v11;
	v11 =	vshra.s32 v18, $0x15;
	vm2 =	vmmov vm2  }
0x264: {  	v12 =	vshra.s32 v15, $0x15;
	v11 =	vadd.s32 $0x400, v11;
	v8 =	vshra.s32 v17, $0x15  }
0x265: {  	vm3 =	vmmov vm3;
	v13 =	vshra.s32 v10, $0x15;
	v8 =	vadd.s32 $0x400, v8  }
0x266: {  	vm6 =	veq.s32 v8, v16;
	v8 =	vadd.s32 $0x400, v12;
	v12 =	vshra.s32 v14, $0x15  }
0x267: {  	v20 =	vmpcnt.ones.xlane vm6;
	vm5 =	veq.s32 v8, v16;
	v12 =	vadd.s32 $0x400, v12  }
0x268: {  	v23 =	vmpcnt.ones.xlane vm5;
	vm0 =	veq.s32 v12, v16;
	v12 =	vadd.s32 $0x400, v13  }
0x269: {  	(v2sf) =	vpush v20, $0x0;
	v24 =	vmpcnt.ones.xlane vm0;
	vm7 =	veq.s32 v12, v16;
	v12 =	vld [tilespmem:s17+$0xFFFFFFF0]  }
0x26a: {  	v13 =	vld [tilespmem:s17+$0x0];
	(v2sf) =	vpush v23, $0x0;
	v23 =	vor.u32 s22, v0;
	v20 =	vmpcnt.ones.xlane vm7  }
0x26b: {  	vm2 =	vmmov vm2;
	v8 =	vld [tilespmem:s17+$0x10];
	[tilespmem:s22+$0xC900] =	vst.msk vm4, v23;
	vm4 =	veq.s32 v11, v16;
	(v2sf) =	vpush v24, $0x0  }
0x26c: {  	vm10 =	vmmov vm3;
	v26 =	vmpcnt.ones.xlane vm4;
	(v2sf) =	vpush v20, $0x0  }
0x26d: {  	vm3 =	vmmov vm1;
	vm6 =	vmmov vm6;
	vm1 =	vmmov vm5;
	s25 =	spop (v2sf)  }
0x26e: {  	vm0 =	vmmov vm0;
	v23 =	vshra.s32 v12, $0x15;
	(v2sf) =	vpush v26, $0x0;
	s25 =	sadd.s32 $0x0, s25;
	s26 =	spop (v2sf)  }
0x26f: {  	s23 =	simm.s32 $0x20;
	vm5 =	vmmov vm7;
	v11 =	vadd.s32 $0x400, v23;
	v23 =	vshra.s32 v13, $0x15;
	[tilespmem:s25+$0xA880] =	vst.msk vm3, v19;
	s28 =	sadd.s32 s25, s26;
	s30 =	spop (v2sf)  }
0x270: {  	s29 =	simm.s32 $0x100;
	s0 =	simm.s32 $0x40E0;
	v25 =	vshra.s32 v8, $0x15;
	vm7 =	veq.s32 v11, v16;
	v19 =	vadd.s32 $0x400, v23;
	[tilespmem:s28+$0xA880] =	vst.msk vm2, v21;
	s1 =	sadd.s32 s28, s30  }
0x271: {  	s24 =	simm.s32 $0x40;
	s15 =	simm.s32 $0x10;
	v11 =	vld [tilespmem:s0+$0x10];
	v23 =	vadd.s32 $0x400, v25;
	s31 =	spop (v2sf);
	v21 =	vmpcnt.ones.xlane vm7;
	vm9 =	veq.s32 v19, v16;
	[tilespmem:s1+$0xA880] =	vst.msk vm10, v22  }
0x272: {  	s22 =	simm.s32 $0xC0;
	v20 =	vor.u32 s23, v0;
	s23 =	simm.s32 $0x80;
	v19 =	vld [tilespmem:s0+$0xFFFFFFE0];
	vm8 =	veq.s32 v23, v16;
	s26 =	sadd.s32 s1, s31;
	v22 =	vmpcnt.ones.xlane vm9;
	[tilespmem:s1+$0xC900] =	vst.msk vm10, v63  }
.LBB2_49:
0x273: {  	p0 =	slt.u32 s29, $0x1FC0;
	v24 =	vmpcnt.ones.xlane vm8;
	(v2sf) =	vpush v21, $0x0;
	v21 =	vor.u32 s15, v0  }
0x274: {  	v23 =	vld [tilespmem:s0+$0xFFFFFFF0];
	[tilespmem:s28+$0xC900] =	vst.msk vm2, v20;
	vm2 =	vmmov vm0;
	vm0 =	vmmov vm9;
	vm10 =	vmmov vm5;
	s1 =	smov.u32 s23;
	s23 =	smov.u32 s22;
	s22 =	smov.u32 s29  }
0x275: {  	v25 =	vld [tilespmem:s0+$0x0];
	(v2sf) =	vpush v22, $0x0;
	[tilespmem:s25+$0xC900] =	vst.msk vm3, v21;
	vm3 =	vmmov vm1;
	vm1 =	vmmov vm7  }
0x276: {  	v20 =	vor.u32 s24, v0;
	vm5 =	vmmov vm8;
	(v2sf) =	vpush v24, $0x0;
	[tilespmem:s26+$0xA880] =	vst.msk vm6, v17;
	v17 =	vmovc v18  }
0x277: {  	s15 =	sadd.s32 $0x20, s24;
	s17 =	sadd.s32 $0x30, s24;
	[tilespmem:s26+$0xC900] =	vst.msk vm6, v20;
	vm6 =	vmmov vm4  }
0x278: {  	v24 =	vor.u32 s17, v0;
	v20 =	vor.u32 s15, v0;
	v21 =	vshra.s32 v19, $0x15;
	s15 =	spop (v2sf);
	v18 =	vmovc v19  }
.Ltmp42:
0x279: {  	v22 =	vshra.s32 v11, $0x15;
	v19 =	vadd.s32 $0x400, v21;
	v21 =	vshra.s32 v23, $0x15;
	s25 =	sadd.s32 s26, s15;
	s15 =	spop (v2sf);
	(pc) =	sbr.rel @p0 .LBB2_49-.Ltmp42, $4  }
0x27a: {  	vm4 =	veq.s32 v19, v16;
	v19 =	vadd.s32 $0x400, v21;
	v21 =	vshra.s32 v25, $0x15;
	[tilespmem:s25+$0xA880] =	vst.msk vm3, v15;
	s28 =	sadd.s32 s25, s15;
	s15 =	spop (v2sf);
	v15 =	vmovc v12;
	v12 =	vmovc v23  }
0x27b: {  	s0 =	sadd.s32 $0x40, s0;
	v23 =	vmpcnt.ones.xlane vm4;
	vm7 =	veq.s32 v19, v16;
	v19 =	vadd.s32 $0x400, v21;
	[tilespmem:s28+$0xA880] =	vst.msk vm2, v14;
	s17 =	sadd.s32 s28, s15;
	s15 =	spop (v2sf);
	v14 =	vmovc v13;
	v13 =	vmovc v25  }
0x27c: {  	v25 =	vadd.s32 $0x400, v22;
	v21 =	vmpcnt.ones.xlane vm7;
	vm9 =	veq.s32 v19, v16;
	[tilespmem:s17+$0xA880] =	vst.msk vm10, v10;
	s26 =	sadd.s32 s17, s15;
	v10 =	vmovc v8;
	v8 =	vmovc v11;
	v11 =	vld [tilespmem:s0+$0x10]  }
0x27d: {  	s29 =	sadd.s32 $0x40, s29;
	vm8 =	veq.s32 v25, v16;
	s15 =	sadd.s32 $0x10, s24;
	s24 =	smov.u32 s1;
	v19 =	vld [tilespmem:s0+$0xFFFFFFE0];
	v22 =	vmpcnt.ones.xlane vm9;
	(v2sf) =	vpush v23, $0x0;
	[tilespmem:s17+$0xC900] =	vst.msk vm10, v24  }
0x27e: {  	v23 =	vld [tilespmem:s0+$0xFFFFFFF0]  }
0x27f: {  	v24 =	vld [tilespmem:s0+$0x0]  }
0x280: {  	v25 =	vmpcnt.ones.xlane vm8;
	(v2sf) =	vpush v21, $0x0  }
0x281: {  	(v2sf) =	vpush v22, $0x0  }
0x282: {  	(v2sf) =	vpush v25, $0x0;
	v53 =	vshra.s32 v19, $0x15  }
0x283: {  	v55 =	vshra.s32 v11, $0x15;
	v21 =	vadd.s32 $0x400, v53;
	v54 =	vshra.s32 v23, $0x15  }
0x284: {  	v57 =	vshra.s32 v24, $0x15;
	vm12 =	veq.s32 v21, v16;
	v56 =	vadd.s32 $0x400, v54  }
0x285: {  	v22 =	vadd.s32 $0x400, v57;
	vm13 =	veq.s32 v56, v16;
	v58 =	vmpcnt.ones.xlane vm12  }
0x286: {  	v25 =	vadd.s32 $0x400, v55;
	vm11 =	veq.s32 v22, v16;
	v59 =	vmpcnt.ones.xlane vm13  }
0x287: {  	vm10 =	veq.s32 v25, v16;
	v60 =	vmpcnt.ones.xlane vm11;
	(v2sf) =	vpush v58, $0x0  }
0x288: {  	v61 =	vmpcnt.ones.xlane vm10;
	(v2sf) =	vpush v59, $0x0  }
0x289: {  	(v2sf) =	vpush v60, $0x0  }
0x28a: {  	[tilespmem:s28+$0xC900] =	vst.msk vm2, v20;
	(v2sf) =	vpush v61, $0x0  }
0x28b: {  	v62 =	vor.u32 s15, v0;
	[tilespmem:s26+$0xA880] =	vst.msk vm6, v17  }
0x28c: {  	v63 =	vor.u32 s24, v0;
	[tilespmem:s25+$0xC900] =	vst.msk vm3, v62;
	s25 =	spop (v2sf)  }
0x28d: {  	v9 =	vbroadcast v9, $0x0;
	vm1 =	vmmov vm1;
	[tilespmem:s26+$0xC900] =	vst.msk vm6, v63;
	s0 =	sadd.s32 s26, s25;
	s1 =	spop (v2sf)  }
0x28e: {  	vm0 =	vmmov vm0;
	s29 =	sadd.s32 $0x20, s24;
	[tilespmem:s0+$0xA880] =	vst.msk vm1, v15;
	s1 =	sadd.s32 s0, s1  }
0x28f: {  	v6 =	vsub.s32 v7, v6;
	v7 =	vor.u32 s29, v0;
	vm14 =	veq.s32 v9, v0;
	s28 =	spop (v2sf);
	[tilespmem:s1+$0xA880] =	vst.msk vm0, v14  }
0x290: {  	vm15 =	vmmov vm5;
	s17 =	sadd.s32 $0x30, s24;
	v6 =	vnsel vm14, $0x0, v6;
	s15 =	sadd.s32 s1, s28;
	[tilespmem:s1+$0xC900] =	vst.msk vm0, v7  }
0x291: {  	s26 =	sadd.s32 $0x10, s24;
	(xrf0) =	vadd.scan.msk.s32 $0xffff, v6;
	v6 =	vor.u32 s17, v0;
	s31 =	spop (v2sf);
	[tilespmem:s15+$0xA880] =	vst.msk vm15, v10  }
0x292: {  	[tilespmem:s15+$0xC900] =	vst.msk vm15, v6;
	s15 =	sadd.s32 s15, s31;
	v6 =	vor.u32 s26, v0;
	s28 =	spop (v2sf)  }
0x293: {  	vm5 =	vmmov vm4;
	[tilespmem:s0+$0xC900] =	vst.msk vm1, v6;
	s0 =	sadd.s32 s15, s28;
	s29 =	spop (v2sf)  }
0x294: {  	[tilespmem:s15+$0xA880] =	vst.msk vm5, v18;
	v6 =	vor.u32 s23, v0;
	s1 =	sadd.s32 s0, s29;
	s31 =	spop (v2sf)  }
0x295: {  	vm6 =	vmmov vm7;
	vm7 =	vmmov vm9;
	[tilespmem:s15+$0xC900] =	vst.msk vm5, v6;
	s15 =	sadd.s32 s1, s31;
	s24 =	spop (v2sf)  }
0x296: {  	vm9 =	vmmov vm8;
	vm2 =	vmmov vm7;
	s17 =	sadd.s32 s15, s24;
	s25 =	spop (v2sf)  }
0x297: {  	vm0 =	vmmov vm9;
	s26 =	sadd.s32 $0x30, s23;
	[tilespmem:s1+$0xA880] =	vst.msk vm2, v13;
	s24 =	sadd.s32 s17, s25;
	s29 =	spop (v2sf)  }
0x298: {  	v7, _, _ =	vpop (xrf0);
	v6 =	vor.u32 s26, v0;
	s31 =	sadd.s32 $0x20, s23;
	[tilespmem:s15+$0xA880] =	vst.msk vm0, v8;
	s25 =	sadd.s32 s24, s29;
	s29 =	spop (v2sf)  }
0x299: {  	(v2sf) =	vpush v7, $0xF;
	v7 =	vor.u32 s31, v0;
	[tilespmem:s15+$0xC900] =	vst.msk vm0, v6;
	s15 =	sadd.s32 s25, s29;
	s28 =	spop (v2sf)  }
0x29a: {  	vm1 =	vmmov vm6;
	[tilespmem:s1+$0xC900] =	vst.msk vm2, v7;
	s1 =	sadd.s32 s15, s28  }
0x29b: {  	vm12 =	vmmov vm12;
	[tilespmem:s0+$0xA880] =	vst.msk vm1, v12;
	s31 =	sadd.s32 $0x10, s23;
	s29 =	sadd.s32 $0xF, s1  }
0x29c: {  	v6 =	vor.u32 s31, v0;
	[tilespmem:s17+$0xA880] =	vst.msk vm12, v19;
	s31 =	sand.u32 $0xF, s29  }
0x29d: {  	[tilespmem:s0+$0xC900] =	vst.msk vm1, v6;
	v6 =	vor.u32 s22, v0;
	s26 =	sshra.s32 s29, $0x1F;
	p0 =	slt.s32 s29, $0x1;
	p1 =	sne.s32 s31, $0x0  }
0x29e: {  	[tilespmem:s17+$0xC900] =	vst.msk vm12, v6;
	s17 =	sshrl.u32 s26, $0x1C;
	p0 =	por !p0, !p1  }
0x29f: {  	s0 =	sadd.s32 s17, s29;
	s17 =	simm.s32 $0x1;
	p0 =	por !p0, !p0  }
0x2a0: {  	vm13 =	vmmov vm13;
	s0 =	sshrl.u32 s0, $0x4;
	s17 =	simm.s32 @!p0 $0x0  }
0x2a1: {  	vm14 =	vmmov vm11;
	vm1 =	vmmov vm13;
	s0 =	ssub.s32 s0, s17  }
0x2a2: {  	vm15 =	vmmov vm10;
	vm2 =	vmmov vm14;
	[tilespmem:s24+$0xA880] =	vst.msk vm1, v23;
	s30 =	sshll.u32 s0, $0x4  }
0x2a3: {  	vm0 =	vmmov vm15;
	[tilespmem:s25+$0xA880] =	vst.msk vm2, v24;
	s28 =	sadd.s32 $0x30, s22;
	p0 =	slt.s32 s30, $0x1  }
.Ltmp43:
0x2a4: {  	[tilespmem:s15+$0xA880] =	vst.msk vm0, v11;
	v6 =	vor.u32 s28, v0;
	s31 =	sadd.s32 $0x10, s22;
	(pc) =	sbr.rel @p0 .LBB2_74-.Ltmp43, $4  }
0x2a5: {  	[tilespmem:s15+$0xC900] =	vst.msk vm0, v6;
	s29 =	sadd.s32 $0x20, s22;
	v6 =	vor.u32 s31, v0  }
0x2a6: {  	v7 =	vor.u32 s29, v0;
	[tilespmem:s24+$0xC900] =	vst.msk vm1, v6  }
0x2a7: {  	[tilespmem:s25+$0xC900] =	vst.msk vm2, v7  }
0x2a8: {  	[tilespmem:s1+$0xA880] =	vst v4;
	s0 =	spop (v2sf)  }
0x2a9: {  	p2 =	sgt.s32 s30, $0x10  }
.Ltmp44:
0x2aa: {  	_ = 	snop;
	(pc) =	sbr.rel @!p2 .LBB2_52-.Ltmp44, $3  }
0x2ab: {  	_ =	sdelay $0x1  }
0x2ac: {  	s1 =	simm.s32 $0xA880  }
0x2ad: {  	p1 =	por $0x0, $0x0;
	v6 =	vld [tilespmem:s1+$0x0]  }
0x2ae: {  	p2 =	sgt.s32 s30, $0x20  }
.Ltmp45:
0x2af: {  	_ = 	snop;
	(pc) =	sbr.rel @!p2 .LBB2_73-.Ltmp45, $3  }
0x2b0: {  	_ =	sdelay $0x1  }
0x2b1: {  	s1 =	simm.s32 $0xA890;
	v7 =	vshrl.u32 v6, $0xE  }
0x2b2: {  	s15 =	simm.s32 $0x20;
	p1 =	por $0x1, $0x1;
	vm0 =	vne.s32 v6, $0x80000000;
	v6 =	vld [tilespmem:s1+$0x0];
	v7 =	vand.u32 $0x7F, v7  }
.LBB2_72:
0x2b3: {  	s15 =	sadd.s32 $0x10, s15  }
0x2b4: {  	p2 =	slt.s32 s15, s30  }
.Ltmp46:
0x2b5: {  	_ = 	snop;
	(pc) =	sbr.rel @p2 .LBB2_72-.Ltmp46, $3  }
0x2b6: {  	_ =	sdelay $0x1  }
0x2b7: {  	s1 =	sadd.s32 $0x10, s1;
	[tilespmem:v7+s13+$0x0] =	vst.idx.add.s32.msk vm0, v2;
	v8 =	vshrl.u32 v6, $0xE;
	vm0 =	vne.s32 v6, $0x80000000  }
0x2b8: {  	v6 =	vld [tilespmem:s1+$0x0];
	v7 =	vand.u32 $0x7F, v8  }
.LBB2_73:
0x2b9: {  	_ =	sdelay $0x3  }
0x2ba: {  	v8 =	vshrl.u32 v6, $0xE;
	vm1 =	vne.s32 v6, $0x80000000  }
0x2bb: {  	v6 =	vand.u32 $0x7F, v8;
	_ =	sdelay $0x3  }
0x2bc: {  	[tilespmem:v7+s13+$0x0] =	vst.idx.add.s32.msk @p1 vm0, v2  }
0x2bd: {  	[tilespmem:v6+s13+$0x0] =	vst.idx.add.s32.msk vm1, v2  }
.LBB2_74:
0x2be: {  	s23 =	ssub.s32 $0x100, s0;
	s15 =	simm.s32 $0x0  }
0x2bf: {  	s0 =	simm.s32 $0x8F;
	s24 =	simm.s32 $0x23C000;
	s1 =	simm.s32 $0xA870;
	v6 =	vmov s23  }
.LBB2_75:
0x2c0: {  	v7 =	vld [tilespmem:s1+$0x0];
	_ =	sdelay $0x4  }
0x2c1: {  	v7 =	vperm.xlane v7, v3;
	_ =	sdelay $0x1  }
0x2c2: {  	(xrf0) =	vadd.scan.msk.s32 $0xffff, v7;
	_ =	sdelay $0x5  }
0x2c3: {  	v8, _, _ =	vpop (xrf0)  }
0x2c4: {  	v8 =	vadd.s32 s15, v8  }
0x2c5: {  	vm0 =	vge.s32 v8, v6  }
0x2c6: {  	v9 =	vmpcnt.ones.xlane vm0;
	_ =	sdelay $0x1  }
0x2c7: {  	(v2sf) =	vpush v9, $0x0;
	_ =	sdelay $0x5  }
0x2c8: {  	(v2sf) =	vpush v8, $0xF;
	_ =	sdelay $0x8  }
0x2c9: {  	s31 =	spop (v2sf)  }
0x2ca: {  	p1 =	slt.s32 s31, $0x1  }
.Ltmp47:
0x2cb: {  	_ = 	snop;
	(pc) =	sbr.rel @p1 .LBB2_75-.Ltmp47, $3  }
0x2cc: {  	_ =	sdelay $0x1  }
0x2cd: {  	s0 =	sadd.s32 $0xFFFFFFF0, s0  }
0x2ce: {  	s24 =	sadd.s32 $0xFFFC0000, s24;
	s1 =	sadd.s32 $0xFFFFFFF0, s1;
	s15 =	spop (v2sf)  }
0x2cf: {  	v6 =	vmctz.xlane vm0;
	_ =	sdelay $0x1  }
0x2d0: {  	v9 =	vbroadcast v6, $0x0;
	_ =	sdelay $0x1  }
0x2d1: {  	v7 =	vsub.s32 v8, v7;
	vm15 =	veq.s32 v9, v0  }
0x2d2: {  	v7 =	vnsel vm15, $0x0, v7  }
0x2d3: {  	(xrf0) =	vadd.scan.msk.s32 $0xffff, v7;
	_ =	sdelay $0x5  }
0x2d4: {  	(v2sf) =	vpush v6, $0x0;
	v6, _, _ =	vpop (xrf0)  }
0x2d5: {  	(v2sf) =	vpush v6, $0xF;
	_ =	sdelay $0xa  }
.Ltmp48:
0x2d6: {  	_ = 	snop;
	(pc) =	sbr.rel @p0 .LBB2_90-.Ltmp48, $3  }
0x2d7: {  	_ =	sdelay $0x1  }
0x2d8: {  	s26 =	spop (v2sf)  }
0x2d9: {  	s22 =	simm.s32 $0x0;
	s1 =	simm.s32 $0x0;
	s25 =	spop (v2sf)  }
0x2da: {  	p4 =	sgt.s32 s30, $0x10  }
.Ltmp49:
0x2db: {  	_ = 	snop;
	(pc) =	sbr.rel @!p4 .LBB2_78-.Ltmp49, $4  }
0x2dc: {  	_ = 	snop  }
0x2dd: {  	s0 =	ssub.s32 s0, s26;
	s28 =	simm.s32 $0x0  }
0x2de: {  	s29 =	simm.s32 $0xC900;
	s31 =	simm.s32 $0xA880;
	p0 =	por $0x0, $0x0  }
0x2df: {  	p1 =	por $0x0, $0x0;
	p2 =	por $0x0, $0x0;
	p3 =	por $0x0, $0x0;
	v7 =	vmov s0;
	v8 =	vld [tilespmem:s31+$0x0]  }
0x2e0: {  	_ =	sdelay $0x1  }
0x2e1: {  	p4 =	sgt.s32 s30, $0x20  }
.Ltmp50:
0x2e2: {  	_ = 	snop;
	(pc) =	sbr.rel @!p4 .LBB2_80-.Ltmp50, $4  }
0x2e3: {  	v6 =	vshrl.u32 v8, $0xE  }
0x2e4: {  	v6 =	vand.u32 $0x7F, v6  }
0x2e5: {  	s0 =	simm.s32 $0xA890;
	vm1 =	vne.s32 v8, $0x80000000;
	vm0 =	veq.s32 v6, v7  }
0x2e6: {  	p0 =	por $0x1, $0x1;
	v9 =	vld [tilespmem:s0+$0x0];
	vm0 =	vmand vm1, vm0  }
0x2e7: {  	_ =	sdelay $0x2  }
0x2e8: {  	p4 =	sgt.s32 s30, $0x30  }
.Ltmp51:
0x2e9: {  	v6 =	vshrl.u32 v9, $0xE;
	(pc) =	sbr.rel @!p4 .LBB2_82-.Ltmp51, $4  }
0x2ea: {  	s0 =	simm.s32 $0xA8A0;
	v6 =	vand.u32 $0x7F, v6  }
0x2eb: {  	v10 =	vmpcnt.ones.xlane vm0;
	vm2 =	vmmov vm0;
	vm0 =	veq.s32 v6, v7;
	v6 =	vld [tilespmem:s0+$0x0]  }
0x2ec: {  	vm1 =	vne.s32 v9, $0x80000000  }
0x2ed: {  	p1 =	por $0x1, $0x1;
	(v2sf) =	vpush v10, $0x0;
	vm0 =	vmand vm1, vm0  }
0x2ee: {  	v11 =	vmpcnt.ones.xlane vm0;
	_ =	sdelay $0x1  }
0x2ef: {  	(v2sf) =	vpush v11, $0x0;
	_ =	sdelay $0x2  }
0x2f0: {  	p4 =	sgt.s32 s30, $0x40  }
.Ltmp52:
0x2f1: {  	_ = 	snop;
	(pc) =	sbr.rel @!p4 .LBB2_84-.Ltmp52, $4  }
0x2f2: {  	s0 =	simm.s32 $0xA8B0;
	v10 =	vshrl.u32 v6, $0xE  }
0x2f3: {  	v15 =	vld [tilespmem:s0+$0x0];
	v12 =	vand.u32 $0x7F, v10  }
0x2f4: {  	vm3 =	vmmov vm0;
	vm4 =	vne.s32 v6, $0x80000000;
	vm0 =	veq.s32 v12, v7  }
0x2f5: {  	vm1 =	vmmov vm2;
	p2 =	por $0x1, $0x1;
	v10 =	vld [tilespmem:s29+$0x0];
	vm0 =	vmand vm4, vm0  }
0x2f6: {  	v12 =	vmpcnt.ones.xlane vm0;
	_ =	sdelay $0x1  }
0x2f7: {  	(v2sf) =	vpush v12, $0x0;
	_ =	sdelay $0x2  }
0x2f8: {  	p4 =	sgt.s32 s30, $0x50  }
.Ltmp53:
0x2f9: {  	_ = 	snop;
	(pc) =	sbr.rel @!p4 .LBB2_86-.Ltmp53, $4  }
0x2fa: {  	s17 =	simm.s32 $0xA8C0;
	v11 =	vshrl.u32 v15, $0xE  }
0x2fb: {  	s31 =	simm.s32 $0xC910;
	v16 =	vld [tilespmem:s17+$0x0];
	v13 =	vand.u32 $0x7F, v11  }
0x2fc: {  	s15 =	simm.s32 $0x50;
	[tilespmem:s28+$0xE980] =	vst.msk vm1, v8;
	vm2 =	vmmov vm0;
	vm5 =	vne.s32 v15, $0x80000000;
	v11 =	vld [tilespmem:s31+$0x0];
	vm0 =	veq.s32 v13, v7  }
0x2fd: {  	vm4 =	vmmov vm3;
	p3 =	por $0x1, $0x1;
	s0 =	simm.s32 $0x0;
	s1 =	spop (v2sf);
	[tilespmem:s28+$0x10A00] =	vst.msk vm1, v10;
	v12 =	vmov v9;
	vm0 =	vmand vm5, vm0  }
.LBB2_87:
0x2fe: {  	s15 =	sadd.s32 $0x10, s15  }
0x2ff: {  	v13 =	vmpcnt.ones.xlane vm0;
	s0 =	sadd.s32 s0, s1;
	p4 =	slt.s32 s15, s30  }
.Ltmp54:
0x300: {  	s31 =	sadd.s32 $0x10, s31;
	[tilespmem:s0+$0xE980] =	vst.msk vm4, v12;
	v12 =	vmov v6;
	v6 =	vmov v15;
	(pc) =	sbr.rel @p4 .LBB2_87-.Ltmp54, $4  }
0x301: {  	s17 =	sadd.s32 $0x10, s17;
	v14 =	vshrl.u32 v16, $0xE;
	(v2sf) =	vpush v13, $0x0;
	[tilespmem:s0+$0x10A00] =	vst.msk vm4, v11;
	v11 =	vld [tilespmem:s31+$0x0];
	v15 =	vmovc v16;
	vm4 =	vmmov vm2  }
0x302: {  	vm2 =	vmmov vm0;
	v16 =	vld [tilespmem:s17+$0x0];
	v13 =	vand.u32 $0x7F, v14  }
0x303: {  	vm5 =	vne.s32 v15, $0x80000000;
	vm0 =	veq.s32 v13, v7  }
0x304: {  	vm0 =	vmand vm5, vm0;
	s1 =	spop (v2sf)  }
0x305: {  	_ =	sdelay $0x1  }
0x306: {  	v14 =	vmov v6;
	v13 =	vmov v15;
	v6 =	vmov v16  }
.LBB2_89:
0x307: {  	v15 =	vmpcnt.ones.xlane @p0 vm0;
	v16 =	vshrl.u32 v6, $0xE  }
0x308: {  	v16 =	vand.u32 $0x7F, v16  }
0x309: {  	vm6 =	vne.s32 v6, $0x80000000;
	(v2sf) =	vpush @p0 v15, $0x0;
	vm5 =	veq.s32 v16, v7  }
0x30a: {  	vm5 =	vmand vm6, vm5  }
0x30b: {  	v7 =	vmpcnt.ones.xlane vm5;
	_ =	sdelay $0x1  }
0x30c: {  	(v2sf) =	vpush v7, $0x0;
	_ =	sdelay $0x3  }
0x30d: {  	s0 =	sadd.s32 @p3 s0, s1;
	s1 =	sadd.s32 @p2 $0x10, s31;
	s15 =	simm.s32 $0xC900  }
0x30e: {  	s17 =	spop @p2 (v2sf);
	s15 =	smov.u32 @p2 s1;
	s1 =	simm.s32 $0x0  }
0x30f: {  	s1 =	smov.u32 @p3 s0;
	s0 =	sadd.s32 @p1 $0x10, s15;
	v7 =	vld @p1 [tilespmem:s15+$0x0];
	s15 =	simm.s32 $0xC900  }
0x310: {  	s17 =	smov.u32 @p2 s17;
	s15 =	smov.u32 @p1 s0  }
0x311: {  	v8 =	vpsel p1, v14, v8;
	s0 =	sadd.s32 @p2 s1, s17;
	s17 =	simm.s32 $0x0;
	v15 =	vld @p0 [tilespmem:s15+$0x0]  }
0x312: {  	vm2 =	vmmov @p1 vm2;
	vm0 =	vmmov @p0 vm0;
	[tilespmem:s1+$0xE980] =	vst.msk @p2 vm4, v12;
	v12 =	vmov @p0 v13;
	s17 =	smov.u32 @p2 s0;
	s0 =	spop @p1 (v2sf);
	s15 =	sadd.s32 @p0 $0x10, s15  }
0x313: {  	vm1 =	vmmov @p1 vm2;
	vm3 =	vmmov @p0 vm0;
	[tilespmem:s1+$0x10A00] =	vst.msk @p2 vm4, v11;
	v9 =	vpsel p0, v12, v9;
	s0 =	smov.u32 @p1 s0;
	s29 =	smov.u32 @p0 s15  }
0x314: {  	vm0 =	vmmov @p0 vm3;
	s1 =	simm.s32 $0x0;
	[tilespmem:s17+$0xE980] =	vst.msk @p1 vm1, v8;
	v8 =	vmov @p0 v9;
	s0 =	sadd.s32 @p1 s17, s0;
	v63 =	vld [tilespmem:s29+$0x0];
	v7 =	vpsel p1, v7, v10;
	s15 =	spop @p0 (v2sf)  }
0x315: {  	vm0 =	vmmov @p0 vm0;
	s1 =	smov.u32 @p1 s0;
	[tilespmem:s17+$0x10A00] =	vst.msk @p1 vm1, v7;
	v7 =	vpsel p0, v8, v0;
	s0 =	smov.u32 @p0 s15  }
0x316: {  	vm14 =	vmmov vm5;
	v8 =	vpsel p0, v15, v0;
	[tilespmem:s1+$0xE980] =	vst.msk @p0 vm0, v7;
	s0 =	sadd.s32 @p0 s1, s0  }
0x317: {  	vm15 =	vmmov vm14;
	[tilespmem:s1+$0x10A00] =	vst.msk @p0 vm0, v8;
	s28 =	smov.u32 @p0 s0  }
0x318: {  	[tilespmem:s28+$0xE980] =	vst.msk vm15, v6;
	s31 =	spop (v2sf)  }
0x319: {  	[tilespmem:s28+$0x10A00] =	vst.msk vm15, v63;
	s1 =	sadd.s32 s28, s31  }
.LBB2_90:
0x31a: {  	s0 =	sadd.s32 $0xF, s1  }
0x31b: {  	s15 =	sand.u32 $0xF, s0;
	s30 =	sshra.s32 s0, $0x1F  }
0x31c: {  	p1 =	slt.s32 s0, $0x1;
	p0 =	sne.s32 s15, $0x0;
	s15 =	sshrl.u32 s30, $0x1C  }
0x31d: {  	p0 =	por !p1, !p0;
	s0 =	sadd.s32 s15, s0  }
.Ltmp55:
0x31e: {  	s15 =	simm.s32 $0x1;
	p0 =	por !p0, !p0;
	(pc) =	sbr.rel .LBB2_91-.Ltmp55, $4  }
0x31f: {  	s0 =	sshrl.u32 s0, $0x4;
	s15 =	simm.s32 @!p0 $0x0  }
0x320: {  	s31 =	sshll.u32 s21, $0x15;
	s17 =	sshll.u32 s26, $0xE;
	s0 =	ssub.s32 s0, s15  }
0x321: {  	s17 =	ssub.s32 s24, s17;
	s15 =	ssub.s32 $0x81E00000, s31;
	s21 =	sshll.u32 s0, $0x4  }
0x322: {  	s23 =	ssub.s32 s23, s25;
	[tilespmem:s1+$0xE980] =	vst v4;
	s0 =	sor.u32 s15, s17;
	p0 =	slt.s32 s21, $0x1  }
.LBB2_92:
0x323: {  	v6 =	vimm.s32 $0x0  }
.LBB2_93:
0x324: {  	(xrf0) =	vadd.scan.msk.s32 $0xffff, v6;
	_ =	sdelay $0x5  }
0x325: {  	v6, _, _ =	vpop (xrf0)  }
0x326: {  	(v2sf) =	vpush v6, $0xF;
	_ =	sdelay $0xe  }
0x327: {  	s15 =	spop (v2sf)  }
0x328: {  	s22 =	sadd.s32 $0x1, s22;
	p1 =	slt.s32 s15, s23  }
0x329: {  	s1 =	smov.u32 @p1 s0;
	p1 =	seq.s32 s22, $0xE  }
.Ltmp56:
0x32a: {  	_ = 	snop;
	(pc) =	sbr.rel @p1 .LBB2_94-.Ltmp56, $2  }
0x32b: {  	_ =	sdelay $0x2  }
0x32c: {  	s0 =	smov.u32 s1  }
.LBB2_91:
.Ltmp57:
0x32d: {  	(pc) =	sbr.rel @p0 .LBB2_92-.Ltmp57, $3  }
0x32e: {  	_ =	sdelay $0x1  }
0x32f: {  	s1 =	sshrl.u32 s10, s22  }
0x330: {  	s1 =	sor.u32 s1, s0  }
0x331: {  	p2 =	sgt.s32 s21, $0x10  }
.Ltmp58:
0x332: {  	_ = 	snop;
	(pc) =	sbr.rel @!p2 .LBB2_104-.Ltmp58, $3  }
0x333: {  	_ =	sdelay $0x1  }
0x334: {  	s15 =	simm.s32 $0xE980  }
0x335: {  	v7 =	vmov s1;
	v6 =	vimm.s32 $0x0;
	p1 =	por $0x0, $0x0;
	v8 =	vld [tilespmem:s15+$0x0]  }
0x336: {  	p2 =	sgt.s32 s21, $0x20  }
.Ltmp59:
0x337: {  	_ = 	snop;
	(pc) =	sbr.rel @!p2 .LBB2_106-.Ltmp59, $3  }
0x338: {  	_ =	sdelay $0x1  }
0x339: {  	s15 =	simm.s32 $0xE990;
	vm0 =	vge.s32 v8, v7  }
0x33a: {  	s17 =	simm.s32 $0x20;
	p1 =	por $0x1, $0x1;
	v9 =	vimm.s32 $0x0;
	v8 =	vld [tilespmem:s15+$0x0];
	v10 =	vsel vm0, $0x1, v1  }
.LBB2_107:
0x33b: {  	s17 =	sadd.s32 $0x10, s17  }
0x33c: {  	v9 =	vadd.s32 v10, v9;
	p2 =	slt.s32 s17, s21  }
.Ltmp60:
0x33d: {  	(pc) =	sbr.rel @p2 .LBB2_107-.Ltmp60, $3  }
0x33e: {  	_ =	sdelay $0x1  }
0x33f: {  	s15 =	sadd.s32 $0x10, s15;
	vm0 =	vge.s32 v8, v7  }
0x340: {  	v8 =	vld [tilespmem:s15+$0x0];
	v10 =	vsel vm0, $0x1, v1  }
.LBB2_108:
0x341: {  	_ =	sdelay $0x1  }
.Ltmp61:
0x342: {  	_ = 	snop;
	(pc) =	sbr.rel .LBB2_93-.Ltmp61, $4  }
0x343: {  	_ = 	snop  }
0x344: {  	v9 =	vadd.s32 @p1 v10, v9;
	vm0 =	vge.s32 v8, v7  }
0x345: {  	v6 =	vpsel p1, v9, v6;
	v7 =	vsel vm0, $0x1, v1  }
0x346: {  	v6 =	vadd.s32 v7, v6  }
.LBB2_104:
.Ltmp62:
0x347: {  	(pc) =	sbr.rel .LBB2_108-.Ltmp62, $2  }
0x348: {  	_ =	sdelay $0x2  }
0x349: {  	v9 =	vimm.s32 $0x0  }
.LBB2_106:
.Ltmp63:
0x34a: {  	(pc) =	sbr.rel .LBB2_108-.Ltmp63, $2  }
0x34b: {  	_ =	sdelay $0x2  }
0x34c: {  	v9 =	vimm.s32 $0x0  }
.LBB2_94:
.Ltmp64:
0x34d: {  	(pc) =	sbr.rel @p0 .LBB2_95-.Ltmp64, $2  }
0x34e: {  	_ =	sdelay $0x2  }
0x34f: {  	v6 =	vmov s1;
	v7 =	vimm.s32 $0x0  }
0x350: {  	p2 =	sgt.s32 s21, $0x10  }
.Ltmp65:
0x351: {  	_ = 	snop;
	(pc) =	sbr.rel @!p2 .LBB2_110-.Ltmp65, $3  }
0x352: {  	_ =	sdelay $0x1  }
0x353: {  	s0 =	simm.s32 $0xE980  }
0x354: {  	p1 =	por $0x0, $0x0;
	v8 =	vld [tilespmem:s0+$0x0]  }
0x355: {  	p2 =	sgt.s32 s21, $0x20  }
.Ltmp66:
0x356: {  	_ = 	snop;
	(pc) =	sbr.rel @!p2 .LBB2_112-.Ltmp66, $3  }
0x357: {  	_ =	sdelay $0x1  }
0x358: {  	s0 =	simm.s32 $0xE990;
	vm0 =	vgt.s32 v8, v6  }
0x359: {  	s1 =	simm.s32 $0x20;
	p1 =	por $0x1, $0x1;
	v9 =	vimm.s32 $0x0;
	v8 =	vld [tilespmem:s0+$0x0];
	v10 =	vsel vm0, $0x1, v1  }
.LBB2_113:
0x35a: {  	s1 =	sadd.s32 $0x10, s1  }
0x35b: {  	v9 =	vadd.s32 v10, v9;
	p2 =	slt.s32 s1, s21  }
.Ltmp67:
0x35c: {  	(pc) =	sbr.rel @p2 .LBB2_113-.Ltmp67, $3  }
0x35d: {  	_ =	sdelay $0x1  }
0x35e: {  	s0 =	sadd.s32 $0x10, s0;
	vm0 =	vgt.s32 v8, v6  }
0x35f: {  	v8 =	vld [tilespmem:s0+$0x0];
	v10 =	vsel vm0, $0x1, v1  }
.LBB2_114:
0x360: {  	_ =	sdelay $0x3  }
0x361: {  	v9 =	vadd.s32 @p1 v10, v9;
	vm0 =	vgt.s32 v8, v6  }
0x362: {  	v7 =	vpsel p1, v9, v7;
	v8 =	vsel vm0, $0x1, v1  }
0x363: {  	v7 =	vadd.s32 v8, v7  }
.LBB2_95:
0x364: {  	(xrf0) =	vadd.scan.msk.s32 $0xffff, v7;
	_ =	sdelay $0x5  }
0x365: {  	v7, _, _ =	vpop (xrf0)  }
0x366: {  	(v2sf) =	vpush v7, $0xF;
	_ =	sdelay $0xb  }
.Ltmp68:
0x367: {  	_ = 	snop;
	(pc) =	sbr.rel .LBB2_96-.Ltmp68, $3  }
0x368: {  	_ =	sdelay $0x1  }
0x369: {  	s0 =	spop (v2sf)  }
0x36a: {  	s22 =	simm.s32 $0x0;
	s1 =	ssub.s32 s23, s0;
	s0 =	simm.s32 $0x0  }
.LBB2_97:
0x36b: {  	v7 =	vimm.s32 $0x0  }
.LBB2_98:
0x36c: {  	(xrf0) =	vadd.scan.msk.s32 $0xffff, v7;
	_ =	sdelay $0x5  }
0x36d: {  	v7, _, _ =	vpop (xrf0)  }
0x36e: {  	(v2sf) =	vpush v7, $0xF;
	_ =	sdelay $0xa  }
0x36f: {  	s22 =	sadd.s32 $0x1, s22  }
0x370: {  	p2 =	seq.s32 s22, $0xD  }
.Ltmp69:
0x371: {  	_ = 	snop;
	(pc) =	sbr.rel @p2 .LBB2_99-.Ltmp69, $4  }
0x372: {  	_ = 	snop  }
0x373: {  	s15 =	spop (v2sf)  }
0x374: {  	p1 =	slt.s32 s15, s1  }
0x375: {  	s0 =	smov.u32 @p1 s23  }
.LBB2_96:
.Ltmp70:
0x376: {  	(pc) =	sbr.rel @p0 .LBB2_97-.Ltmp70, $3  }
0x377: {  	_ =	sdelay $0x1  }
0x378: {  	s15 =	sshrl.u32 s14, s22  }
0x379: {  	s23 =	sadd.s32 s15, s0  }
0x37a: {  	p2 =	sgt.s32 s21, $0x10  }
.Ltmp71:
0x37b: {  	_ = 	snop;
	(pc) =	sbr.rel @!p2 .LBB2_116-.Ltmp71, $4  }
0x37c: {  	_ = 	snop  }
0x37d: {  	s17 =	simm.s32 $0xE980  }
0x37e: {  	s15 =	simm.s32 $0x10A00;
	v11 =	vld [tilespmem:s17+$0x0]  }
0x37f: {  	v8 =	vmov s23;
	v7 =	vimm.s32 $0x0;
	p1 =	por $0x0, $0x0;
	v9 =	vld [tilespmem:s15+$0x0]  }
0x380: {  	_ = 	snop  }
0x381: {  	p2 =	sgt.s32 s21, $0x20  }
.Ltmp72:
0x382: {  	_ = 	snop;
	(pc) =	sbr.rel @!p2 .LBB2_118-.Ltmp72, $4  }
0x383: {  	_ = 	snop  }
0x384: {  	s15 =	simm.s32 $0xE990;
	vm0 =	veq.s32 v11, v6;
	vm1 =	vlt.s32 v9, v8  }
0x385: {  	s17 =	simm.s32 $0x10A10;
	v11 =	vld [tilespmem:s15+$0x0];
	vm0 =	vmand vm0, vm1  }
0x386: {  	s24 =	simm.s32 $0x20;
	p1 =	por $0x1, $0x1;
	v10 =	vimm.s32 $0x0;
	v9 =	vld [tilespmem:s17+$0x0];
	v12 =	vsel vm0, $0x1, v1  }
.LBB2_119:
0x387: {  	s24 =	sadd.s32 $0x10, s24  }
0x388: {  	v10 =	vadd.s32 v12, v10;
	p2 =	slt.s32 s24, s21  }
.Ltmp73:
0x389: {  	(pc) =	sbr.rel @p2 .LBB2_119-.Ltmp73, $4  }
0x38a: {  	s15 =	sadd.s32 $0x10, s15  }
0x38b: {  	s17 =	sadd.s32 $0x10, s17;
	vm0 =	veq.s32 v11, v6;
	v11 =	vld [tilespmem:s15+$0x0];
	vm1 =	vlt.s32 v9, v8  }
0x38c: {  	v9 =	vld [tilespmem:s17+$0x0];
	vm0 =	vmand vm0, vm1  }
0x38d: {  	v12 =	vsel vm0, $0x1, v1  }
.LBB2_120:
0x38e: {  	_ =	sdelay $0x1  }
.Ltmp74:
0x38f: {  	_ = 	snop;
	(pc) =	sbr.rel .LBB2_98-.Ltmp74, $4  }
0x390: {  	vm0 =	veq.s32 v11, v6;
	vm1 =	vlt.s32 v9, v8  }
0x391: {  	v8 =	vadd.s32 @p1 v12, v10;
	vm0 =	vmand vm0, vm1  }
0x392: {  	v7 =	vpsel p1, v8, v7;
	v63 =	vsel vm0, $0x1, v1  }
0x393: {  	v7 =	vadd.s32 v63, v7  }
.LBB2_116:
.Ltmp75:
0x394: {  	(pc) =	sbr.rel .LBB2_120-.Ltmp75, $2  }
0x395: {  	_ =	sdelay $0x2  }
0x396: {  	v10 =	vimm.s32 $0x0  }
.LBB2_118:
.Ltmp76:
0x397: {  	(pc) =	sbr.rel .LBB2_120-.Ltmp76, $2  }
0x398: {  	_ =	sdelay $0x2  }
0x399: {  	v10 =	vimm.s32 $0x0  }
.LBB2_99:
0x39a: {  	s26 =	simm.s32 $0x4040  }
0x39b: {  	v7 =	vmov s0;
	s1 =	simm.s32 $0x0;
	s15 =	simm.s32 $0x60;
	s17 =	simm.s32 $0x70;
	v8 =	vld [tilespmem:s26+$0xFFFFFFD0]  }
0x39c: {  	s22 =	simm.s32 $0x50;
	s29 =	simm.s32 $0x40;
	s30 =	simm.s32 $0x20;
	v9 =	vor.u32 s1, v0;
	v10 =	vld [tilespmem:s26+$0xFFFFFFE0];
	v11 =	vor.u32 s15, v0;
	v12 =	vor.u32 s17, v0  }
0x39d: {  	s28 =	simm.s32 $0x10;
	s31 =	simm.s32 $0x30;
	v13 =	vor.u32 s22, v0;
	v14 =	vld [tilespmem:s26+$0x30];
	v15 =	vor.u32 s30, v0;
	v16 =	vor.u32 s29, v0  }
0x39e: {  	v60 =	vor.u32 s31, v0;
	v61 =	vld [tilespmem:s26+$0xFFFFFFC0];
	vm1 =	vle.s32 v9, v7;
	v9 =	vor.u32 s28, v0  }
0x39f: {  	vm2 =	vle.s32 v11, v7;
	vm4 =	vle.s32 v15, v7;
	vm5 =	vle.s32 v13, v7;
	v11 =	vld [tilespmem:s26+$0x10]  }
0x3a0: {  	vm3 =	vle.s32 v16, v7;
	vm9 =	vle.s32 v12, v7;
	vm0 =	vle.s32 v9, v7;
	v9 =	vld [tilespmem:s26+$0x0]  }
0x3a1: {  	vm6 =	vgt.s32 v8, v6;
	vm7 =	veq.s32 v8, v6;
	vm12 =	vgt.s32 v10, v6  }
0x3a2: {  	vm8 =	veq.s32 v10, v6;
	vm13 =	veq.s32 v14, v6;
	vm10 =	vgt.s32 v14, v6  }
0x3a3: {  	v8 =	vld [tilespmem:s26+$0xFFFFFFF0];
	vm11 =	veq.s32 v61, v6;
	vm0 =	vmand vm0, vm7;
	vm4 =	vmand vm4, vm8  }
0x3a4: {  	v10 =	vld [tilespmem:s26+$0x20];
	vm8 =	vmand vm9, vm13;
	vm14 =	veq.s32 v11, v6;
	vm15 =	vgt.s32 v11, v6  }
0x3a5: {  	vm1 =	vmand vm1, vm11;
	vm0 =	vmor vm6, vm0;
	vm6 =	veq.s32 v9, v6  }
0x3a6: {  	vm8 =	vmor vm10, vm8;
	vm4 =	vmor vm12, vm4;
	vm5 =	vmand vm5, vm14  }
0x3a7: {  	vm14 =	vgt.s32 v9, v6;
	v62 =	vsel vm8, $0x3F800000, v5;
	v63 =	vsel vm4, $0x3F800000, v5  }
0x3a8: {  	vm4 =	vle.s32 v60, v7;
	vm5 =	vmor vm15, vm5;
	vm15 =	vgt.s32 v61, v6  }
0x3a9: {  	s21 =	simm.s32 $0x8040;
	vm3 =	vmand vm3, vm6;
	vm7 =	veq.s32 v8, v6;
	vm8 =	veq.s32 v10, v6  }
0x3aa: {  	[tilespmem:s21+$0x30] =	vst v62;
	vm12 =	vgt.s32 v8, v6;
	vm13 =	vgt.s32 v10, v6;
	vm4 =	vmand vm4, vm7  }
0x3ab: {  	[tilespmem:s21+$0xFFFFFFE0] =	vst v63;
	v8 =	vsel vm5, $0x3F800000, v5;
	vm2 =	vmand vm2, vm8;
	vm4 =	vmor vm12, vm4  }
0x3ac: {  	vm1 =	vmor vm15, vm1;
	[tilespmem:s21+$0x10] =	vst v8;
	vm2 =	vmor vm13, vm2;
	v9 =	vsel vm4, $0x3F800000, v5  }
0x3ad: {  	s23 =	simm.s32 $0x80C0;
	s1 =	simm.s32 $0x80;
	s22 =	simm.s32 $0x40C0;
	v8 =	vsel vm1, $0x3F800000, v5;
	vm1 =	vmor vm14, vm3;
	[tilespmem:s21+$0xFFFFFFF0] =	vst v9;
	v9 =	vsel vm2, $0x3F800000, v5  }
.LBB2_100:
0x3ae: {  	s15 =	sadd.s32 $0x40, s1  }
0x3af: {  	v10 =	vor.u32 s1, v0;
	v11 =	vld [tilespmem:s22+$0xFFFFFFD0];
	s0 =	sadd.s32 $0x60, s1;
	s17 =	sadd.s32 $0x70, s1;
	v12 =	vsel vm0, $0x3F800000, v5;
	[tilespmem:s21+$0x20] =	vst v9;
	s24 =	smov.u32 s1  }
0x3b0: {  	s25 =	sadd.s32 $0x10, s24;
	v9 =	vld [tilespmem:s22+$0xFFFFFFE0];
	s26 =	sadd.s32 $0x50, s24;
	v13 =	vor.u32 s0, v0;
	v14 =	vor.u32 s17, v0;
	s0 =	sadd.s32 $0x80, s1;
	[tilespmem:s21+$0xFFFFFFD0] =	vst v12;
	v12 =	vsel vm1, $0x3F800000, v5  }
0x3b1: {  	p0 =	slt.u32 s1, $0x1F80;
	vm1 =	vle.s32 v10, v7;
	s17 =	sadd.s32 $0x20, s24;
	v10 =	vor.u32 s25, v0;
	v15 =	vor.u32 s26, v0;
	v16 =	vld [tilespmem:s22+$0x30];
	[tilespmem:s21+$0x0] =	vst v12  }
0x3b2: {  	v17 =	vor.u32 s15, v0;
	v12 =	vor.u32 s17, v0;
	vm2 =	vle.s32 v13, v7;
	v18 =	vld [tilespmem:s22+$0x10];
	[tilespmem:s21+$0xFFFFFFC0] =	vst v8;
	s21 =	smov.u32 s23  }
0x3b3: {  	vm0 =	vle.s32 v10, v7;
	vm5 =	vle.s32 v12, v7;
	vm4 =	vle.s32 v15, v7;
	v8 =	vld [tilespmem:s22+$0x0]  }
0x3b4: {  	vm3 =	vle.s32 v17, v7;
	vm6 =	vgt.s32 v11, v6;
	vm7 =	veq.s32 v11, v6;
	v10 =	vld [tilespmem:s22+$0xFFFFFFF0]  }
0x3b5: {  	vm0 =	vmand vm0, vm7;
	vm7 =	vgt.s32 v9, v6;
	vm8 =	veq.s32 v9, v6;
	v9 =	vld [tilespmem:s22+$0x20]  }
0x3b6: {  	s1 =	sadd.s32 $0x30, s24;
	vm9 =	vle.s32 v14, v7;
	vm8 =	vmand vm5, vm8;
	vm5 =	veq.s32 v16, v6  }
0x3b7: {  	v11 =	vor.u32 s1, v0;
	vm10 =	vgt.s32 v16, v6;
	vm9 =	vmand vm9, vm5  }
0x3b8: {  	vm0 =	vmor vm6, vm0;
	v12 =	vld [tilespmem:s22+$0xFFFFFFC0];
	vm5 =	veq.s32 v8, v6;
	vm6 =	vmor vm10, vm9  }
0x3b9: {  	vm7 =	vmor vm7, vm8;
	vm8 =	veq.s32 v10, v6;
	v13 =	vsel vm6, $0x3F800000, v5  }
0x3ba: {  	v14 =	vsel vm7, $0x3F800000, v5;
	vm7 =	veq.s32 v18, v6;
	vm6 =	vle.s32 v11, v7;
	[tilespmem:s23+$0x30] =	vst v13  }
0x3bb: {  	vm9 =	vgt.s32 v18, v6;
	vm4 =	vmand vm4, vm7;
	vm7 =	veq.s32 v9, v6;
	[tilespmem:s23+$0xFFFFFFE0] =	vst v14  }
0x3bc: {  	vm10 =	vgt.s32 v10, v6;
	vm4 =	vmor vm9, vm4;
	vm9 =	vgt.s32 v9, v6  }
.Ltmp77:
0x3bd: {  	vm6 =	vmand vm6, vm8;
	v9 =	vsel vm4, $0x3F800000, v5;
	vm11 =	veq.s32 v12, v6;
	(pc) =	sbr.rel @p0 .LBB2_100-.Ltmp77, $4  }
0x3be: {  	vm4 =	vmor vm10, vm6;
	vm6 =	vgt.s32 v8, v6;
	vm1 =	vmand vm1, vm11;
	[tilespmem:s23+$0x10] =	vst v9  }
0x3bf: {  	vm2 =	vmand vm2, vm7;
	v8 =	vsel vm4, $0x3F800000, v5;
	vm8 =	vgt.s32 v12, v6  }
0x3c0: {  	vm3 =	vmand vm3, vm5;
	vm2 =	vmor vm9, vm2;
	vm1 =	vmor vm8, vm1;
	[tilespmem:s23+$0xFFFFFFF0] =	vst v8  }
0x3c1: {  	s1 =	smov.u32 s0;
	s22 =	sadd.s32 $0x80, s22;
	v9 =	vsel vm2, $0x3F800000, v5;
	v8 =	vsel vm1, $0x3F800000, v5;
	vm1 =	vmor vm6, vm3;
	s23 =	sadd.s32 $0x80, s23  }
0x3c2: {  	[tilespmem:s21+$0x20] =	vst v9  }
0x3c3: {  	v6 =	vsel vm0, $0x3F800000, v5;
	[tilespmem:s21+$0xFFFFFFC0] =	vst v8  }
0x3c4: {  	[tilespmem:s21+$0xFFFFFFD0] =	vst v6;
	v6 =	vsel vm1, $0x3F800000, v5  }
0x3c5: {  	s0 =	simm.s32 $0x8000;
	s20 =	sadd.s32 $0x1, s20;
	[tilespmem:s21+$0x0] =	vst v6  }
0x3c6: {  	[hbm4b:s6+s8] =	stream.strided.scatter [tilespmem:s0], [sflag:$0x4], $0x2000, s9, s8, $0x38;
	[tilespmem:$0x12A80] =	vst v63  }
0x3c7: {  	p0 =	sne.s32 s20, s7;
	_ =	swait.ge [sflag:s18], $0x2000  }
.Ltmp78:
0x3c8: {  	[sflag:s18] =	ssyncset.done $0x0;
	(pc) =	sbr.rel @p0 .LBB2_1-.Ltmp78, $4  }
.Ltmp79:
0x3c9: {  	[sflag:s18] =	ssyncadd.s32 $0xFFFFE000;
	(pc) =	sbr.rel @!p0 .LBB2_102-.Ltmp79, $4  }
0x3ca: {  	_ =	swait.ge [sflag:s19], $0x2000  }
0x3cb: {  	[sflag:s19] =	ssyncset.done $0x0  }
0x3cc: {  	[sflag:s19] =	ssyncadd.s32 $0xFFFFE000  }
0x3cd: {  	_ = 	snop  }
.LBB2_11:
.Ltmp80:
0x3ce: {  	(pc) =	sbr.rel .LBB2_14-.Ltmp80, $2  }
0x3cf: {  	_ =	sdelay $0x2  }
0x3d0: {  	_ = 	snop  }
.LBB2_19:
.Ltmp81:
0x3d1: {  	_ = 	snop;
	(pc) =	sbr.rel .LBB2_30-.Ltmp81, $2  }
0x3d2: {  	_ =	sdelay $0x2  }
0x3d3: {  	s0 =	simm.s32 $0x0;
	s31 =	simm.s32 $0xC900;
	v6 =	vmov v8  }
.LBB2_60:
.Ltmp82:
0x3d4: {  	(pc) =	sbr.rel .LBB2_64-.Ltmp82, $2  }
0x3d5: {  	_ =	sdelay $0x2  }
0x3d6: {  	v9 =	vimm.s32 $0x0  }
.LBB2_52:
.Ltmp83:
0x3d7: {  	(pc) =	sbr.rel .LBB2_73-.Ltmp83, $2  }
0x3d8: {  	_ =	sdelay $0x2  }
0x3d9: {  	_ = 	snop  }
.LBB2_78:
.Ltmp84:
0x3da: {  	_ = 	snop;
	(pc) =	sbr.rel .LBB2_89-.Ltmp84, $2  }
0x3db: {  	_ =	sdelay $0x2  }
0x3dc: {  	s0 =	simm.s32 $0x0;
	s31 =	simm.s32 $0xC900;
	v6 =	vmov v8  }
.LBB2_110:
.Ltmp85:
0x3dd: {  	(pc) =	sbr.rel .LBB2_114-.Ltmp85, $2  }
0x3de: {  	_ =	sdelay $0x2  }
0x3df: {  	v9 =	vimm.s32 $0x0  }
.LBB2_21:
.Ltmp86:
0x3e0: {  	_ = 	snop;
	(pc) =	sbr.rel .LBB2_30-.Ltmp86, $2  }
0x3e1: {  	_ =	sdelay $0x2  }
0x3e2: {  	v13 =	vmov v8;
	s0 =	simm.s32 $0x0;
	s31 =	simm.s32 $0xC900;
	v6 =	vmov v9  }
.LBB2_62:
.Ltmp87:
0x3e3: {  	(pc) =	sbr.rel .LBB2_64-.Ltmp87, $2  }
0x3e4: {  	_ =	sdelay $0x2  }
0x3e5: {  	v9 =	vimm.s32 $0x0  }
.LBB2_80:
.Ltmp88:
0x3e6: {  	_ = 	snop;
	(pc) =	sbr.rel .LBB2_89-.Ltmp88, $2  }
0x3e7: {  	_ =	sdelay $0x2  }
0x3e8: {  	v13 =	vmov v8;
	s0 =	simm.s32 $0x0;
	s31 =	simm.s32 $0xC900;
	v6 =	vmov v9  }
.LBB2_112:
.Ltmp89:
0x3e9: {  	(pc) =	sbr.rel .LBB2_114-.Ltmp89, $2  }
0x3ea: {  	_ =	sdelay $0x2  }
0x3eb: {  	v9 =	vimm.s32 $0x0  }
.LBB2_23:
.Ltmp90:
0x3ec: {  	(pc) =	sbr.rel .LBB2_30-.Ltmp90, $2  }
0x3ed: {  	_ =	sdelay $0x2  }
0x3ee: {  	v14 =	vmov v8;
	v13 =	vmov v9;
	s0 =	simm.s32 $0x0;
	s31 =	simm.s32 $0xC900  }
.LBB2_82:
.Ltmp91:
0x3ef: {  	(pc) =	sbr.rel .LBB2_89-.Ltmp91, $2  }
0x3f0: {  	_ =	sdelay $0x2  }
0x3f1: {  	v14 =	vmov v8;
	v13 =	vmov v9;
	s0 =	simm.s32 $0x0;
	s31 =	simm.s32 $0xC900  }
.LBB2_25:
.Ltmp92:
0x3f2: {  	_ = 	snop;
	(pc) =	sbr.rel .LBB2_30-.Ltmp92, $3  }
0x3f3: {  	_ =	sdelay $0x1  }
0x3f4: {  	v13 =	vmov v6;
	v12 =	vmov v8  }
0x3f5: {  	s0 =	simm.s32 $0x0;
	vm4 =	vmmov vm1;
	s31 =	simm.s32 $0xC900;
	v14 =	vmovc v9;
	vm2 =	vmmov vm3;
	v6 =	vmovc v15;
	v11 =	vmov v10  }
.LBB2_84:
.Ltmp93:
0x3f6: {  	_ = 	snop;
	(pc) =	sbr.rel .LBB2_89-.Ltmp93, $3  }
0x3f7: {  	_ =	sdelay $0x1  }
0x3f8: {  	v13 =	vmov v6;
	v12 =	vmov v8  }
0x3f9: {  	s0 =	simm.s32 $0x0;
	vm4 =	vmmov vm1;
	s31 =	simm.s32 $0xC900;
	v14 =	vmovc v9;
	vm2 =	vmmov vm3;
	v6 =	vmovc v15;
	v11 =	vmov v10  }
.LBB2_27:
.Ltmp94:
0x3fa: {  	(pc) =	sbr.rel .LBB2_30-.Ltmp94, $2  }
0x3fb: {  	_ =	sdelay $0x2  }
0x3fc: {  	v14 =	vmovc v6;
	s0 =	simm.s32 $0x0;
	v12 =	vmov v9;
	v13 =	vmov v15;
	v6 =	vmov v16  }
.LBB2_86:
.Ltmp95:
0x3fd: {  	(pc) =	sbr.rel .LBB2_89-.Ltmp95, $2  }
0x3fe: {  	_ =	sdelay $0x2  }
0x3ff: {  	v14 =	vmovc v6;
	s0 =	simm.s32 $0x0;
	v12 =	vmov v9;
	v13 =	vmov v15;
	v6 =	vmov v16  }
.LBB2_102:
0x400: {  	_ =	sfence.sel $0x180000  }
0x401: {  	[bflag:$0x0] =	sbarrier.arrive $0xFFFF  }
0x402: {  	_ =	strace $0x90000047  }
0x403: {  	s0 =	stileid.u32;
	[bflag:$0x2] =	sbarrier.arrive $0xFFFF  }
0x404: {  	p0 =	sne.s32 s0, $0x0;
	s0 =	rddreg [dreg:$0x2]  }
0x405: {  	s0 =	sadd.s32 @!p0 $0x100000, s0  }
0x406: {  	[sflag:s0] =	ssyncadd.tile.s32 @!p0 $0x1;
	_ =	shalt  }
.Lfunc_end2:
_tile_overlayer_lowered:
.L_overlay_start_2:
0x407: {  	(tag) =	ssettag $0x2  }
0x408: {  	s0 =	rddreg [dreg:$0x0];
	s2 =	stileid.u32  }
0x409: {  	s1 =	rddreg [dreg:$0x1];
	p0 =	sne.s32 s2, $0x0  }
0x40a: {  	s3 =	rddreg [dreg:$0x2];
	[bflag:$0x3] =	sbarrier.arrive $0xFFFF;
	s2 =	simm.s32 @!p0 $0x1C05  }
0x40b: {  	[timem:s3], [sflag:s2] =	dma.local @!p0 [hbm:s0], s1  }
0x40c: {  	s0 =	simm.s32 @!p0 $0x5  }
0x40d: {  	_ =	swait.ge @!p0 [sflag:s0], s1  }
0x40e: {  	s1 =	ssub.s32 @!p0 $0x0, s1;
	[sflag:s0] =	ssyncset.done @!p0 $0x0  }
0x40f: {  	[sflag:s0] =	ssyncadd.s32 @!p0 s1  }
0x410: {  	[bflag:$0x3] =	sbarrier.arrive $0xFFFF  }
0x411: {  	_ =	shalt  }

</sc_bundles>
